<compile_context>
chip_gen: v7x
topology: tpu7x:2x2x1
jax: 0.10.2.dev20260603
libtpu: 0.0.44.dev20260713+nightly
codegen_flags: <defaults>
</compile_context>

<pallas_src>
import functools

import jax
import jax.numpy as jnp
from jax import lax
from jax.experimental import pallas as pl
from jax.experimental.pallas import tpu as pltpu
from jax.experimental.pallas import tpu_sc as plsc

_B, _HIS, _N, _S, _IN_DIM, _HID = 16, 13, 512, 3, 2, 128
_SN = _S * _N
_CKPTS = [3, 5, 7, 9, 11, 13]
_BPAIR = 2
_EPS = 1e-5

_NW = 32
_ROWS = _SN // _NW
_NCHUNK = 4


def _densify(dst_f, src_f, w_f, dst_b, src_b, w_b):
    e_fwd = dst_f.shape[0]
    e_bwd = dst_b.shape[0]
    cmax = max(e_fwd, e_bwd) // _NCHUNK
    mesh = plsc.VectorSubcoreMesh(core_axis_name="c", subcore_axis_name="s")
    zeros_band = jnp.zeros((_ROWS * _SN,), jnp.float32)

    @functools.partial(
        pl.kernel,
        mesh=mesh,
        compiler_params=pltpu.CompilerParams(needs_layout_passes=False),
        out_type=(jax.ShapeDtypeStruct((_SN * _SN,), jnp.float32),
                  jax.ShapeDtypeStruct((_SN * _SN,), jnp.float32)),
        scratch_types=[
            pltpu.VMEM((_ROWS * _SN,), jnp.float32),
            pltpu.VMEM((cmax,), jnp.int32),
            pltpu.VMEM((cmax,), jnp.int32),
            pltpu.VMEM((cmax,), jnp.float32),
        ],
    )
    def dens(zeros_h, dstf_h, srcf_h, wf_h, dstb_h, srcb_h, wb_h, af_h, ab_h,
             acc, dbuf, sbuf, wbuf):
        wid = lax.axis_index("s") * 2 + lax.axis_index("c")
        base = wid * _ROWS

        def run_phase(n_edges, dst_h, src_h, w_h, out_h):
            pltpu.sync_copy(zeros_h, acc)
            chunk = n_edges // _NCHUNK
            lanes = lax.iota(jnp.int32, 16)

            def chunk_body(k, carry):
                off = k * chunk
                pltpu.sync_copy(dst_h.at[pl.ds(off, chunk)], dbuf.at[pl.ds(0, chunk)])
                pltpu.sync_copy(src_h.at[pl.ds(off, chunk)], sbuf.at[pl.ds(0, chunk)])
                pltpu.sync_copy(w_h.at[pl.ds(off, chunk)], wbuf.at[pl.ds(0, chunk)])

                def one_vec(off16):
                    d = dbuf[pl.ds(off16, 16)]
                    m = (d >= base) & (d < base + _ROWS)

                    @pl.when(jnp.any(m))
                    def _():
                        s = sbuf[pl.ds(off16, 16)]
                        w = wbuf[pl.ds(off16, 16)]
                        flat = jnp.where(m, (d - base) * _SN + s, 0)
                        cnt = jnp.sum(m.astype(jnp.int32))

                        @pl.when(cnt == 1)
                        def _():
                            plsc.addupdate_scatter(
                                acc.at[pl.ds(0, _ROWS * _SN)], [flat], w,
                                mask=m)

                        @pl.when(cnt > 1)
                        def _():
                            for l in range(16):
                                plsc.addupdate_scatter(
                                    acc.at[pl.ds(0, _ROWS * _SN)], [flat], w,
                                    mask=m & (lanes == l))

                def vec_body(i, carry2):
                    for u in range(4):
                        one_vec(i * 64 + u * 16)
                    return carry2
                lax.fori_loop(0, chunk // 64, vec_body, carry)
                return carry
            lax.fori_loop(0, _NCHUNK, chunk_body, 0)
            pltpu.sync_copy(acc, out_h.at[pl.ds(base * _SN, _ROWS * _SN)])

        run_phase(e_fwd, dstf_h, srcf_h, wf_h, af_h)
        run_phase(e_bwd, dstb_h, srcb_h, wb_h, ab_h)

    return dens(zeros_band, dst_f, src_f, w_f, dst_b, src_b, w_b)


def _dot(a, b):
    return jnp.dot(a, b, preferred_element_type=jnp.float32)


def _fused_body(x0_ref, xs_ref, win_ref, bin_ref, af_ref, ab_ref,
                wra_ref, wrp_ref, bra_ref, brp_ref, wga_ref, wgp_ref,
                out_a_ref, out_p_ref, st_a, st_p, stats, sums):
    c = pl.program_id(0)
    b = pl.program_id(1)
    m_count = float(_B * _N * _HID)
    n_rounds = len(_CKPTS)

    @pl.when((b == 0) & (c == 0))
    def _():
        for si in range(2):
            stats[si, 0] = 0.0
            stats[si, 1] = 1.0
            sums[si, 0] = 0.0
            sums[si, 1] = 0.0

    @pl.when((b == 0) & (c > 0))
    def _():
        for si in range(2):
            mu = sums[si, 0] / m_count
            var = sums[si, 1] / m_count - mu * mu
            stats[si, 0] = mu
            stats[si, 1] = lax.rsqrt(var + _EPS)
            sums[si, 0] = 0.0
            sums[si, 1] = 0.0

    @pl.when(c < n_rounds)
    def _():
        for u in range(_BPAIR):
            bb = b * _BPAIR + u
            xsb = _dot(xs_ref[u, 0], win_ref[...]) + bin_ref[...]
            x0b = _dot(x0_ref[u], win_ref[...]) + bin_ref[...]
            sf_sh = _dot(af_ref[:, _N:], xsb)
            sb_sh = _dot(ab_ref[:, _N:], xsb)
            streams = ((0, st_a, wra_ref, bra_ref, wga_ref),
                       (1, st_p, wrp_ref, brp_ref, wgp_ref))
            for si, st, wr_ref, br_ref, wg_ref in streams:
                prev = jnp.where(c == 0, x0b,
                                 (st[bb] - stats[si, 0]) * stats[si, 1])
                pf = _dot(af_ref[:, :_N], prev) + sf_sh
                pb = _dot(ab_ref[:, :_N], prev) + sb_sh
                h1 = jnp.maximum(_dot(pf, wg_ref[0, 0]) + _dot(pb, wg_ref[0, 1]), 0.0)
                pf2 = _dot(af_ref[...], h1)
                pb2 = _dot(ab_ref[...], h1)
                h2 = jnp.maximum(_dot(pf2, wg_ref[1, 0]) + _dot(pb2, wg_ref[1, 1]), 0.0)
                gcn = h2[:_N] + h2[_N:2 * _N] + h2[2 * _N:]
                res = _dot(wr_ref[:, :_N], prev) + _dot(wr_ref[:, _N:], xsb) + br_ref[...]
                o = gcn + res
                st[bb] = o
                sums[si, 0] += jnp.sum(o)
                sums[si, 1] += jnp.sum(o * o)

    @pl.when(c == n_rounds)
    def _():
        for u in range(_BPAIR):
            bb = b * _BPAIR + u
            out_a_ref[u] = (st_a[bb] - stats[0, 0]) * stats[0, 1]
            out_p_ref[u] = (st_p[bb] - stats[1, 0]) * stats[1, 1]


def _fused(x0, xs_all, w_in, b_in, a_f, a_b, w_res_a, w_res_p,
           b_res_a, b_res_p, wg_a, wg_p):
    full = lambda *s: pl.BlockSpec(s, lambda c, b: (0,) * len(s))
    n_rounds = len(_CKPTS)
    nb = _B // _BPAIR
    return pl.pallas_call(
        _fused_body,
        grid=(n_rounds + 1, nb),
        in_specs=[pl.BlockSpec((_BPAIR, _N, _IN_DIM), lambda c, b: (b, 0, 0)),
                  pl.BlockSpec((_BPAIR, 1, 2 * _N, _IN_DIM),
                               lambda c, b: (b, jnp.minimum(c, n_rounds - 1), 0, 0)),
                  full(_IN_DIM, _HID), full(1, _HID),
                  full(_SN, _SN), full(_SN, _SN),
                  full(_N, _SN), full(_N, _SN),
                  full(_N, 1), full(_N, 1),
                  full(2, 2, _HID, _HID), full(2, 2, _HID, _HID)],
        out_specs=[pl.BlockSpec((_BPAIR, _N, _HID),
                                lambda c, b: (jnp.where(c == n_rounds, b, _B // _BPAIR), 0, 0)),
                   pl.BlockSpec((_BPAIR, _N, _HID),
                                lambda c, b: (jnp.where(c == n_rounds, b, _B // _BPAIR), 0, 0))],
        out_shape=[jax.ShapeDtypeStruct((_B + _BPAIR, _N, _HID), jnp.float32),
                   jax.ShapeDtypeStruct((_B + _BPAIR, _N, _HID), jnp.float32)],
        scratch_shapes=[pltpu.VMEM((_B, _N, _HID), jnp.float32),
                        pltpu.VMEM((_B, _N, _HID), jnp.float32),
                        pltpu.SMEM((2, 2), jnp.float32),
                        pltpu.SMEM((2, 2), jnp.float32)],
    )(x0, xs_all, w_in, b_in.reshape(1, _HID), a_f, a_b, w_res_a, w_res_p,
      b_res_a.reshape(_N, 1), b_res_p.reshape(_N, 1), wg_a, wg_p)


def kernel(inputs, edge_src_fwd, edge_dst_fwd, edge_w_fwd,
           edge_src_bwd, edge_dst_bwd, edge_w_bwd,
           W_in, b_in, W_res_adj, b_res_adj, W_res_pea, b_res_pea,
           W_gcn_adj, W_gcn_pea):
    a_f, a_b = _densify(edge_dst_fwd, edge_src_fwd, edge_w_fwd,
                        edge_dst_bwd, edge_src_bwd, edge_w_bwd)
    a_f = a_f.reshape(_SN, _SN)
    a_b = a_b.reshape(_SN, _SN)

    x0 = inputs[:, 0]
    xs_all = inputs[:, 1:].reshape(_B, len(_CKPTS), 2 * _N, _IN_DIM)
    out_a, out_p = _fused(x0, xs_all, W_in, b_in, a_f, a_b, W_res_adj,
                          W_res_pea, b_res_adj, b_res_pea, W_gcn_adj, W_gcn_pea)
    return out_a[:_B, None], out_p[:_B, None]

# --- scband reference (transcript-rebuilt; emitter-appended) ---
"""Pipeline reference for scband-model-16612933501119 (READ-ONLY COPY).

The authoritative reference and input builder live on the scoring server;
editing this copy changes nothing except your own understanding.
"""

import jax, jax.numpy as jnp
import numpy as np

B, HIS, N, S, IN_DIM, HID = 16, 13, 512, 3, 2, 128
SN = S * N
LAYERS = 2
E_FWD = 25600
E_BWD = 24576
CHECKPOINTS = [3, 5, 7, 9, 11, 13]


def setup_inputs(seed: int = 0) -> dict:
    key = jax.random.key(seed)
    ks = jax.random.split(key, 14)
    inp = {}
    inp["inputs"] = jax.random.normal(ks[0], (B, HIS, N, IN_DIM), dtype=jnp.float32)
    inp["edge_src_fwd"] = jax.random.randint(ks[1], (E_FWD,), 0, SN, dtype=jnp.int32)
    inp["edge_dst_fwd"] = jax.random.randint(ks[2], (E_FWD,), 0, SN, dtype=jnp.int32)
    inp["edge_w_fwd"] = jax.random.uniform(ks[3], (E_FWD,), dtype=jnp.float32)
    inp["edge_src_bwd"] = jax.random.randint(ks[4], (E_BWD,), 0, SN, dtype=jnp.int32)
    inp["edge_dst_bwd"] = jax.random.randint(ks[5], (E_BWD,), 0, SN, dtype=jnp.int32)
    inp["edge_w_bwd"] = jax.random.uniform(ks[6], (E_BWD,), dtype=jnp.float32)
    inp["W_in"] = jax.random.normal(ks[7], (IN_DIM, HID), dtype=jnp.float32) * 0.1
    inp["b_in"] = jnp.zeros((HID,), dtype=jnp.float32)
    inp["W_res_adj"] = jax.random.normal(ks[8], (N, SN), dtype=jnp.float32) * 0.02
    inp["b_res_adj"] = jnp.zeros((N,), dtype=jnp.float32)
    inp["W_res_pea"] = jax.random.normal(ks[9], (N, SN), dtype=jnp.float32) * 0.02
    inp["b_res_pea"] = jnp.zeros((N,), dtype=jnp.float32)
    inp["W_gcn_adj"] = jax.random.normal(ks[10], (LAYERS, 2, HID, HID), dtype=jnp.float32) * 0.05
    inp["W_gcn_pea"] = jax.random.normal(ks[11], (LAYERS, 2, HID, HID), dtype=jnp.float32) * 0.05
    return inp


def _propagate(h, src, dst, w):
    # h: [B, SN, HID]; gather messages at src, weight, scatter-add at dst
    m = h[:, src, :] * w[None, :, None]
    return jnp.zeros_like(h).at[:, dst, :].add(m)


def _gcn(h, src_f, dst_f, w_f, src_b, dst_b, w_b, Wg):
    # diffusion GCN over the combined snapshot graph with 2 supports (fwd/bwd)
    for l in range(LAYERS):
        hf = _propagate(h, src_f, dst_f, w_f) @ Wg[l, 0]
        hb = _propagate(h, src_b, dst_b, w_b) @ Wg[l, 1]
        h = jax.nn.relu(hf + hb)
    h = h.reshape(B, S, N, HID)
    return h.sum(axis=1)  # aggregate snapshots -> [B, N, HID]


def _layer_norm_all(x, eps=1e-5):
    # nn.LayerNorm([B, N, HID], elementwise_affine=False): normalize over full tensor
    mu = jnp.mean(x)
    var = jnp.var(x)
    return (x - mu) / jnp.sqrt(var + eps)


def _round_conv(feats, W_res, b_res, src_f, dst_f, w_f, src_b, dst_b, w_b, Wg):
    # feats: [B, S, N, HID]
    flat = feats.reshape(B, SN, HID)
    # Conv1d(in_channels=S*N, out_channels=N, kernel_size=1) over [B, S*N, HID]
    residual = jnp.einsum('bnh,mn->bmh', flat, W_res) + b_res[None, :, None]
    gcn_out = _gcn(flat, src_f, dst_f, w_f, src_b, dst_b, w_b, Wg)
    out = _layer_norm_all(gcn_out + residual)
    return out[:, None, :, :]  # unsqueeze(1) -> [B, 1, N, HID]


def reference(inputs, edge_src_fwd, edge_dst_fwd, edge_w_fwd, edge_src_bwd, edge_dst_bwd, edge_w_bwd,
              W_in, b_in, W_res_adj, b_res_adj, W_res_pea, b_res_pea, W_gcn_adj, W_gcn_pea):
    x = inputs @ W_in + b_in  # [B, HIS, N, HID]
    last_adj = None
    last_pea = None
    left = 0
    for idx, right in enumerate(CHECKPOINTS):
        sl = x[:, left:right, :, :]
        if idx == 0:
            a = sl
            p = sl
        else:
            a = jnp.concatenate([last_adj, sl], axis=1)
            p = jnp.concatenate([last_pea, sl], axis=1)
        last_adj = _round_conv(a, W_res_adj, b_res_adj,
                               edge_src_fwd, edge_dst_fwd, edge_w_fwd,
                               edge_src_bwd, edge_dst_bwd, edge_w_bwd, W_gcn_adj)
        last_pea = _round_conv(p, W_res_pea, b_res_pea,
                               edge_src_fwd, edge_dst_fwd, edge_w_fwd,
                               edge_src_bwd, edge_dst_bwd, edge_w_bwd, W_gcn_pea)
        left = right
    return last_adj, last_pea

if __name__ == "__main__":
    import jax
    _d = setup_inputs()
    print(jax.jit(kernel)(*tuple(_d.values())))

</pallas_src>

<mosaic_0001>
#map = affine_map<(d0, d1) -> (0)>
module attributes {stable_mosaic.version = 14 : i64} {
  func.func @dens(%arg0: i32, %arg1: i32, %arg2: memref<73728xf32, #tpu.memory_space<hbm>>, %arg3: memref<25600xi32, #tpu.memory_space<hbm>>, %arg4: memref<25600xi32, #tpu.memory_space<hbm>>, %arg5: memref<25600xf32, #tpu.memory_space<hbm>>, %arg6: memref<24576xi32, #tpu.memory_space<hbm>>, %arg7: memref<24576xi32, #tpu.memory_space<hbm>>, %arg8: memref<24576xf32, #tpu.memory_space<hbm>>, %arg9: memref<2359296xf32, #tpu.memory_space<hbm>>, %arg10: memref<2359296xf32, #tpu.memory_space<hbm>>, %arg11: memref<73728xf32, #tpu.memory_space<vmem>>, %arg12: memref<6400xi32, #tpu.memory_space<vmem>>, %arg13: memref<6400xi32, #tpu.memory_space<vmem>>, %arg14: memref<6400xf32, #tpu.memory_space<vmem>>) attributes {dimension_semantics = [#tpu.dimension_semantics<core_parallel>, #tpu.dimension_semantics<subcore_parallel>], iteration_bounds = array<i64: 2, 16>, scalar_prefetch = 0 : i64, scratch_operands = 4 : i64, tpu.core_type = #tpu.core_type<sc_vector_subcore>, window_params = [{transform_indices = #map}, {transform_indices = #map}, {transform_indices = #map}, {transform_indices = #map}, {transform_indices = #map}, {transform_indices = #map}, {transform_indices = #map}, {transform_indices = #map}, {transform_indices = #map}]} {
    %mul3A = arith.constant 2 : i32
    %mul3A_0 = arith.muli %arg1, %mul3A : i32
    %add3A = arith.addi %mul3A_0, %arg0 : i32
    %mul3A_1 = arith.constant 48 : i32
    %mul3A_2 = arith.muli %add3A, %mul3A_1 : i32
    "tpu.region"() ({
      %run_scoped3A = tpu.sem_alloc : memref<!tpu.dma_semaphore, #tpu.memory_space<semaphore_mem>>
      tpu.enqueue_dma source(%arg2 : memref<73728xf32, #tpu.memory_space<hbm>>) target(%arg11 : memref<73728xf32, #tpu.memory_space<vmem>>) target_semaphore(%run_scoped3A : memref<!tpu.dma_semaphore, #tpu.memory_space<semaphore_mem>>)
      tpu.wait_dma2 semaphore(%run_scoped3A : memref<!tpu.dma_semaphore, #tpu.memory_space<semaphore_mem>>) src(%arg2 : memref<73728xf32, #tpu.memory_space<hbm>>) dst(%arg11 : memref<73728xf32, #tpu.memory_space<vmem>>)
      tpu.yield
    }) : () -> ()
    %iota3A = tpu.iota {dimensions = array<i32: 0>} : vector<16xi32>
    %scan3A = arith.constant 0 : i32
    %scan3A_3 = arith.constant 0 : i32
    %scan3A_4 = arith.constant 4 : i32
    %scan3A_5 = arith.addi %scan3A_3, %scan3A_4 : i32
    %scan3A_6 = arith.constant 1 : i32
    scf.for %scan3A_19 = %scan3A_3 to %scan3A_5 step %scan3A_6  : i32 {
      %mul3A_20 = arith.constant 6400 : i32
      %mul3A_21 = arith.muli %scan3A_19, %mul3A_20 : i32
      "tpu.region"() ({
        %run_scoped3A = tpu.sem_alloc : memref<!tpu.dma_semaphore, #tpu.memory_space<semaphore_mem>>
        %dma_start3A = arith.constant 0 : i32
        %dma_start3A_27 = tpu.memref_slice %arg12[%dma_start3A] : memref<6400xi32, #tpu.memory_space<vmem>> -> memref<6400xi32, #tpu.memory_space<vmem>>
        %dma_start3A_28 = tpu.memref_slice %arg3[%mul3A_21] : memref<25600xi32, #tpu.memory_space<hbm>> -> memref<6400xi32, #tpu.memory_space<hbm>>
        %dma_start3A_29 = arith.constant 0 : i32
        %dma_start3A_30 = tpu.memref_slice %arg12[%dma_start3A_29] : memref<6400xi32, #tpu.memory_space<vmem>> -> memref<6400xi32, #tpu.memory_space<vmem>>
        %dma_start3A_31 = tpu.memref_slice %arg3[%mul3A_21] : memref<25600xi32, #tpu.memory_space<hbm>> -> memref<6400xi32, #tpu.memory_space<hbm>>
        tpu.enqueue_dma source(%dma_start3A_31 : memref<6400xi32, #tpu.memory_space<hbm>>) target(%dma_start3A_30 : memref<6400xi32, #tpu.memory_space<vmem>>) target_semaphore(%run_scoped3A : memref<!tpu.dma_semaphore, #tpu.memory_space<semaphore_mem>>)
        %dma_wait3A = arith.constant 0 : i32
        %dma_wait3A_32 = tpu.memref_slice %arg12[%dma_wait3A] : memref<6400xi32, #tpu.memory_space<vmem>> -> memref<6400xi32, #tpu.memory_space<vmem>>
        %dma_wait3A_33 = tpu.memref_slice %arg3[%mul3A_21] : memref<25600xi32, #tpu.memory_space<hbm>> -> memref<6400xi32, #tpu.memory_space<hbm>>
        %dma_wait3A_34 = arith.constant 0 : i32
        %dma_wait3A_35 = tpu.memref_slice %arg12[%dma_wait3A_34] : memref<6400xi32, #tpu.memory_space<vmem>> -> memref<6400xi32, #tpu.memory_space<vmem>>
        %dma_wait3A_36 = tpu.memref_slice %arg3[%mul3A_21] : memref<25600xi32, #tpu.memory_space<hbm>> -> memref<6400xi32, #tpu.memory_space<hbm>>
        tpu.wait_dma2 semaphore(%run_scoped3A : memref<!tpu.dma_semaphore, #tpu.memory_space<semaphore_mem>>) src(%dma_wait3A_36 : memref<6400xi32, #tpu.memory_space<hbm>>) dst(%dma_wait3A_35 : memref<6400xi32, #tpu.memory_space<vmem>>)
        tpu.yield
      }) : () -> ()
      "tpu.region"() ({
        %run_scoped3A = tpu.sem_alloc : memref<!tpu.dma_semaphore, #tpu.memory_space<semaphore_mem>>
        %dma_start3A = arith.constant 0 : i32
        %dma_start3A_27 = tpu.memref_slice %arg13[%dma_start3A] : memref<6400xi32, #tpu.memory_space<vmem>> -> memref<6400xi32, #tpu.memory_space<vmem>>
        %dma_start3A_28 = tpu.memref_slice %arg4[%mul3A_21] : memref<25600xi32, #tpu.memory_space<hbm>> -> memref<6400xi32, #tpu.memory_space<hbm>>
        %dma_start3A_29 = arith.constant 0 : i32
        %dma_start3A_30 = tpu.memref_slice %arg13[%dma_start3A_29] : memref<6400xi32, #tpu.memory_space<vmem>> -> memref<6400xi32, #tpu.memory_space<vmem>>
        %dma_start3A_31 = tpu.memref_slice %arg4[%mul3A_21] : memref<25600xi32, #tpu.memory_space<hbm>> -> memref<6400xi32, #tpu.memory_space<hbm>>
        tpu.enqueue_dma source(%dma_start3A_31 : memref<6400xi32, #tpu.memory_space<hbm>>) target(%dma_start3A_30 : memref<6400xi32, #tpu.memory_space<vmem>>) target_semaphore(%run_scoped3A : memref<!tpu.dma_semaphore, #tpu.memory_space<semaphore_mem>>)
        %dma_wait3A = arith.constant 0 : i32
        %dma_wait3A_32 = tpu.memref_slice %arg13[%dma_wait3A] : memref<6400xi32, #tpu.memory_space<vmem>> -> memref<6400xi32, #tpu.memory_space<vmem>>
        %dma_wait3A_33 = tpu.memref_slice %arg4[%mul3A_21] : memref<25600xi32, #tpu.memory_space<hbm>> -> memref<6400xi32, #tpu.memory_space<hbm>>
        %dma_wait3A_34 = arith.constant 0 : i32
        %dma_wait3A_35 = tpu.memref_slice %arg13[%dma_wait3A_34] : memref<6400xi32, #tpu.memory_space<vmem>> -> memref<6400xi32, #tpu.memory_space<vmem>>
        %dma_wait3A_36 = tpu.memref_slice %arg4[%mul3A_21] : memref<25600xi32, #tpu.memory_space<hbm>> -> memref<6400xi32, #tpu.memory_space<hbm>>
        tpu.wait_dma2 semaphore(%run_scoped3A : memref<!tpu.dma_semaphore, #tpu.memory_space<semaphore_mem>>) src(%dma_wait3A_36 : memref<6400xi32, #tpu.memory_space<hbm>>) dst(%dma_wait3A_35 : memref<6400xi32, #tpu.memory_space<vmem>>)
        tpu.yield
      }) : () -> ()
      "tpu.region"() ({
        %run_scoped3A = tpu.sem_alloc : memref<!tpu.dma_semaphore, #tpu.memory_space<semaphore_mem>>
        %dma_start3A = arith.constant 0 : i32
        %dma_start3A_27 = tpu.memref_slice %arg14[%dma_start3A] : memref<6400xf32, #tpu.memory_space<vmem>> -> memref<6400xf32, #tpu.memory_space<vmem>>
        %dma_start3A_28 = tpu.memref_slice %arg5[%mul3A_21] : memref<25600xf32, #tpu.memory_space<hbm>> -> memref<6400xf32, #tpu.memory_space<hbm>>
        %dma_start3A_29 = arith.constant 0 : i32
        %dma_start3A_30 = tpu.memref_slice %arg14[%dma_start3A_29] : memref<6400xf32, #tpu.memory_space<vmem>> -> memref<6400xf32, #tpu.memory_space<vmem>>
        %dma_start3A_31 = tpu.memref_slice %arg5[%mul3A_21] : memref<25600xf32, #tpu.memory_space<hbm>> -> memref<6400xf32, #tpu.memory_space<hbm>>
        tpu.enqueue_dma source(%dma_start3A_31 : memref<6400xf32, #tpu.memory_space<hbm>>) target(%dma_start3A_30 : memref<6400xf32, #tpu.memory_space<vmem>>) target_semaphore(%run_scoped3A : memref<!tpu.dma_semaphore, #tpu.memory_space<semaphore_mem>>)
        %dma_wait3A = arith.constant 0 : i32
        %dma_wait3A_32 = tpu.memref_slice %arg14[%dma_wait3A] : memref<6400xf32, #tpu.memory_space<vmem>> -> memref<6400xf32, #tpu.memory_space<vmem>>
        %dma_wait3A_33 = tpu.memref_slice %arg5[%mul3A_21] : memref<25600xf32, #tpu.memory_space<hbm>> -> memref<6400xf32, #tpu.memory_space<hbm>>
        %dma_wait3A_34 = arith.constant 0 : i32
        %dma_wait3A_35 = tpu.memref_slice %arg14[%dma_wait3A_34] : memref<6400xf32, #tpu.memory_space<vmem>> -> memref<6400xf32, #tpu.memory_space<vmem>>
        %dma_wait3A_36 = tpu.memref_slice %arg5[%mul3A_21] : memref<25600xf32, #tpu.memory_space<hbm>> -> memref<6400xf32, #tpu.memory_space<hbm>>
        tpu.wait_dma2 semaphore(%run_scoped3A : memref<!tpu.dma_semaphore, #tpu.memory_space<semaphore_mem>>) src(%dma_wait3A_36 : memref<6400xf32, #tpu.memory_space<hbm>>) dst(%dma_wait3A_35 : memref<6400xf32, #tpu.memory_space<vmem>>)
        tpu.yield
      }) : () -> ()
      %scan3A_22 = arith.constant 0 : i32
      %scan3A_23 = arith.constant 100 : i32
      %scan3A_24 = arith.addi %scan3A_22, %scan3A_23 : i32
      %scan3A_25 = arith.constant 1 : i32
      scf.for %scan3A_27 = %scan3A_22 to %scan3A_24 step %scan3A_25  : i32 {
        %mul3A_28 = arith.constant 64 : i32
        %mul3A_29 = arith.muli %scan3A_27, %mul3A_28 : i32
        %add3A_30 = arith.constant 0 : i32
        %add3A_31 = arith.addi %mul3A_29, %add3A_30 : i32
        %get3A = arith.index_cast %add3A_31 : i32 to index
        %get3A_32 = tpu.vector_load %arg12[%get3A] {strides = array<i32>} : memref<6400xi32, #tpu.memory_space<vmem>>, vector<16xi32>,
        %ge3A = vector.broadcast %mul3A_2 : i32 to vector<16xi32>
        %ge3A_33 = arith.cmpi sge, %get3A_32, %ge3A : vector<16xi32>
        %add3A_34 = arith.constant 48 : i32
        %add3A_35 = arith.addi %mul3A_2, %add3A_34 : i32
        %lt3A = vector.broadcast %add3A_35 : i32 to vector<16xi32>
        %lt3A_36 = arith.cmpi slt, %get3A_32, %lt3A : vector<16xi32>
        %and3A = arith.andi %ge3A_33, %lt3A_36 : vector<16xi1>
        %reduce_or3A = arith.constant 1.000000e+00 : f32
        %reduce_or3A_37 = arith.constant 0.000000e+00 : f32
        %reduce_or3A_38 = vector.broadcast %reduce_or3A : f32 to vector<16xf32>
        %reduce_or3A_39 = vector.broadcast %reduce_or3A_37 : f32 to vector<16xf32>
        %reduce_or3A_40 = arith.select %and3A, %reduce_or3A_38, %reduce_or3A_39 : vector<16xi1>, vector<16xf32>
        %reduce_or3A_41 = arith.constant true
        %reduce_or3A_42 = vector.broadcast %reduce_or3A_41 : i1 to vector<16xi1>
        %reduce_or3A_43 = tpu.scan <max>, %reduce_or3A_40 masked %reduce_or3A_42 : vector<16xf32>, vector<16xi1> -> vector<16xf32>
        %reduce_or3A_44 = vector.extract %reduce_or3A_43[15] : f32 from vector<16xf32>
        %reduce_or3A_45 = arith.constant 0.000000e+00 : f32
        %reduce_or3A_46 = arith.cmpf ogt, %reduce_or3A_44, %reduce_or3A_45 : f32
        %convert_element_type3A = arith.extui %reduce_or3A_46 : i1 to i32
        %cond3A = arith.constant 0 : i32
        %cond3A_47 = arith.cmpi ne, %convert_element_type3A, %cond3A : i32
        scf.if %cond3A_47 {
          %get3A_129 = arith.index_cast %add3A_31 : i32 to index
          %get3A_130 = tpu.vector_load %arg13[%get3A_129] {strides = array<i32>} : memref<6400xi32, #tpu.memory_space<vmem>>, vector<16xi32>,
          %get3A_131 = arith.index_cast %add3A_31 : i32 to index
          %get3A_132 = tpu.vector_load %arg14[%get3A_131] {strides = array<i32>} : memref<6400xf32, #tpu.memory_space<vmem>>, vector<16xf32>,
          %sub3A = vector.broadcast %mul3A_2 : i32 to vector<16xi32>
          %sub3A_133 = arith.subi %get3A_32, %sub3A : vector<16xi32>
          %mul3A_134 = arith.constant 1536 : i32
          %mul3A_135 = vector.broadcast %mul3A_134 : i32 to vector<16xi32>
          %mul3A_136 = arith.muli %sub3A_133, %mul3A_135 : vector<16xi32>
          %add3A_137 = arith.addi %mul3A_136, %get3A_130 : vector<16xi32>
          %jit3A = arith.constant 0 : i32
          %broadcast_in_dim3A = vector.broadcast %jit3A : i32 to vector<16xi32>
          %select_n3A = arith.select %and3A, %add3A_137, %broadcast_in_dim3A : vector<16xi1>, vector<16xi32>
          %convert_element_type3A_138 = arith.extui %and3A : vector<16xi1> to vector<16xi32>
          %reduce_sum3A = arith.constant true
          %reduce_sum3A_139 = vector.broadcast %reduce_sum3A : i1 to vector<16xi1>
          %reduce_sum3A_140 = tpu.scan <sum>, %convert_element_type3A_138 masked %reduce_sum3A_139 : vector<16xi32>, vector<16xi1> -> vector<16xi32>
          %reduce_sum3A_141 = vector.extract %reduce_sum3A_140[15] : i32 from vector<16xi32>
          %eq3A = arith.constant 1 : i32
          %eq3A_142 = arith.cmpi eq, %reduce_sum3A_141, %eq3A : i32
          %convert_element_type3A_143 = arith.extui %eq3A_142 : i1 to i32
          %cond3A_144 = arith.constant 0 : i32
          %cond3A_145 = arith.cmpi ne, %convert_element_type3A_143, %cond3A_144 : i32
          scf.if %cond3A_145 {
            %scatter3A = arith.constant 0 : i32
            %scatter3A_150 = tpu.memref_slice %arg11[%scatter3A] : memref<73728xf32, #tpu.memory_space<vmem>> -> memref<73728xf32, #tpu.memory_space<vmem>>
            tpu.vector_store_idx %scatter3A_150[%select_n3A], %get3A_132 masked %and3A {add = true} : memref<73728xf32, #tpu.memory_space<vmem>>[vector<16xi32>], vector<16xf32>, vector<16xi1>
          } else {
          }
          %gt3A = arith.constant 1 : i32
          %gt3A_146 = arith.cmpi sgt, %reduce_sum3A_141, %gt3A : i32
          %convert_element_type3A_147 = arith.extui %gt3A_146 : i1 to i32
          %cond3A_148 = arith.constant 0 : i32
          %cond3A_149 = arith.cmpi ne, %convert_element_type3A_147, %cond3A_148 : i32
          scf.if %cond3A_149 {
            %eq3A_150 = arith.constant 0 : i32
            %eq3A_151 = vector.broadcast %eq3A_150 : i32 to vector<16xi32>
            %eq3A_152 = arith.cmpi eq, %iota3A, %eq3A_151 : vector<16xi32>
            %and3A_153 = arith.andi %and3A, %eq3A_152 : vector<16xi1>
            %scatter3A = arith.constant 0 : i32
            %scatter3A_154 = tpu.memref_slice %arg11[%scatter3A] : memref<73728xf32, #tpu.memory_space<vmem>> -> memref<73728xf32, #tpu.memory_space<vmem>>
            tpu.vector_store_idx %scatter3A_154[%select_n3A], %get3A_132 masked %and3A_153 {add = true} : memref<73728xf32, #tpu.memory_space<vmem>>[vector<16xi32>], vector<16xf32>, vector<16xi1>
            %eq3A_155 = arith.constant 1 : i32
            %eq3A_156 = vector.broadcast %eq3A_155 : i32 to vector<16xi32>
            %eq3A_157 = arith.cmpi eq, %iota3A, %eq3A_156 : vector<16xi32>
            %and3A_158 = arith.andi %and3A, %eq3A_157 : vector<16xi1>
            %scatter3A_159 = arith.constant 0 : i32
            %scatter3A_160 = tpu.memref_slice %arg11[%scatter3A_159] : memref<73728xf32, #tpu.memory_space<vmem>> -> memref<73728xf32, #tpu.memory_space<vmem>>
            tpu.vector_store_idx %scatter3A_160[%select_n3A], %get3A_132 masked %and3A_158 {add = true} : memref<73728xf32, #tpu.memory_space<vmem>>[vector<16xi32>], vector<16xf32>, vector<16xi1>
            %eq3A_161 = arith.constant 2 : i32
            %eq3A_162 = vector.broadcast %eq3A_161 : i32 to vector<16xi32>
            %eq3A_163 = arith.cmpi eq, %iota3A, %eq3A_162 : vector<16xi32>
            %and3A_164 = arith.andi %and3A, %eq3A_163 : vector<16xi1>
            %scatter3A_165 = arith.constant 0 : i32
            %scatter3A_166 = tpu.memref_slice %arg11[%scatter3A_165] : memref<73728xf32, #tpu.memory_space<vmem>> -> memref<73728xf32, #tpu.memory_space<vmem>>
            tpu.vector_store_idx %scatter3A_166[%select_n3A], %get3A_132 masked %and3A_164 {add = true} : memref<73728xf32, #tpu.memory_space<vmem>>[vector<16xi32>], vector<16xf32>, vector<16xi1>
            %eq3A_167 = arith.constant 3 : i32
            %eq3A_168 = vector.broadcast %eq3A_167 : i32 to vector<16xi32>
            %eq3A_169 = arith.cmpi eq, %iota3A, %eq3A_168 : vector<16xi32>
            %and3A_170 = arith.andi %and3A, %eq3A_169 : vector<16xi1>
            %scatter3A_171 = arith.constant 0 : i32
            %scatter3A_172 = tpu.memref_slice %arg11[%scatter3A_171] : memref<73728xf32, #tpu.memory_space<vmem>> -> memref<73728xf32, #tpu.memory_space<vmem>>
            tpu.vector_store_idx %scatter3A_172[%select_n3A], %get3A_132 masked %and3A_170 {add = true} : memref<73728xf32, #tpu.memory_space<vmem>>[vector<16xi32>], vector<16xf32>, vector<16xi1>
            %eq3A_173 = arith.constant 4 : i32
            %eq3A_174 = vector.broadcast %eq3A_173 : i32 to vector<16xi32>
            %eq3A_175 = arith.cmpi eq, %iota3A, %eq3A_174 : vector<16xi32>
            %and3A_176 = arith.andi %and3A, %eq3A_175 : vector<16xi1>
            %scatter3A_177 = arith.constant 0 : i32
            %scatter3A_178 = tpu.memref_slice %arg11[%scatter3A_177] : memref<73728xf32, #tpu.memory_space<vmem>> -> memref<73728xf32, #tpu.memory_space<vmem>>
            tpu.vector_store_idx %scatter3A_178[%select_n3A], %get3A_132 masked %and3A_176 {add = true} : memref<73728xf32, #tpu.memory_space<vmem>>[vector<16xi32>], vector<16xf32>, vector<16xi1>
            %eq3A_179 = arith.constant 5 : i32
            %eq3A_180 = vector.broadcast %eq3A_179 : i32 to vector<16xi32>
            %eq3A_181 = arith.cmpi eq, %iota3A, %eq3A_180 : vector<16xi32>
            %and3A_182 = arith.andi %and3A, %eq3A_181 : vector<16xi1>
            %scatter3A_183 = arith.constant 0 : i32
            %scatter3A_184 = tpu.memref_slice %arg11[%scatter3A_183] : memref<73728xf32, #tpu.memory_space<vmem>> -> memref<73728xf32, #tpu.memory_space<vmem>>
            tpu.vector_store_idx %scatter3A_184[%select_n3A], %get3A_132 masked %and3A_182 {add = true} : memref<73728xf32, #tpu.memory_space<vmem>>[vector<16xi32>], vector<16xf32>, vector<16xi1>
            %eq3A_185 = arith.constant 6 : i32
            %eq3A_186 = vector.broadcast %eq3A_185 : i32 to vector<16xi32>
            %eq3A_187 = arith.cmpi eq, %iota3A, %eq3A_186 : vector<16xi32>
            %and3A_188 = arith.andi %and3A, %eq3A_187 : vector<16xi1>
            %scatter3A_189 = arith.constant 0 : i32
            %scatter3A_190 = tpu.memref_slice %arg11[%scatter3A_189] : memref<73728xf32, #tpu.memory_space<vmem>> -> memref<73728xf32, #tpu.memory_space<vmem>>
            tpu.vector_store_idx %scatter3A_190[%select_n3A], %get3A_132 masked %and3A_188 {add = true} : memref<73728xf32, #tpu.memory_space<vmem>>[vector<16xi32>], vector<16xf32>, vector<16xi1>
            %eq3A_191 = arith.constant 7 : i32
            %eq3A_192 = vector.broadcast %eq3A_191 : i32 to vector<16xi32>
            %eq3A_193 = arith.cmpi eq, %iota3A, %eq3A_192 : vector<16xi32>
            %and3A_194 = arith.andi %and3A, %eq3A_193 : vector<16xi1>
            %scatter3A_195 = arith.constant 0 : i32
            %scatter3A_196 = tpu.memref_slice %arg11[%scatter3A_195] : memref<73728xf32, #tpu.memory_space<vmem>> -> memref<73728xf32, #tpu.memory_space<vmem>>
            tpu.vector_store_idx %scatter3A_196[%select_n3A], %get3A_132 masked %and3A_194 {add = true} : memref<73728xf32, #tpu.memory_space<vmem>>[vector<16xi32>], vector<16xf32>, vector<16xi1>
            %eq3A_197 = arith.constant 8 : i32
            %eq3A_198 = vector.broadcast %eq3A_197 : i32 to vector<16xi32>
            %eq3A_199 = arith.cmpi eq, %iota3A, %eq3A_198 : vector<16xi32>
            %and3A_200 = arith.andi %and3A, %eq3A_199 : vector<16xi1>
            %scatter3A_201 = arith.constant 0 : i32
            %scatter3A_202 = tpu.memref_slice %arg11[%scatter3A_201] : memref<73728xf32, #tpu.memory_space<vmem>> -> memref<73728xf32, #tpu.memory_space<vmem>>
            tpu.vector_store_idx %scatter3A_202[%select_n3A], %get3A_132 masked %and3A_200 {add = true} : memref<73728xf32, #tpu.memory_space<vmem>>[vector<16xi32>], vector<16xf32>, vector<16xi1>
            %eq3A_203 = arith.constant 9 : i32
            %eq3A_204 = vector.broadcast %eq3A_203 : i32 to vector<16xi32>
            %eq3A_205 = arith.cmpi eq, %iota3A, %eq3A_204 : vector<16xi32>
            %and3A_206 = arith.andi %and3A, %eq3A_205 : vector<16xi1>
            %scatter3A_207 = arith.constant 0 : i32
            %scatter3A_208 = tpu.memref_slice %arg11[%scatter3A_207] : memref<73728xf32, #tpu.memory_space<vmem>> -> memref<73728xf32, #tpu.memory_space<vmem>>
            tpu.vector_store_idx %scatter3A_208[%select_n3A], %get3A_132 masked %and3A_206 {add = true} : memref<73728xf32, #tpu.memory_space<vmem>>[vector<16xi32>], vector<16xf32>, vector<16xi1>
            %eq3A_209 = arith.constant 10 : i32
            %eq3A_210 = vector.broadcast %eq3A_209 : i32 to vector<16xi32>
            %eq3A_211 = arith.cmpi eq, %iota3A, %eq3A_210 : vector<16xi32>
            %and3A_212 = arith.andi %and3A, %eq3A_211 : vector<16xi1>
            %scatter3A_213 = arith.constant 0 : i32
            %scatter3A_214 = tpu.memref_slice %arg11[%scatter3A_213] : memref<73728xf32, #tpu.memory_space<vmem>> -> memref<73728xf32, #tpu.memory_space<vmem>>
            tpu.vector_store_idx %scatter3A_214[%select_n3A], %get3A_132 masked %and3A_212 {add = true} : memref<73728xf32, #tpu.memory_space<vmem>>[vector<16xi32>], vector<16xf32>, vector<16xi1>
            %eq3A_215 = arith.constant 11 : i32
            %eq3A_216 = vector.broadcast %eq3A_215 : i32 to vector<16xi32>
            %eq3A_217 = arith.cmpi eq, %iota3A, %eq3A_216 : vector<16xi32>
            %and3A_218 = arith.andi %and3A, %eq3A_217 : vector<16xi1>
            %scatter3A_219 = arith.constant 0 : i32
            %scatter3A_220 = tpu.memref_slice %arg11[%scatter3A_219] : memref<73728xf32, #tpu.memory_space<vmem>> -> memref<73728xf32, #tpu.memory_space<vmem>>
            tpu.vector_store_idx %scatter3A_220[%select_n3A], %get3A_132 masked %and3A_218 {add = true} : memref<73728xf32, #tpu.memory_space<vmem>>[vector<16xi32>], vector<16xf32>, vector<16xi1>
            %eq3A_221 = arith.constant 12 : i32
            %eq3A_222 = vector.broadcast %eq3A_221 : i32 to vector<16xi32>
            %eq3A_223 = arith.cmpi eq, %iota3A, %eq3A_222 : vector<16xi32>
            %and3A_224 = arith.andi %and3A, %eq3A_223 : vector<16xi1>
            %scatter3A_225 = arith.constant 0 : i32
            %scatter3A_226 = tpu.memref_slice %arg11[%scatter3A_225] : memref<73728xf32, #tpu.memory_space<vmem>> -> memref<73728xf32, #tpu.memory_space<vmem>>
            tpu.vector_store_idx %scatter3A_226[%select_n3A], %get3A_132 masked %and3A_224 {add = true} : memref<73728xf32, #tpu.memory_space<vmem>>[vector<16xi32>], vector<16xf32>, vector<16xi1>
            %eq3A_227 = arith.constant 13 : i32
            %eq3A_228 = vector.broadcast %eq3A_227 : i32 to vector<16xi32>
            %eq3A_229 = arith.cmpi eq, %iota3A, %eq3A_228 : vector<16xi32>
            %and3A_230 = arith.andi %and3A, %eq3A_229 : vector<16xi1>
            %scatter3A_231 = arith.constant 0 : i32
            %scatter3A_232 = tpu.memref_slice %arg11[%scatter3A_231] : memref<73728xf32, #tpu.memory_space<vmem>> -> memref<73728xf32, #tpu.memory_space<vmem>>
            tpu.vector_store_idx %scatter3A_232[%select_n3A], %get3A_132 masked %and3A_230 {add = true} : memref<73728xf32, #tpu.memory_space<vmem>>[vector<16xi32>], vector<16xf32>, vector<16xi1>
            %eq3A_233 = arith.constant 14 : i32
            %eq3A_234 = vector.broadcast %eq3A_233 : i32 to vector<16xi32>
            %eq3A_235 = arith.cmpi eq, %iota3A, %eq3A_234 : vector<16xi32>
            %and3A_236 = arith.andi %and3A, %eq3A_235 : vector<16xi1>
            %scatter3A_237 = arith.constant 0 : i32
            %scatter3A_238 = tpu.memref_slice %arg11[%scatter3A_237] : memref<73728xf32, #tpu.memory_space<vmem>> -> memref<73728xf32, #tpu.memory_space<vmem>>
            tpu.vector_store_idx %scatter3A_238[%select_n3A], %get3A_132 masked %and3A_236 {add = true} : memref<73728xf32, #tpu.memory_space<vmem>>[vector<16xi32>], vector<16xf32>, vector<16xi1>
            %eq3A_239 = arith.constant 15 : i32
            %eq3A_240 = vector.broadcast %eq3A_239 : i32 to vector<16xi32>
            %eq3A_241 = arith.cmpi eq, %iota3A, %eq3A_240 : vector<16xi32>
            %and3A_242 = arith.andi %and3A, %eq3A_241 : vector<16xi1>
            %scatter3A_243 = arith.constant 0 : i32
            %scatter3A_244 = tpu.memref_slice %arg11[%scatter3A_243] : memref<73728xf32, #tpu.memory_space<vmem>> -> memref<73728xf32, #tpu.memory_space<vmem>>
            tpu.vector_store_idx %scatter3A_244[%select_n3A], %get3A_132 masked %and3A_242 {add = true} : memref<73728xf32, #tpu.memory_space<vmem>>[vector<16xi32>], vector<16xf32>, vector<16xi1>
          } else {
          }
        } else {
        }
        %mul3A_48 = arith.constant 64 : i32
        %mul3A_49 = arith.muli %scan3A_27, %mul3A_48 : i32
        %add3A_50 = arith.constant 16 : i32
        %add3A_51 = arith.addi %mul3A_49, %add3A_50 : i32
        %get3A_52 = arith.index_cast %add3A_51 : i32 to index
        %get3A_53 = tpu.vector_load %arg12[%get3A_52] {strides = array<i32>} : memref<6400xi32, #tpu.memory_space<vmem>>, vector<16xi32>,
        %ge3A_54 = vector.broadcast %mul3A_2 : i32 to vector<16xi32>
        %ge3A_55 = arith.cmpi sge, %get3A_53, %ge3A_54 : vector<16xi32>
        %add3A_56 = arith.constant 48 : i32
        %add3A_57 = arith.addi %mul3A_2, %add3A_56 : i32
        %lt3A_58 = vector.broadcast %add3A_57 : i32 to vector<16xi32>
        %lt3A_59 = arith.cmpi slt, %get3A_53, %lt3A_58 : vector<16xi32>
        %and3A_60 = arith.andi %ge3A_55, %lt3A_59 : vector<16xi1>
        %reduce_or3A_61 = arith.constant 1.000000e+00 : f32
        %reduce_or3A_62 = arith.constant 0.000000e+00 : f32
        %reduce_or3A_63 = vector.broadcast %reduce_or3A_61 : f32 to vector<16xf32>
        %reduce_or3A_64 = vector.broadcast %reduce_or3A_62 : f32 to vector<16xf32>
        %reduce_or3A_65 = arith.select %and3A_60, %reduce_or3A_63, %reduce_or3A_64 : vector<16xi1>, vector<16xf32>
        %reduce_or3A_66 = arith.constant true
        %reduce_or3A_67 = vector.broadcast %reduce_or3A_66 : i1 to vector<16xi1>
        %reduce_or3A_68 = tpu.scan <max>, %reduce_or3A_65 masked %reduce_or3A_67 : vector<16xf32>, vector<16xi1> -> vector<16xf32>
        %reduce_or3A_69 = vector.extract %reduce_or3A_68[15] : f32 from vector<16xf32>
        %reduce_or3A_70 = arith.constant 0.000000e+00 : f32
        %reduce_or3A_71 = arith.cmpf ogt, %reduce_or3A_69, %reduce_or3A_70 : f32
        %convert_element_type3A_72 = arith.extui %reduce_or3A_71 : i1 to i32
        %cond3A_73 = arith.constant 0 : i32
        %cond3A_74 = arith.cmpi ne, %convert_element_type3A_72, %cond3A_73 : i32
        scf.if %cond3A_74 {
          %get3A_129 = arith.index_cast %add3A_51 : i32 to index
          %get3A_130 = tpu.vector_load %arg13[%get3A_129] {strides = array<i32>} : memref<6400xi32, #tpu.memory_space<vmem>>, vector<16xi32>,
          %get3A_131 = arith.index_cast %add3A_51 : i32 to index
          %get3A_132 = tpu.vector_load %arg14[%get3A_131] {strides = array<i32>} : memref<6400xf32, #tpu.memory_space<vmem>>, vector<16xf32>,
          %sub3A = vector.broadcast %mul3A_2 : i32 to vector<16xi32>
          %sub3A_133 = arith.subi %get3A_53, %sub3A : vector<16xi32>
          %mul3A_134 = arith.constant 1536 : i32
          %mul3A_135 = vector.broadcast %mul3A_134 : i32 to vector<16xi32>
          %mul3A_136 = arith.muli %sub3A_133, %mul3A_135 : vector<16xi32>
          %add3A_137 = arith.addi %mul3A_136, %get3A_130 : vector<16xi32>
          %jit3A = arith.constant 0 : i32
          %broadcast_in_dim3A = vector.broadcast %jit3A : i32 to vector<16xi32>
          %select_n3A = arith.select %and3A_60, %add3A_137, %broadcast_in_dim3A : vector<16xi1>, vector<16xi32>
          %convert_element_type3A_138 = arith.extui %and3A_60 : vector<16xi1> to vector<16xi32>
          %reduce_sum3A = arith.constant true
          %reduce_sum3A_139 = vector.broadcast %reduce_sum3A : i1 to vector<16xi1>
          %reduce_sum3A_140 = tpu.scan <sum>, %convert_element_type3A_138 masked %reduce_sum3A_139 : vector<16xi32>, vector<16xi1> -> vector<16xi32>
          %reduce_sum3A_141 = vector.extract %reduce_sum3A_140[15] : i32 from vector<16xi32>
          %eq3A = arith.constant 1 : i32
          %eq3A_142 = arith.cmpi eq, %reduce_sum3A_141, %eq3A : i32
          %convert_element_type3A_143 = arith.extui %eq3A_142 : i1 to i32
          %cond3A_144 = arith.constant 0 : i32
          %cond3A_145 = arith.cmpi ne, %convert_element_type3A_143, %cond3A_144 : i32
          scf.if %cond3A_145 {
            %scatter3A = arith.constant 0 : i32
            %scatter3A_150 = tpu.memref_slice %arg11[%scatter3A] : memref<73728xf32, #tpu.memory_space<vmem>> -> memref<73728xf32, #tpu.memory_space<vmem>>
            tpu.vector_store_idx %scatter3A_150[%select_n3A], %get3A_132 masked %and3A_60 {add = true} : memref<73728xf32, #tpu.memory_space<vmem>>[vector<16xi32>], vector<16xf32>, vector<16xi1>
          } else {
          }
          %gt3A = arith.constant 1 : i32
          %gt3A_146 = arith.cmpi sgt, %reduce_sum3A_141, %gt3A : i32
          %convert_element_type3A_147 = arith.extui %gt3A_146 : i1 to i32
          %cond3A_148 = arith.constant 0 : i32
          %cond3A_149 = arith.cmpi ne, %convert_element_type3A_147, %cond3A_148 : i32
          scf.if %cond3A_149 {
            %eq3A_150 = arith.constant 0 : i32
            %eq3A_151 = vector.broadcast %eq3A_150 : i32 to vector<16xi32>
            %eq3A_152 = arith.cmpi eq, %iota3A, %eq3A_151 : vector<16xi32>
            %and3A_153 = arith.andi %and3A_60, %eq3A_152 : vector<16xi1>
            %scatter3A = arith.constant 0 : i32
            %scatter3A_154 = tpu.memref_slice %arg11[%scatter3A] : memref<73728xf32, #tpu.memory_space<vmem>> -> memref<73728xf32, #tpu.memory_space<vmem>>
            tpu.vector_store_idx %scatter3A_154[%select_n3A], %get3A_132 masked %and3A_153 {add = true} : memref<73728xf32, #tpu.memory_space<vmem>>[vector<16xi32>], vector<16xf32>, vector<16xi1>
            %eq3A_155 = arith.constant 1 : i32
            %eq3A_156 = vector.broadcast %eq3A_155 : i32 to vector<16xi32>
            %eq3A_157 = arith.cmpi eq, %iota3A, %eq3A_156 : vector<16xi32>
            %and3A_158 = arith.andi %and3A_60, %eq3A_157 : vector<16xi1>
            %scatter3A_159 = arith.constant 0 : i32
            %scatter3A_160 = tpu.memref_slice %arg11[%scatter3A_159] : memref<73728xf32, #tpu.memory_space<vmem>> -> memref<73728xf32, #tpu.memory_space<vmem>>
            tpu.vector_store_idx %scatter3A_160[%select_n3A], %get3A_132 masked %and3A_158 {add = true} : memref<73728xf32, #tpu.memory_space<vmem>>[vector<16xi32>], vector<16xf32>, vector<16xi1>
            %eq3A_161 = arith.constant 2 : i32
            %eq3A_162 = vector.broadcast %eq3A_161 : i32 to vector<16xi32>
            %eq3A_163 = arith.cmpi eq, %iota3A, %eq3A_162 : vector<16xi32>
            %and3A_164 = arith.andi %and3A_60, %eq3A_163 : vector<16xi1>
            %scatter3A_165 = arith.constant 0 : i32
            %scatter3A_166 = tpu.memref_slice %arg11[%scatter3A_165] : memref<73728xf32, #tpu.memory_space<vmem>> -> memref<73728xf32, #tpu.memory_space<vmem>>
            tpu.vector_store_idx %scatter3A_166[%select_n3A], %get3A_132 masked %and3A_164 {add = true} : memref<73728xf32, #tpu.memory_space<vmem>>[vector<16xi32>], vector<16xf32>, vector<16xi1>
            %eq3A_167 = arith.constant 3 : i32
            %eq3A_168 = vector.broadcast %eq3A_167 : i32 to vector<16xi32>
            %eq3A_169 = arith.cmpi eq, %iota3A, %eq3A_168 : vector<16xi32>
            %and3A_170 = arith.andi %and3A_60, %eq3A_169 : vector<16xi1>
            %scatter3A_171 = arith.constant 0 : i32
            %scatter3A_172 = tpu.memref_slice %arg11[%scatter3A_171] : memref<73728xf32, #tpu.memory_space<vmem>> -> memref<73728xf32, #tpu.memory_space<vmem>>
            tpu.vector_store_idx %scatter3A_172[%select_n3A], %get3A_132 masked %and3A_170 {add = true} : memref<73728xf32, #tpu.memory_space<vmem>>[vector<16xi32>], vector<16xf32>, vector<16xi1>
            %eq3A_173 = arith.constant 4 : i32
            %eq3A_174 = vector.broadcast %eq3A_173 : i32 to vector<16xi32>
            %eq3A_175 = arith.cmpi eq, %iota3A, %eq3A_174 : vector<16xi32>
            %and3A_176 = arith.andi %and3A_60, %eq3A_175 : vector<16xi1>
            %scatter3A_177 = arith.constant 0 : i32
            %scatter3A_178 = tpu.memref_slice %arg11[%scatter3A_177] : memref<73728xf32, #tpu.memory_space<vmem>> -> memref<73728xf32, #tpu.memory_space<vmem>>
            tpu.vector_store_idx %scatter3A_178[%select_n3A], %get3A_132 masked %and3A_176 {add = true} : memref<73728xf32, #tpu.memory_space<vmem>>[vector<16xi32>], vector<16xf32>, vector<16xi1>
            %eq3A_179 = arith.constant 5 : i32
            %eq3A_180 = vector.broadcast %eq3A_179 : i32 to vector<16xi32>
            %eq3A_181 = arith.cmpi eq, %iota3A, %eq3A_180 : vector<16xi32>
            %and3A_182 = arith.andi %and3A_60, %eq3A_181 : vector<16xi1>
            %scatter3A_183 = arith.constant 0 : i32
            %scatter3A_184 = tpu.memref_slice %arg11[%scatter3A_183] : memref<73728xf32, #tpu.memory_space<vmem>> -> memref<73728xf32, #tpu.memory_space<vmem>>
            tpu.vector_store_idx %scatter3A_184[%select_n3A], %get3A_132 masked %and3A_182 {add = true} : memref<73728xf32, #tpu.memory_space<vmem>>[vector<16xi32>], vector<16xf32>, vector<16xi1>
            %eq3A_185 = arith.constant 6 : i32
            %eq3A_186 = vector.broadcast %eq3A_185 : i32 to vector<16xi32>
            %eq3A_187 = arith.cmpi eq, %iota3A, %eq3A_186 : vector<16xi32>
            %and3A_188 = arith.andi %and3A_60, %eq3A_187 : vector<16xi1>
            %scatter3A_189 = arith.constant 0 : i32
            %scatter3A_190 = tpu.memref_slice %arg11[%scatter3A_189] : memref<73728xf32, #tpu.memory_space<vmem>> -> memref<73728xf32, #tpu.memory_space<vmem>>
            tpu.vector_store_idx %scatter3A_190[%select_n3A], %get3A_132 masked %and3A_188 {add = true} : memref<73728xf32, #tpu.memory_space<vmem>>[vector<16xi32>], vector<16xf32>, vector<16xi1>
            %eq3A_191 = arith.constant 7 : i32
            %eq3A_192 = vector.broadcast %eq3A_191 : i32 to vector<16xi32>
            %eq3A_193 = arith.cmpi eq, %iota3A, %eq3A_192 : vector<16xi32>
            %and3A_194 = arith.andi %and3A_60, %eq3A_193 : vector<16xi1>
            %scatter3A_195 = arith.constant 0 : i32
            %scatter3A_196 = tpu.memref_slice %arg11[%scatter3A_195] : memref<73728xf32, #tpu.memory_space<vmem>> -> memref<73728xf32, #tpu.memory_space<vmem>>
            tpu.vector_store_idx %scatter3A_196[%select_n3A], %get3A_132 masked %and3A_194 {add = true} : memref<73728xf32, #tpu.memory_space<vmem>>[vector<16xi32>], vector<16xf32>, vector<16xi1>
            %eq3A_197 = arith.constant 8 : i32
            %eq3A_198 = vector.broadcast %eq3A_197 : i32 to vector<16xi32>
            %eq3A_199 = arith.cmpi eq, %iota3A, %eq3A_198 : vector<16xi32>
            %and3A_200 = arith.andi %and3A_60, %eq3A_199 : vector<16xi1>
            %scatter3A_201 = arith.constant 0 : i32
            %scatter3A_202 = tpu.memref_slice %arg11[%scatter3A_201] : memref<73728xf32, #tpu.memory_space<vmem>> -> memref<73728xf32, #tpu.memory_space<vmem>>
            tpu.vector_store_idx %scatter3A_202[%select_n3A], %get3A_132 masked %and3A_200 {add = true} : memref<73728xf32, #tpu.memory_space<vmem>>[vector<16xi32>], vector<16xf32>, vector<16xi1>
            %eq3A_203 = arith.constant 9 : i32
            %eq3A_204 = vector.broadcast %eq3A_203 : i32 to vector<16xi32>
            %eq3A_205 = arith.cmpi eq, %iota3A, %eq3A_204 : vector<16xi32>
            %and3A_206 = arith.andi %and3A_60, %eq3A_205 : vector<16xi1>
            %scatter3A_207 = arith.constant 0 : i32
            %scatter3A_208 = tpu.memref_slice %arg11[%scatter3A_207] : memref<73728xf32, #tpu.memory_space<vmem>> -> memref<73728xf32, #tpu.memory_space<vmem>>
            tpu.vector_store_idx %scatter3A_208[%select_n3A], %get3A_132 masked %and3A_206 {add = true} : memref<73728xf32, #tpu.memory_space<vmem>>[vector<16xi32>], vector<16xf32>, vector<16xi1>
            %eq3A_209 = arith.constant 10 : i32
            %eq3A_210 = vector.broadcast %eq3A_209 : i32 to vector<16xi32>
            %eq3A_211 = arith.cmpi eq, %iota3A, %eq3A_210 : vector<16xi32>
            %and3A_212 = arith.andi %and3A_60, %eq3A_211 : vector<16xi1>
            %scatter3A_213 = arith.constant 0 : i32
            %scatter3A_214 = tpu.memref_slice %arg11[%scatter3A_213] : memref<73728xf32, #tpu.memory_space<vmem>> -> memref<73728xf32, #tpu.memory_space<vmem>>
            tpu.vector_store_idx %scatter3A_214[%select_n3A], %get3A_132 masked %and3A_212 {add = true} : memref<73728xf32, #tpu.memory_space<vmem>>[vector<16xi32>], vector<16xf32>, vector<16xi1>
            %eq3A_215 = arith.constant 11 : i32
            %eq3A_216 = vector.broadcast %eq3A_215 : i32 to vector<16xi32>
            %eq3A_217 = arith.cmpi eq, %iota3A, %eq3A_216 : vector<16xi32>
            %and3A_218 = arith.andi %and3A_60, %eq3A_217 : vector<16xi1>
            %scatter3A_219 = arith.constant 0 : i32
            %scatter3A_220 = tpu.memref_slice %arg11[%scatter3A_219] : memref<73728xf32, #tpu.memory_space<vmem>> -> memref<73728xf32, #tpu.memory_space<vmem>>
            tpu.vector_store_idx %scatter3A_220[%select_n3A], %get3A_132 masked %and3A_218 {add = true} : memref<73728xf32, #tpu.memory_space<vmem>>[vector<16xi32>], vector<16xf32>, vector<16xi1>
            %eq3A_221 = arith.constant 12 : i32
            %eq3A_222 = vector.broadcast %eq3A_221 : i32 to vector<16xi32>
            %eq3A_223 = arith.cmpi eq, %iota3A, %eq3A_222 : vector<16xi32>
            %and3A_224 = arith.andi %and3A_60, %eq3A_223 : vector<16xi1>
            %scatter3A_225 = arith.constant 0 : i32
            %scatter3A_226 = tpu.memref_slice %arg11[%scatter3A_225] : memref<73728xf32, #tpu.memory_space<vmem>> -> memref<73728xf32, #tpu.memory_space<vmem>>
            tpu.vector_store_idx %scatter3A_226[%select_n3A], %get3A_132 masked %and3A_224 {add = true} : memref<73728xf32, #tpu.memory_space<vmem>>[vector<16xi32>], vector<16xf32>, vector<16xi1>
            %eq3A_227 = arith.constant 13 : i32
            %eq3A_228 = vector.broadcast %eq3A_227 : i32 to vector<16xi32>
            %eq3A_229 = arith.cmpi eq, %iota3A, %eq3A_228 : vector<16xi32>
            %and3A_230 = arith.andi %and3A_60, %eq3A_229 : vector<16xi1>
            %scatter3A_231 = arith.constant 0 : i32
            %scatter3A_232 = tpu.memref_slice %arg11[%scatter3A_231] : memref<73728xf32, #tpu.memory_space<vmem>> -> memref<73728xf32, #tpu.memory_space<vmem>>
            tpu.vector_store_idx %scatter3A_232[%select_n3A], %get3A_132 masked %and3A_230 {add = true} : memref<73728xf32, #tpu.memory_space<vmem>>[vector<16xi32>], vector<16xf32>, vector<16xi1>
            %eq3A_233 = arith.constant 14 : i32
            %eq3A_234 = vector.broadcast %eq3A_233 : i32 to vector<16xi32>
            %eq3A_235 = arith.cmpi eq, %iota3A, %eq3A_234 : vector<16xi32>
            %and3A_236 = arith.andi %and3A_60, %eq3A_235 : vector<16xi1>
            %scatter3A_237 = arith.constant 0 : i32
            %scatter3A_238 = tpu.memref_slice %arg11[%scatter3A_237] : memref<73728xf32, #tpu.memory_space<vmem>> -> memref<73728xf32, #tpu.memory_space<vmem>>
            tpu.vector_store_idx %scatter3A_238[%select_n3A], %get3A_132 masked %and3A_236 {add = true} : memref<73728xf32, #tpu.memory_space<vmem>>[vector<16xi32>], vector<16xf32>, vector<16xi1>
            %eq3A_239 = arith.constant 15 : i32
            %eq3A_240 = vector.broadcast %eq3A_239 : i32 to vector<16xi32>
            %eq3A_241 = arith.cmpi eq, %iota3A, %eq3A_240 : vector<16xi32>
            %and3A_242 = arith.andi %and3A_60, %eq3A_241 : vector<16xi1>
            %scatter3A_243 = arith.constant 0 : i32
            %scatter3A_244 = tpu.memref_slice %arg11[%scatter3A_243] : memref<73728xf32, #tpu.memory_space<vmem>> -> memref<73728xf32, #tpu.memory_space<vmem>>
            tpu.vector_store_idx %scatter3A_244[%select_n3A], %get3A_132 masked %and3A_242 {add = true} : memref<73728xf32, #tpu.memory_space<vmem>>[vector<16xi32>], vector<16xf32>, vector<16xi1>
          } else {
          }
        } else {
        }
        %mul3A_75 = arith.constant 64 : i32
        %mul3A_76 = arith.muli %scan3A_27, %mul3A_75 : i32
        %add3A_77 = arith.constant 32 : i32
        %add3A_78 = arith.addi %mul3A_76, %add3A_77 : i32
        %get3A_79 = arith.index_cast %add3A_78 : i32 to index
        %get3A_80 = tpu.vector_load %arg12[%get3A_79] {strides = array<i32>} : memref<6400xi32, #tpu.memory_space<vmem>>, vector<16xi32>,
        %ge3A_81 = vector.broadcast %mul3A_2 : i32 to vector<16xi32>
        %ge3A_82 = arith.cmpi sge, %get3A_80, %ge3A_81 : vector<16xi32>
        %add3A_83 = arith.constant 48 : i32
        %add3A_84 = arith.addi %mul3A_2, %add3A_83 : i32
        %lt3A_85 = vector.broadcast %add3A_84 : i32 to vector<16xi32>
        %lt3A_86 = arith.cmpi slt, %get3A_80, %lt3A_85 : vector<16xi32>
        %and3A_87 = arith.andi %ge3A_82, %lt3A_86 : vector<16xi1>
        %reduce_or3A_88 = arith.constant 1.000000e+00 : f32
        %reduce_or3A_89 = arith.constant 0.000000e+00 : f32
        %reduce_or3A_90 = vector.broadcast %reduce_or3A_88 : f32 to vector<16xf32>
        %reduce_or3A_91 = vector.broadcast %reduce_or3A_89 : f32 to vector<16xf32>
        %reduce_or3A_92 = arith.select %and3A_87, %reduce_or3A_90, %reduce_or3A_91 : vector<16xi1>, vector<16xf32>
        %reduce_or3A_93 = arith.constant true
        %reduce_or3A_94 = vector.broadcast %reduce_or3A_93 : i1 to vector<16xi1>
        %reduce_or3A_95 = tpu.scan <max>, %reduce_or3A_92 masked %reduce_or3A_94 : vector<16xf32>, vector<16xi1> -> vector<16xf32>
        %reduce_or3A_96 = vector.extract %reduce_or3A_95[15] : f32 from vector<16xf32>
        %reduce_or3A_97 = arith.constant 0.000000e+00 : f32
        %reduce_or3A_98 = arith.cmpf ogt, %reduce_or3A_96, %reduce_or3A_97 : f32
        %convert_element_type3A_99 = arith.extui %reduce_or3A_98 : i1 to i32
        %cond3A_100 = arith.constant 0 : i32
        %cond3A_101 = arith.cmpi ne, %convert_element_type3A_99, %cond3A_100 : i32
        scf.if %cond3A_101 {
          %get3A_129 = arith.index_cast %add3A_78 : i32 to index
          %get3A_130 = tpu.vector_load %arg13[%get3A_129] {strides = array<i32>} : memref<6400xi32, #tpu.memory_space<vmem>>, vector<16xi32>,
          %get3A_131 = arith.index_cast %add3A_78 : i32 to index
          %get3A_132 = tpu.vector_load %arg14[%get3A_131] {strides = array<i32>} : memref<6400xf32, #tpu.memory_space<vmem>>, vector<16xf32>,
          %sub3A = vector.broadcast %mul3A_2 : i32 to vector<16xi32>
          %sub3A_133 = arith.subi %get3A_80, %sub3A : vector<16xi32>
          %mul3A_134 = arith.constant 1536 : i32
          %mul3A_135 = vector.broadcast %mul3A_134 : i32 to vector<16xi32>
          %mul3A_136 = arith.muli %sub3A_133, %mul3A_135 : vector<16xi32>
          %add3A_137 = arith.addi %mul3A_136, %get3A_130 : vector<16xi32>
          %jit3A = arith.constant 0 : i32
          %broadcast_in_dim3A = vector.broadcast %jit3A : i32 to vector<16xi32>
          %select_n3A = arith.select %and3A_87, %add3A_137, %broadcast_in_dim3A : vector<16xi1>, vector<16xi32>
          %convert_element_type3A_138 = arith.extui %and3A_87 : vector<16xi1> to vector<16xi32>
          %reduce_sum3A = arith.constant true
          %reduce_sum3A_139 = vector.broadcast %reduce_sum3A : i1 to vector<16xi1>
          %reduce_sum3A_140 = tpu.scan <sum>, %convert_element_type3A_138 masked %reduce_sum3A_139 : vector<16xi32>, vector<16xi1> -> vector<16xi32>
          %reduce_sum3A_141 = vector.extract %reduce_sum3A_140[15] : i32 from vector<16xi32>
          %eq3A = arith.constant 1 : i32
          %eq3A_142 = arith.cmpi eq, %reduce_sum3A_141, %eq3A : i32
          %convert_element_type3A_143 = arith.extui %eq3A_142 : i1 to i32
          %cond3A_144 = arith.constant 0 : i32
          %cond3A_145 = arith.cmpi ne, %convert_element_type3A_143, %cond3A_144 : i32
          scf.if %cond3A_145 {
            %scatter3A = arith.constant 0 : i32
            %scatter3A_150 = tpu.memref_slice %arg11[%scatter3A] : memref<73728xf32, #tpu.memory_space<vmem>> -> memref<73728xf32, #tpu.memory_space<vmem>>
            tpu.vector_store_idx %scatter3A_150[%select_n3A], %get3A_132 masked %and3A_87 {add = true} : memref<73728xf32, #tpu.memory_space<vmem>>[vector<16xi32>], vector<16xf32>, vector<16xi1>
          } else {
          }
          %gt3A = arith.constant 1 : i32
          %gt3A_146 = arith.cmpi sgt, %reduce_sum3A_141, %gt3A : i32
          %convert_element_type3A_147 = arith.extui %gt3A_146 : i1 to i32
          %cond3A_148 = arith.constant 0 : i32
          %cond3A_149 = arith.cmpi ne, %convert_element_type3A_147, %cond3A_148 : i32
          scf.if %cond3A_149 {
            %eq3A_150 = arith.constant 0 : i32
            %eq3A_151 = vector.broadcast %eq3A_150 : i32 to vector<16xi32>
            %eq3A_152 = arith.cmpi eq, %iota3A, %eq3A_151 : vector<16xi32>
            %and3A_153 = arith.andi %and3A_87, %eq3A_152 : vector<16xi1>
            %scatter3A = arith.constant 0 : i32
            %scatter3A_154 = tpu.memref_slice %arg11[%scatter3A] : memref<73728xf32, #tpu.memory_space<vmem>> -> memref<73728xf32, #tpu.memory_space<vmem>>
            tpu.vector_store_idx %scatter3A_154[%select_n3A], %get3A_132 masked %and3A_153 {add = true} : memref<73728xf32, #tpu.memory_space<vmem>>[vector<16xi32>], vector<16xf32>, vector<16xi1>
            %eq3A_155 = arith.constant 1 : i32
            %eq3A_156 = vector.broadcast %eq3A_155 : i32 to vector<16xi32>
            %eq3A_157 = arith.cmpi eq, %iota3A, %eq3A_156 : vector<16xi32>
            %and3A_158 = arith.andi %and3A_87, %eq3A_157 : vector<16xi1>
            %scatter3A_159 = arith.constant 0 : i32
            %scatter3A_160 = tpu.memref_slice %arg11[%scatter3A_159] : memref<73728xf32, #tpu.memory_space<vmem>> -> memref<73728xf32, #tpu.memory_space<vmem>>
            tpu.vector_store_idx %scatter3A_160[%select_n3A], %get3A_132 masked %and3A_158 {add = true} : memref<73728xf32, #tpu.memory_space<vmem>>[vector<16xi32>], vector<16xf32>, vector<16xi1>
            %eq3A_161 = arith.constant 2 : i32
            %eq3A_162 = vector.broadcast %eq3A_161 : i32 to vector<16xi32>
            %eq3A_163 = arith.cmpi eq, %iota3A, %eq3A_162 : vector<16xi32>
            %and3A_164 = arith.andi %and3A_87, %eq3A_163 : vector<16xi1>
            %scatter3A_165 = arith.constant 0 : i32
            %scatter3A_166 = tpu.memref_slice %arg11[%scatter3A_165] : memref<73728xf32, #tpu.memory_space<vmem>> -> memref<73728xf32, #tpu.memory_space<vmem>>
            tpu.vector_store_idx %scatter3A_166[%select_n3A], %get3A_132 masked %and3A_164 {add = true} : memref<73728xf32, #tpu.memory_space<vmem>>[vector<16xi32>], vector<16xf32>, vector<16xi1>
            %eq3A_167 = arith.constant 3 : i32
            %eq3A_168 = vector.broadcast %eq3A_167 : i32 to vector<16xi32>
            %eq3A_169 = arith.cmpi eq, %iota3A, %eq3A_168 : vector<16xi32>
            %and3A_170 = arith.andi %and3A_87, %eq3A_169 : vector<16xi1>
            %scatter3A_171 = arith.constant 0 : i32
            %scatter3A_172 = tpu.memref_slice %arg11[%scatter3A_171] : memref<73728xf32, #tpu.memory_space<vmem>> -> memref<73728xf32, #tpu.memory_space<vmem>>
            tpu.vector_store_idx %scatter3A_172[%select_n3A], %get3A_132 masked %and3A_170 {add = true} : memref<73728xf32, #tpu.memory_space<vmem>>[vector<16xi32>], vector<16xf32>, vector<16xi1>
            %eq3A_173 = arith.constant 4 : i32
            %eq3A_174 = vector.broadcast %eq3A_173 : i32 to vector<16xi32>
            %eq3A_175 = arith.cmpi eq, %iota3A, %eq3A_174 : vector<16xi32>
            %and3A_176 = arith.andi %and3A_87, %eq3A_175 : vector<16xi1>
            %scatter3A_177 = arith.constant 0 : i32
            %scatter3A_178 = tpu.memref_slice %arg11[%scatter3A_177] : memref<73728xf32, #tpu.memory_space<vmem>> -> memref<73728xf32, #tpu.memory_space<vmem>>
            tpu.vector_store_idx %scatter3A_178[%select_n3A], %get3A_132 masked %and3A_176 {add = true} : memref<73728xf32, #tpu.memory_space<vmem>>[vector<16xi32>], vector<16xf32>, vector<16xi1>
            %eq3A_179 = arith.constant 5 : i32
            %eq3A_180 = vector.broadcast %eq3A_179 : i32 to vector<16xi32>
            %eq3A_181 = arith.cmpi eq, %iota3A, %eq3A_180 : vector<16xi32>
            %and3A_182 = arith.andi %and3A_87, %eq3A_181 : vector<16xi1>
            %scatter3A_183 = arith.constant 0 : i32
            %scatter3A_184 = tpu.memref_slice %arg11[%scatter3A_183] : memref<73728xf32, #tpu.memory_space<vmem>> -> memref<73728xf32, #tpu.memory_space<vmem>>
            tpu.vector_store_idx %scatter3A_184[%select_n3A], %get3A_132 masked %and3A_182 {add = true} : memref<73728xf32, #tpu.memory_space<vmem>>[vector<16xi32>], vector<16xf32>, vector<16xi1>
            %eq3A_185 = arith.constant 6 : i32
            %eq3A_186 = vector.broadcast %eq3A_185 : i32 to vector<16xi32>
            %eq3A_187 = arith.cmpi eq, %iota3A, %eq3A_186 : vector<16xi32>
            %and3A_188 = arith.andi %and3A_87, %eq3A_187 : vector<16xi1>
            %scatter3A_189 = arith.constant 0 : i32
            %scatter3A_190 = tpu.memref_slice %arg11[%scatter3A_189] : memref<73728xf32, #tpu.memory_space<vmem>> -> memref<73728xf32, #tpu.memory_space<vmem>>
            tpu.vector_store_idx %scatter3A_190[%select_n3A], %get3A_132 masked %and3A_188 {add = true} : memref<73728xf32, #tpu.memory_space<vmem>>[vector<16xi32>], vector<16xf32>, vector<16xi1>
            %eq3A_191 = arith.constant 7 : i32
            %eq3A_192 = vector.broadcast %eq3A_191 : i32 to vector<16xi32>
            %eq3A_193 = arith.cmpi eq, %iota3A, %eq3A_192 : vector<16xi32>
            %and3A_194 = arith.andi %and3A_87, %eq3A_193 : vector<16xi1>
            %scatter3A_195 = arith.constant 0 : i32
            %scatter3A_196 = tpu.memref_slice %arg11[%scatter3A_195] : memref<73728xf32, #tpu.memory_space<vmem>> -> memref<73728xf32, #tpu.memory_space<vmem>>
            tpu.vector_store_idx %scatter3A_196[%select_n3A], %get3A_132 masked %and3A_194 {add = true} : memref<73728xf32, #tpu.memory_space<vmem>>[vector<16xi32>], vector<16xf32>, vector<16xi1>
            %eq3A_197 = arith.constant 8 : i32
            %eq3A_198 = vector.broadcast %eq3A_197 : i32 to vector<16xi32>
            %eq3A_199 = arith.cmpi eq, %iota3A, %eq3A_198 : vector<16xi32>
            %and3A_200 = arith.andi %and3A_87, %eq3A_199 : vector<16xi1>
            %scatter3A_201 = arith.constant 0 : i32
            %scatter3A_202 = tpu.memref_slice %arg11[%scatter3A_201] : memref<73728xf32, #tpu.memory_space<vmem>> -> memref<73728xf32, #tpu.memory_space<vmem>>
            tpu.vector_store_idx %scatter3A_202[%select_n3A], %get3A_132 masked %and3A_200 {add = true} : memref<73728xf32, #tpu.memory_space<vmem>>[vector<16xi32>], vector<16xf32>, vector<16xi1>
            %eq3A_203 = arith.constant 9 : i32
            %eq3A_204 = vector.broadcast %eq3A_203 : i32 to vector<16xi32>
            %eq3A_205 = arith.cmpi eq, %iota3A, %eq3A_204 : vector<16xi32>
            %and3A_206 = arith.andi %and3A_87, %eq3A_205 : vector<16xi1>
            %scatter3A_207 = arith.constant 0 : i32
            %scatter3A_208 = tpu.memref_slice %arg11[%scatter3A_207] : memref<73728xf32, #tpu.memory_space<vmem>> -> memref<73728xf32, #tpu.memory_space<vmem>>
            tpu.vector_store_idx %scatter3A_208[%select_n3A], %get3A_132 masked %and3A_206 {add = true} : memref<73728xf32, #tpu.memory_space<vmem>>[vector<16xi32>], vector<16xf32>, vector<16xi1>
            %eq3A_209 = arith.constant 10 : i32
            %eq3A_210 = vector.broadcast %eq3A_209 : i32 to vector<16xi32>
            %eq3A_211 = arith.cmpi eq, %iota3A, %eq3A_210 : vector<16xi32>
            %and3A_212 = arith.andi %and3A_87, %eq3A_211 : vector<16xi1>
            %scatter3A_213 = arith.constant 0 : i32
            %scatter3A_214 = tpu.memref_slice %arg11[%scatter3A_213] : memref<73728xf32, #tpu.memory_space<vmem>> -> memref<73728xf32, #tpu.memory_space<vmem>>
            tpu.vector_store_idx %scatter3A_214[%select_n3A], %get3A_132 masked %and3A_212 {add = true} : memref<73728xf32, #tpu.memory_space<vmem>>[vector<16xi32>], vector<16xf32>, vector<16xi1>
            %eq3A_215 = arith.constant 11 : i32
            %eq3A_216 = vector.broadcast %eq3A_215 : i32 to vector<16xi32>
            %eq3A_217 = arith.cmpi eq, %iota3A, %eq3A_216 : vector<16xi32>
            %and3A_218 = arith.andi %and3A_87, %eq3A_217 : vector<16xi1>
            %scatter3A_219 = arith.constant 0 : i32
            %scatter3A_220 = tpu.memref_slice %arg11[%scatter3A_219] : memref<73728xf32, #tpu.memory_space<vmem>> -> memref<73728xf32, #tpu.memory_space<vmem>>
            tpu.vector_store_idx %scatter3A_220[%select_n3A], %get3A_132 masked %and3A_218 {add = true} : memref<73728xf32, #tpu.memory_space<vmem>>[vector<16xi32>], vector<16xf32>, vector<16xi1>
            %eq3A_221 = arith.constant 12 : i32
            %eq3A_222 = vector.broadcast %eq3A_221 : i32 to vector<16xi32>
            %eq3A_223 = arith.cmpi eq, %iota3A, %eq3A_222 : vector<16xi32>
            %and3A_224 = arith.andi %and3A_87, %eq3A_223 : vector<16xi1>
            %scatter3A_225 = arith.constant 0 : i32
            %scatter3A_226 = tpu.memref_slice %arg11[%scatter3A_225] : memref<73728xf32, #tpu.memory_space<vmem>> -> memref<73728xf32, #tpu.memory_space<vmem>>
            tpu.vector_store_idx %scatter3A_226[%select_n3A], %get3A_132 masked %and3A_224 {add = true} : memref<73728xf32, #tpu.memory_space<vmem>>[vector<16xi32>], vector<16xf32>, vector<16xi1>
            %eq3A_227 = arith.constant 13 : i32
            %eq3A_228 = vector.broadcast %eq3A_227 : i32 to vector<16xi32>
            %eq3A_229 = arith.cmpi eq, %iota3A, %eq3A_228 : vector<16xi32>
            %and3A_230 = arith.andi %and3A_87, %eq3A_229 : vector<16xi1>
            %scatter3A_231 = arith.constant 0 : i32
            %scatter3A_232 = tpu.memref_slice %arg11[%scatter3A_231] : memref<73728xf32, #tpu.memory_space<vmem>> -> memref<73728xf32, #tpu.memory_space<vmem>>
            tpu.vector_store_idx %scatter3A_232[%select_n3A], %get3A_132 masked %and3A_230 {add = true} : memref<73728xf32, #tpu.memory_space<vmem>>[vector<16xi32>], vector<16xf32>, vector<16xi1>
            %eq3A_233 = arith.constant 14 : i32
            %eq3A_234 = vector.broadcast %eq3A_233 : i32 to vector<16xi32>
            %eq3A_235 = arith.cmpi eq, %iota3A, %eq3A_234 : vector<16xi32>
            %and3A_236 = arith.andi %and3A_87, %eq3A_235 : vector<16xi1>
            %scatter3A_237 = arith.constant 0 : i32
            %scatter3A_238 = tpu.memref_slice %arg11[%scatter3A_237] : memref<73728xf32, #tpu.memory_space<vmem>> -> memref<73728xf32, #tpu.memory_space<vmem>>
            tpu.vector_store_idx %scatter3A_238[%select_n3A], %get3A_132 masked %and3A_236 {add = true} : memref<73728xf32, #tpu.memory_space<vmem>>[vector<16xi32>], vector<16xf32>, vector<16xi1>
            %eq3A_239 = arith.constant 15 : i32
            %eq3A_240 = vector.broadcast %eq3A_239 : i32 to vector<16xi32>
            %eq3A_241 = arith.cmpi eq, %iota3A, %eq3A_240 : vector<16xi32>
            %and3A_242 = arith.andi %and3A_87, %eq3A_241 : vector<16xi1>
            %scatter3A_243 = arith.constant 0 : i32
            %scatter3A_244 = tpu.memref_slice %arg11[%scatter3A_243] : memref<73728xf32, #tpu.memory_space<vmem>> -> memref<73728xf32, #tpu.memory_space<vmem>>
            tpu.vector_store_idx %scatter3A_244[%select_n3A], %get3A_132 masked %and3A_242 {add = true} : memref<73728xf32, #tpu.memory_space<vmem>>[vector<16xi32>], vector<16xf32>, vector<16xi1>
          } else {
          }
        } else {
        }
        %mul3A_102 = arith.constant 64 : i32
        %mul3A_103 = arith.muli %scan3A_27, %mul3A_102 : i32
        %add3A_104 = arith.constant 48 : i32
        %add3A_105 = arith.addi %mul3A_103, %add3A_104 : i32
        %get3A_106 = arith.index_cast %add3A_105 : i32 to index
        %get3A_107 = tpu.vector_load %arg12[%get3A_106] {strides = array<i32>} : memref<6400xi32, #tpu.memory_space<vmem>>, vector<16xi32>,
        %ge3A_108 = vector.broadcast %mul3A_2 : i32 to vector<16xi32>
        %ge3A_109 = arith.cmpi sge, %get3A_107, %ge3A_108 : vector<16xi32>
        %add3A_110 = arith.constant 48 : i32
        %add3A_111 = arith.addi %mul3A_2, %add3A_110 : i32
        %lt3A_112 = vector.broadcast %add3A_111 : i32 to vector<16xi32>
        %lt3A_113 = arith.cmpi slt, %get3A_107, %lt3A_112 : vector<16xi32>
        %and3A_114 = arith.andi %ge3A_109, %lt3A_113 : vector<16xi1>
        %reduce_or3A_115 = arith.constant 1.000000e+00 : f32
        %reduce_or3A_116 = arith.constant 0.000000e+00 : f32
        %reduce_or3A_117 = vector.broadcast %reduce_or3A_115 : f32 to vector<16xf32>
        %reduce_or3A_118 = vector.broadcast %reduce_or3A_116 : f32 to vector<16xf32>
        %reduce_or3A_119 = arith.select %and3A_114, %reduce_or3A_117, %reduce_or3A_118 : vector<16xi1>, vector<16xf32>
        %reduce_or3A_120 = arith.constant true
        %reduce_or3A_121 = vector.broadcast %reduce_or3A_120 : i1 to vector<16xi1>
        %reduce_or3A_122 = tpu.scan <max>, %reduce_or3A_119 masked %reduce_or3A_121 : vector<16xf32>, vector<16xi1> -> vector<16xf32>
        %reduce_or3A_123 = vector.extract %reduce_or3A_122[15] : f32 from vector<16xf32>
        %reduce_or3A_124 = arith.constant 0.000000e+00 : f32
        %reduce_or3A_125 = arith.cmpf ogt, %reduce_or3A_123, %reduce_or3A_124 : f32
        %convert_element_type3A_126 = arith.extui %reduce_or3A_125 : i1 to i32
        %cond3A_127 = arith.constant 0 : i32
        %cond3A_128 = arith.cmpi ne, %convert_element_type3A_126, %cond3A_127 : i32
        scf.if %cond3A_128 {
          %get3A_129 = arith.index_cast %add3A_105 : i32 to index
          %get3A_130 = tpu.vector_load %arg13[%get3A_129] {strides = array<i32>} : memref<6400xi32, #tpu.memory_space<vmem>>, vector<16xi32>,
          %get3A_131 = arith.index_cast %add3A_105 : i32 to index
          %get3A_132 = tpu.vector_load %arg14[%get3A_131] {strides = array<i32>} : memref<6400xf32, #tpu.memory_space<vmem>>, vector<16xf32>,
          %sub3A = vector.broadcast %mul3A_2 : i32 to vector<16xi32>
          %sub3A_133 = arith.subi %get3A_107, %sub3A : vector<16xi32>
          %mul3A_134 = arith.constant 1536 : i32
          %mul3A_135 = vector.broadcast %mul3A_134 : i32 to vector<16xi32>
          %mul3A_136 = arith.muli %sub3A_133, %mul3A_135 : vector<16xi32>
          %add3A_137 = arith.addi %mul3A_136, %get3A_130 : vector<16xi32>
          %jit3A = arith.constant 0 : i32
          %broadcast_in_dim3A = vector.broadcast %jit3A : i32 to vector<16xi32>
          %select_n3A = arith.select %and3A_114, %add3A_137, %broadcast_in_dim3A : vector<16xi1>, vector<16xi32>
          %convert_element_type3A_138 = arith.extui %and3A_114 : vector<16xi1> to vector<16xi32>
          %reduce_sum3A = arith.constant true
          %reduce_sum3A_139 = vector.broadcast %reduce_sum3A : i1 to vector<16xi1>
          %reduce_sum3A_140 = tpu.scan <sum>, %convert_element_type3A_138 masked %reduce_sum3A_139 : vector<16xi32>, vector<16xi1> -> vector<16xi32>
          %reduce_sum3A_141 = vector.extract %reduce_sum3A_140[15] : i32 from vector<16xi32>
          %eq3A = arith.constant 1 : i32
          %eq3A_142 = arith.cmpi eq, %reduce_sum3A_141, %eq3A : i32
          %convert_element_type3A_143 = arith.extui %eq3A_142 : i1 to i32
          %cond3A_144 = arith.constant 0 : i32
          %cond3A_145 = arith.cmpi ne, %convert_element_type3A_143, %cond3A_144 : i32
          scf.if %cond3A_145 {
            %scatter3A = arith.constant 0 : i32
            %scatter3A_150 = tpu.memref_slice %arg11[%scatter3A] : memref<73728xf32, #tpu.memory_space<vmem>> -> memref<73728xf32, #tpu.memory_space<vmem>>
            tpu.vector_store_idx %scatter3A_150[%select_n3A], %get3A_132 masked %and3A_114 {add = true} : memref<73728xf32, #tpu.memory_space<vmem>>[vector<16xi32>], vector<16xf32>, vector<16xi1>
          } else {
          }
          %gt3A = arith.constant 1 : i32
          %gt3A_146 = arith.cmpi sgt, %reduce_sum3A_141, %gt3A : i32
          %convert_element_type3A_147 = arith.extui %gt3A_146 : i1 to i32
          %cond3A_148 = arith.constant 0 : i32
          %cond3A_149 = arith.cmpi ne, %convert_element_type3A_147, %cond3A_148 : i32
          scf.if %cond3A_149 {
            %eq3A_150 = arith.constant 0 : i32
            %eq3A_151 = vector.broadcast %eq3A_150 : i32 to vector<16xi32>
            %eq3A_152 = arith.cmpi eq, %iota3A, %eq3A_151 : vector<16xi32>
            %and3A_153 = arith.andi %and3A_114, %eq3A_152 : vector<16xi1>
            %scatter3A = arith.constant 0 : i32
            %scatter3A_154 = tpu.memref_slice %arg11[%scatter3A] : memref<73728xf32, #tpu.memory_space<vmem>> -> memref<73728xf32, #tpu.memory_space<vmem>>
            tpu.vector_store_idx %scatter3A_154[%select_n3A], %get3A_132 masked %and3A_153 {add = true} : memref<73728xf32, #tpu.memory_space<vmem>>[vector<16xi32>], vector<16xf32>, vector<16xi1>
            %eq3A_155 = arith.constant 1 : i32
            %eq3A_156 = vector.broadcast %eq3A_155 : i32 to vector<16xi32>
            %eq3A_157 = arith.cmpi eq, %iota3A, %eq3A_156 : vector<16xi32>
            %and3A_158 = arith.andi %and3A_114, %eq3A_157 : vector<16xi1>
            %scatter3A_159 = arith.constant 0 : i32
            %scatter3A_160 = tpu.memref_slice %arg11[%scatter3A_159] : memref<73728xf32, #tpu.memory_space<vmem>> -> memref<73728xf32, #tpu.memory_space<vmem>>
            tpu.vector_store_idx %scatter3A_160[%select_n3A], %get3A_132 masked %and3A_158 {add = true} : memref<73728xf32, #tpu.memory_space<vmem>>[vector<16xi32>], vector<16xf32>, vector<16xi1>
            %eq3A_161 = arith.constant 2 : i32
            %eq3A_162 = vector.broadcast %eq3A_161 : i32 to vector<16xi32>
            %eq3A_163 = arith.cmpi eq, %iota3A, %eq3A_162 : vector<16xi32>
            %and3A_164 = arith.andi %and3A_114, %eq3A_163 : vector<16xi1>
            %scatter3A_165 = arith.constant 0 : i32
            %scatter3A_166 = tpu.memref_slice %arg11[%scatter3A_165] : memref<73728xf32, #tpu.memory_space<vmem>> -> memref<73728xf32, #tpu.memory_space<vmem>>
            tpu.vector_store_idx %scatter3A_166[%select_n3A], %get3A_132 masked %and3A_164 {add = true} : memref<73728xf32, #tpu.memory_space<vmem>>[vector<16xi32>], vector<16xf32>, vector<16xi1>
            %eq3A_167 = arith.constant 3 : i32
            %eq3A_168 = vector.broadcast %eq3A_167 : i32 to vector<16xi32>
            %eq3A_169 = arith.cmpi eq, %iota3A, %eq3A_168 : vector<16xi32>
            %and3A_170 = arith.andi %and3A_114, %eq3A_169 : vector<16xi1>
            %scatter3A_171 = arith.constant 0 : i32
            %scatter3A_172 = tpu.memref_slice %arg11[%scatter3A_171] : memref<73728xf32, #tpu.memory_space<vmem>> -> memref<73728xf32, #tpu.memory_space<vmem>>
            tpu.vector_store_idx %scatter3A_172[%select_n3A], %get3A_132 masked %and3A_170 {add = true} : memref<73728xf32, #tpu.memory_space<vmem>>[vector<16xi32>], vector<16xf32>, vector<16xi1>
            %eq3A_173 = arith.constant 4 : i32
            %eq3A_174 = vector.broadcast %eq3A_173 : i32 to vector<16xi32>
            %eq3A_175 = arith.cmpi eq, %iota3A, %eq3A_174 : vector<16xi32>
            %and3A_176 = arith.andi %and3A_114, %eq3A_175 : vector<16xi1>
            %scatter3A_177 = arith.constant 0 : i32
            %scatter3A_178 = tpu.memref_slice %arg11[%scatter3A_177] : memref<73728xf32, #tpu.memory_space<vmem>> -> memref<73728xf32, #tpu.memory_space<vmem>>
            tpu.vector_store_idx %scatter3A_178[%select_n3A], %get3A_132 masked %and3A_176 {add = true} : memref<73728xf32, #tpu.memory_space<vmem>>[vector<16xi32>], vector<16xf32>, vector<16xi1>
            %eq3A_179 = arith.constant 5 : i32
            %eq3A_180 = vector.broadcast %eq3A_179 : i32 to vector<16xi32>
            %eq3A_181 = arith.cmpi eq, %iota3A, %eq3A_180 : vector<16xi32>
            %and3A_182 = arith.andi %and3A_114, %eq3A_181 : vector<16xi1>
            %scatter3A_183 = arith.constant 0 : i32
            %scatter3A_184 = tpu.memref_slice %arg11[%scatter3A_183] : memref<73728xf32, #tpu.memory_space<vmem>> -> memref<73728xf32, #tpu.memory_space<vmem>>
            tpu.vector_store_idx %scatter3A_184[%select_n3A], %get3A_132 masked %and3A_182 {add = true} : memref<73728xf32, #tpu.memory_space<vmem>>[vector<16xi32>], vector<16xf32>, vector<16xi1>
            %eq3A_185 = arith.constant 6 : i32
            %eq3A_186 = vector.broadcast %eq3A_185 : i32 to vector<16xi32>
            %eq3A_187 = arith.cmpi eq, %iota3A, %eq3A_186 : vector<16xi32>
            %and3A_188 = arith.andi %and3A_114, %eq3A_187 : vector<16xi1>
            %scatter3A_189 = arith.constant 0 : i32
            %scatter3A_190 = tpu.memref_slice %arg11[%scatter3A_189] : memref<73728xf32, #tpu.memory_space<vmem>> -> memref<73728xf32, #tpu.memory_space<vmem>>
            tpu.vector_store_idx %scatter3A_190[%select_n3A], %get3A_132 masked %and3A_188 {add = true} : memref<73728xf32, #tpu.memory_space<vmem>>[vector<16xi32>], vector<16xf32>, vector<16xi1>
            %eq3A_191 = arith.constant 7 : i32
            %eq3A_192 = vector.broadcast %eq3A_191 : i32 to vector<16xi32>
            %eq3A_193 = arith.cmpi eq, %iota3A, %eq3A_192 : vector<16xi32>
            %and3A_194 = arith.andi %and3A_114, %eq3A_193 : vector<16xi1>
            %scatter3A_195 = arith.constant 0 : i32
            %scatter3A_196 = tpu.memref_slice %arg11[%scatter3A_195] : memref<73728xf32, #tpu.memory_space<vmem>> -> memref<73728xf32, #tpu.memory_space<vmem>>
            tpu.vector_store_idx %scatter3A_196[%select_n3A], %get3A_132 masked %and3A_194 {add = true} : memref<73728xf32, #tpu.memory_space<vmem>>[vector<16xi32>], vector<16xf32>, vector<16xi1>
            %eq3A_197 = arith.constant 8 : i32
            %eq3A_198 = vector.broadcast %eq3A_197 : i32 to vector<16xi32>
            %eq3A_199 = arith.cmpi eq, %iota3A, %eq3A_198 : vector<16xi32>
            %and3A_200 = arith.andi %and3A_114, %eq3A_199 : vector<16xi1>
            %scatter3A_201 = arith.constant 0 : i32
            %scatter3A_202 = tpu.memref_slice %arg11[%scatter3A_201] : memref<73728xf32, #tpu.memory_space<vmem>> -> memref<73728xf32, #tpu.memory_space<vmem>>
            tpu.vector_store_idx %scatter3A_202[%select_n3A], %get3A_132 masked %and3A_200 {add = true} : memref<73728xf32, #tpu.memory_space<vmem>>[vector<16xi32>], vector<16xf32>, vector<16xi1>
            %eq3A_203 = arith.constant 9 : i32
            %eq3A_204 = vector.broadcast %eq3A_203 : i32 to vector<16xi32>
            %eq3A_205 = arith.cmpi eq, %iota3A, %eq3A_204 : vector<16xi32>
            %and3A_206 = arith.andi %and3A_114, %eq3A_205 : vector<16xi1>
            %scatter3A_207 = arith.constant 0 : i32
            %scatter3A_208 = tpu.memref_slice %arg11[%scatter3A_207] : memref<73728xf32, #tpu.memory_space<vmem>> -> memref<73728xf32, #tpu.memory_space<vmem>>
            tpu.vector_store_idx %scatter3A_208[%select_n3A], %get3A_132 masked %and3A_206 {add = true} : memref<73728xf32, #tpu.memory_space<vmem>>[vector<16xi32>], vector<16xf32>, vector<16xi1>
            %eq3A_209 = arith.constant 10 : i32
            %eq3A_210 = vector.broadcast %eq3A_209 : i32 to vector<16xi32>
            %eq3A_211 = arith.cmpi eq, %iota3A, %eq3A_210 : vector<16xi32>
            %and3A_212 = arith.andi %and3A_114, %eq3A_211 : vector<16xi1>
            %scatter3A_213 = arith.constant 0 : i32
            %scatter3A_214 = tpu.memref_slice %arg11[%scatter3A_213] : memref<73728xf32, #tpu.memory_space<vmem>> -> memref<73728xf32, #tpu.memory_space<vmem>>
            tpu.vector_store_idx %scatter3A_214[%select_n3A], %get3A_132 masked %and3A_212 {add = true} : memref<73728xf32, #tpu.memory_space<vmem>>[vector<16xi32>], vector<16xf32>, vector<16xi1>
            %eq3A_215 = arith.constant 11 : i32
            %eq3A_216 = vector.broadcast %eq3A_215 : i32 to vector<16xi32>
            %eq3A_217 = arith.cmpi eq, %iota3A, %eq3A_216 : vector<16xi32>
            %and3A_218 = arith.andi %and3A_114, %eq3A_217 : vector<16xi1>
            %scatter3A_219 = arith.constant 0 : i32
            %scatter3A_220 = tpu.memref_slice %arg11[%scatter3A_219] : memref<73728xf32, #tpu.memory_space<vmem>> -> memref<73728xf32, #tpu.memory_space<vmem>>
            tpu.vector_store_idx %scatter3A_220[%select_n3A], %get3A_132 masked %and3A_218 {add = true} : memref<73728xf32, #tpu.memory_space<vmem>>[vector<16xi32>], vector<16xf32>, vector<16xi1>
            %eq3A_221 = arith.constant 12 : i32
            %eq3A_222 = vector.broadcast %eq3A_221 : i32 to vector<16xi32>
            %eq3A_223 = arith.cmpi eq, %iota3A, %eq3A_222 : vector<16xi32>
            %and3A_224 = arith.andi %and3A_114, %eq3A_223 : vector<16xi1>
            %scatter3A_225 = arith.constant 0 : i32
            %scatter3A_226 = tpu.memref_slice %arg11[%scatter3A_225] : memref<73728xf32, #tpu.memory_space<vmem>> -> memref<73728xf32, #tpu.memory_space<vmem>>
            tpu.vector_store_idx %scatter3A_226[%select_n3A], %get3A_132 masked %and3A_224 {add = true} : memref<73728xf32, #tpu.memory_space<vmem>>[vector<16xi32>], vector<16xf32>, vector<16xi1>
            %eq3A_227 = arith.constant 13 : i32
            %eq3A_228 = vector.broadcast %eq3A_227 : i32 to vector<16xi32>
            %eq3A_229 = arith.cmpi eq, %iota3A, %eq3A_228 : vector<16xi32>
            %and3A_230 = arith.andi %and3A_114, %eq3A_229 : vector<16xi1>
            %scatter3A_231 = arith.constant 0 : i32
            %scatter3A_232 = tpu.memref_slice %arg11[%scatter3A_231] : memref<73728xf32, #tpu.memory_space<vmem>> -> memref<73728xf32, #tpu.memory_space<vmem>>
            tpu.vector_store_idx %scatter3A_232[%select_n3A], %get3A_132 masked %and3A_230 {add = true} : memref<73728xf32, #tpu.memory_space<vmem>>[vector<16xi32>], vector<16xf32>, vector<16xi1>
            %eq3A_233 = arith.constant 14 : i32
            %eq3A_234 = vector.broadcast %eq3A_233 : i32 to vector<16xi32>
            %eq3A_235 = arith.cmpi eq, %iota3A, %eq3A_234 : vector<16xi32>
            %and3A_236 = arith.andi %and3A_114, %eq3A_235 : vector<16xi1>
            %scatter3A_237 = arith.constant 0 : i32
            %scatter3A_238 = tpu.memref_slice %arg11[%scatter3A_237] : memref<73728xf32, #tpu.memory_space<vmem>> -> memref<73728xf32, #tpu.memory_space<vmem>>
            tpu.vector_store_idx %scatter3A_238[%select_n3A], %get3A_132 masked %and3A_236 {add = true} : memref<73728xf32, #tpu.memory_space<vmem>>[vector<16xi32>], vector<16xf32>, vector<16xi1>
            %eq3A_239 = arith.constant 15 : i32
            %eq3A_240 = vector.broadcast %eq3A_239 : i32 to vector<16xi32>
            %eq3A_241 = arith.cmpi eq, %iota3A, %eq3A_240 : vector<16xi32>
            %and3A_242 = arith.andi %and3A_114, %eq3A_241 : vector<16xi1>
            %scatter3A_243 = arith.constant 0 : i32
            %scatter3A_244 = tpu.memref_slice %arg11[%scatter3A_243] : memref<73728xf32, #tpu.memory_space<vmem>> -> memref<73728xf32, #tpu.memory_space<vmem>>
            tpu.vector_store_idx %scatter3A_244[%select_n3A], %get3A_132 masked %and3A_242 {add = true} : memref<73728xf32, #tpu.memory_space<vmem>>[vector<16xi32>], vector<16xf32>, vector<16xi1>
          } else {
          }
        } else {
        }
      }
      %scan3A_26 = arith.constant 100 : i32
    }
    %scan3A_7 = arith.constant 4 : i32
    %mul3A_8 = arith.constant 1536 : i32
    %mul3A_9 = arith.muli %mul3A_2, %mul3A_8 : i32
    "tpu.region"() ({
      %run_scoped3A = tpu.sem_alloc : memref<!tpu.dma_semaphore, #tpu.memory_space<semaphore_mem>>
      %dma_start3A = tpu.memref_slice %arg9[%mul3A_9] : memref<2359296xf32, #tpu.memory_space<hbm>> -> memref<73728xf32, #tpu.memory_space<hbm>>
      %dma_start3A_19 = tpu.memref_slice %arg9[%mul3A_9] : memref<2359296xf32, #tpu.memory_space<hbm>> -> memref<73728xf32, #tpu.memory_space<hbm>>
      tpu.enqueue_dma source(%arg11 : memref<73728xf32, #tpu.memory_space<vmem>>) target(%dma_start3A_19 : memref<73728xf32, #tpu.memory_space<hbm>>) target_semaphore(%run_scoped3A : memref<!tpu.dma_semaphore, #tpu.memory_space<semaphore_mem>>)
      %dma_wait3A = tpu.memref_slice %arg9[%mul3A_9] : memref<2359296xf32, #tpu.memory_space<hbm>> -> memref<73728xf32, #tpu.memory_space<hbm>>
      %dma_wait3A_20 = tpu.memref_slice %arg9[%mul3A_9] : memref<2359296xf32, #tpu.memory_space<hbm>> -> memref<73728xf32, #tpu.memory_space<hbm>>
      tpu.wait_dma2 semaphore(%run_scoped3A : memref<!tpu.dma_semaphore, #tpu.memory_space<semaphore_mem>>) src(%arg11 : memref<73728xf32, #tpu.memory_space<vmem>>) dst(%dma_wait3A_20 : memref<73728xf32, #tpu.memory_space<hbm>>)
      tpu.yield
    }) : () -> ()
    "tpu.region"() ({
      %run_scoped3A = tpu.sem_alloc : memref<!tpu.dma_semaphore, #tpu.memory_space<semaphore_mem>>
      tpu.enqueue_dma source(%arg2 : memref<73728xf32, #tpu.memory_space<hbm>>) target(%arg11 : memref<73728xf32, #tpu.memory_space<vmem>>) target_semaphore(%run_scoped3A : memref<!tpu.dma_semaphore, #tpu.memory_space<semaphore_mem>>)
      tpu.wait_dma2 semaphore(%run_scoped3A : memref<!tpu.dma_semaphore, #tpu.memory_space<semaphore_mem>>) src(%arg2 : memref<73728xf32, #tpu.memory_space<hbm>>) dst(%arg11 : memref<73728xf32, #tpu.memory_space<vmem>>)
      tpu.yield
    }) : () -> ()
    %iota3A_10 = tpu.iota {dimensions = array<i32: 0>} : vector<16xi32>
    %scan3A_11 = arith.constant 0 : i32
    %scan3A_12 = arith.constant 0 : i32
    %scan3A_13 = arith.constant 4 : i32
    %scan3A_14 = arith.addi %scan3A_12, %scan3A_13 : i32
    %scan3A_15 = arith.constant 1 : i32
    scf.for %scan3A_19 = %scan3A_12 to %scan3A_14 step %scan3A_15  : i32 {
      %mul3A_20 = arith.constant 6144 : i32
      %mul3A_21 = arith.muli %scan3A_19, %mul3A_20 : i32
      "tpu.region"() ({
        %run_scoped3A = tpu.sem_alloc : memref<!tpu.dma_semaphore, #tpu.memory_space<semaphore_mem>>
        %dma_start3A = arith.constant 0 : i32
        %dma_start3A_27 = tpu.memref_slice %arg12[%dma_start3A] : memref<6400xi32, #tpu.memory_space<vmem>> -> memref<6144xi32, #tpu.memory_space<vmem>>
        %dma_start3A_28 = tpu.memref_slice %arg6[%mul3A_21] : memref<24576xi32, #tpu.memory_space<hbm>> -> memref<6144xi32, #tpu.memory_space<hbm>>
        %dma_start3A_29 = arith.constant 0 : i32
        %dma_start3A_30 = tpu.memref_slice %arg12[%dma_start3A_29] : memref<6400xi32, #tpu.memory_space<vmem>> -> memref<6144xi32, #tpu.memory_space<vmem>>
        %dma_start3A_31 = tpu.memref_slice %arg6[%mul3A_21] : memref<24576xi32, #tpu.memory_space<hbm>> -> memref<6144xi32, #tpu.memory_space<hbm>>
        tpu.enqueue_dma source(%dma_start3A_31 : memref<6144xi32, #tpu.memory_space<hbm>>) target(%dma_start3A_30 : memref<6144xi32, #tpu.memory_space<vmem>>) target_semaphore(%run_scoped3A : memref<!tpu.dma_semaphore, #tpu.memory_space<semaphore_mem>>)
        %dma_wait3A = arith.constant 0 : i32
        %dma_wait3A_32 = tpu.memref_slice %arg12[%dma_wait3A] : memref<6400xi32, #tpu.memory_space<vmem>> -> memref<6144xi32, #tpu.memory_space<vmem>>
        %dma_wait3A_33 = tpu.memref_slice %arg6[%mul3A_21] : memref<24576xi32, #tpu.memory_space<hbm>> -> memref<6144xi32, #tpu.memory_space<hbm>>
        %dma_wait3A_34 = arith.constant 0 : i32
        %dma_wait3A_35 = tpu.memref_slice %arg12[%dma_wait3A_34] : memref<6400xi32, #tpu.memory_space<vmem>> -> memref<6144xi32, #tpu.memory_space<vmem>>
        %dma_wait3A_36 = tpu.memref_slice %arg6[%mul3A_21] : memref<24576xi32, #tpu.memory_space<hbm>> -> memref<6144xi32, #tpu.memory_space<hbm>>
        tpu.wait_dma2 semaphore(%run_scoped3A : memref<!tpu.dma_semaphore, #tpu.memory_space<semaphore_mem>>) src(%dma_wait3A_36 : memref<6144xi32, #tpu.memory_space<hbm>>) dst(%dma_wait3A_35 : memref<6144xi32, #tpu.memory_space<vmem>>)
        tpu.yield
      }) : () -> ()
      "tpu.region"() ({
        %run_scoped3A = tpu.sem_alloc : memref<!tpu.dma_semaphore, #tpu.memory_space<semaphore_mem>>
        %dma_start3A = arith.constant 0 : i32
        %dma_start3A_27 = tpu.memref_slice %arg13[%dma_start3A] : memref<6400xi32, #tpu.memory_space<vmem>> -> memref<6144xi32, #tpu.memory_space<vmem>>
        %dma_start3A_28 = tpu.memref_slice %arg7[%mul3A_21] : memref<24576xi32, #tpu.memory_space<hbm>> -> memref<6144xi32, #tpu.memory_space<hbm>>
        %dma_start3A_29 = arith.constant 0 : i32
        %dma_start3A_30 = tpu.memref_slice %arg13[%dma_start3A_29] : memref<6400xi32, #tpu.memory_space<vmem>> -> memref<6144xi32, #tpu.memory_space<vmem>>
        %dma_start3A_31 = tpu.memref_slice %arg7[%mul3A_21] : memref<24576xi32, #tpu.memory_space<hbm>> -> memref<6144xi32, #tpu.memory_space<hbm>>
        tpu.enqueue_dma source(%dma_start3A_31 : memref<6144xi32, #tpu.memory_space<hbm>>) target(%dma_start3A_30 : memref<6144xi32, #tpu.memory_space<vmem>>) target_semaphore(%run_scoped3A : memref<!tpu.dma_semaphore, #tpu.memory_space<semaphore_mem>>)
        %dma_wait3A = arith.constant 0 : i32
        %dma_wait3A_32 = tpu.memref_slice %arg13[%dma_wait3A] : memref<6400xi32, #tpu.memory_space<vmem>> -> memref<6144xi32, #tpu.memory_space<vmem>>
        %dma_wait3A_33 = tpu.memref_slice %arg7[%mul3A_21] : memref<24576xi32, #tpu.memory_space<hbm>> -> memref<6144xi32, #tpu.memory_space<hbm>>
        %dma_wait3A_34 = arith.constant 0 : i32
        %dma_wait3A_35 = tpu.memref_slice %arg13[%dma_wait3A_34] : memref<6400xi32, #tpu.memory_space<vmem>> -> memref<6144xi32, #tpu.memory_space<vmem>>
        %dma_wait3A_36 = tpu.memref_slice %arg7[%mul3A_21] : memref<24576xi32, #tpu.memory_space<hbm>> -> memref<6144xi32, #tpu.memory_space<hbm>>
        tpu.wait_dma2 semaphore(%run_scoped3A : memref<!tpu.dma_semaphore, #tpu.memory_space<semaphore_mem>>) src(%dma_wait3A_36 : memref<6144xi32, #tpu.memory_space<hbm>>) dst(%dma_wait3A_35 : memref<6144xi32, #tpu.memory_space<vmem>>)
        tpu.yield
      }) : () -> ()
      "tpu.region"() ({
        %run_scoped3A = tpu.sem_alloc : memref<!tpu.dma_semaphore, #tpu.memory_space<semaphore_mem>>
        %dma_start3A = arith.constant 0 : i32
        %dma_start3A_27 = tpu.memref_slice %arg14[%dma_start3A] : memref<6400xf32, #tpu.memory_space<vmem>> -> memref<6144xf32, #tpu.memory_space<vmem>>
        %dma_start3A_28 = tpu.memref_slice %arg8[%mul3A_21] : memref<24576xf32, #tpu.memory_space<hbm>> -> memref<6144xf32, #tpu.memory_space<hbm>>
        %dma_start3A_29 = arith.constant 0 : i32
        %dma_start3A_30 = tpu.memref_slice %arg14[%dma_start3A_29] : memref<6400xf32, #tpu.memory_space<vmem>> -> memref<6144xf32, #tpu.memory_space<vmem>>
        %dma_start3A_31 = tpu.memref_slice %arg8[%mul3A_21] : memref<24576xf32, #tpu.memory_space<hbm>> -> memref<6144xf32, #tpu.memory_space<hbm>>
        tpu.enqueue_dma source(%dma_start3A_31 : memref<6144xf32, #tpu.memory_space<hbm>>) target(%dma_start3A_30 : memref<6144xf32, #tpu.memory_space<vmem>>) target_semaphore(%run_scoped3A : memref<!tpu.dma_semaphore, #tpu.memory_space<semaphore_mem>>)
        %dma_wait3A = arith.constant 0 : i32
        %dma_wait3A_32 = tpu.memref_slice %arg14[%dma_wait3A] : memref<6400xf32, #tpu.memory_space<vmem>> -> memref<6144xf32, #tpu.memory_space<vmem>>
        %dma_wait3A_33 = tpu.memref_slice %arg8[%mul3A_21] : memref<24576xf32, #tpu.memory_space<hbm>> -> memref<6144xf32, #tpu.memory_space<hbm>>
        %dma_wait3A_34 = arith.constant 0 : i32
        %dma_wait3A_35 = tpu.memref_slice %arg14[%dma_wait3A_34] : memref<6400xf32, #tpu.memory_space<vmem>> -> memref<6144xf32, #tpu.memory_space<vmem>>
        %dma_wait3A_36 = tpu.memref_slice %arg8[%mul3A_21] : memref<24576xf32, #tpu.memory_space<hbm>> -> memref<6144xf32, #tpu.memory_space<hbm>>
        tpu.wait_dma2 semaphore(%run_scoped3A : memref<!tpu.dma_semaphore, #tpu.memory_space<semaphore_mem>>) src(%dma_wait3A_36 : memref<6144xf32, #tpu.memory_space<hbm>>) dst(%dma_wait3A_35 : memref<6144xf32, #tpu.memory_space<vmem>>)
        tpu.yield
      }) : () -> ()
      %scan3A_22 = arith.constant 0 : i32
      %scan3A_23 = arith.constant 96 : i32
      %scan3A_24 = arith.addi %scan3A_22, %scan3A_23 : i32
      %scan3A_25 = arith.constant 1 : i32
      scf.for %scan3A_27 = %scan3A_22 to %scan3A_24 step %scan3A_25  : i32 {
        %mul3A_28 = arith.constant 64 : i32
        %mul3A_29 = arith.muli %scan3A_27, %mul3A_28 : i32
        %add3A_30 = arith.constant 0 : i32
        %add3A_31 = arith.addi %mul3A_29, %add3A_30 : i32
        %get3A = arith.index_cast %add3A_31 : i32 to index
        %get3A_32 = tpu.vector_load %arg12[%get3A] {strides = array<i32>} : memref<6400xi32, #tpu.memory_space<vmem>>, vector<16xi32>,
        %ge3A = vector.broadcast %mul3A_2 : i32 to vector<16xi32>
        %ge3A_33 = arith.cmpi sge, %get3A_32, %ge3A : vector<16xi32>
        %add3A_34 = arith.constant 48 : i32
        %add3A_35 = arith.addi %mul3A_2, %add3A_34 : i32
        %lt3A = vector.broadcast %add3A_35 : i32 to vector<16xi32>
        %lt3A_36 = arith.cmpi slt, %get3A_32, %lt3A : vector<16xi32>
        %and3A = arith.andi %ge3A_33, %lt3A_36 : vector<16xi1>
        %reduce_or3A = arith.constant 1.000000e+00 : f32
        %reduce_or3A_37 = arith.constant 0.000000e+00 : f32
        %reduce_or3A_38 = vector.broadcast %reduce_or3A : f32 to vector<16xf32>
        %reduce_or3A_39 = vector.broadcast %reduce_or3A_37 : f32 to vector<16xf32>
        %reduce_or3A_40 = arith.select %and3A, %reduce_or3A_38, %reduce_or3A_39 : vector<16xi1>, vector<16xf32>
        %reduce_or3A_41 = arith.constant true
        %reduce_or3A_42 = vector.broadcast %reduce_or3A_41 : i1 to vector<16xi1>
        %reduce_or3A_43 = tpu.scan <max>, %reduce_or3A_40 masked %reduce_or3A_42 : vector<16xf32>, vector<16xi1> -> vector<16xf32>
        %reduce_or3A_44 = vector.extract %reduce_or3A_43[15] : f32 from vector<16xf32>
        %reduce_or3A_45 = arith.constant 0.000000e+00 : f32
        %reduce_or3A_46 = arith.cmpf ogt, %reduce_or3A_44, %reduce_or3A_45 : f32
        %convert_element_type3A = arith.extui %reduce_or3A_46 : i1 to i32
        %cond3A = arith.constant 0 : i32
        %cond3A_47 = arith.cmpi ne, %convert_element_type3A, %cond3A : i32
        scf.if %cond3A_47 {
          %get3A_129 = arith.index_cast %add3A_31 : i32 to index
          %get3A_130 = tpu.vector_load %arg13[%get3A_129] {strides = array<i32>} : memref<6400xi32, #tpu.memory_space<vmem>>, vector<16xi32>,
          %get3A_131 = arith.index_cast %add3A_31 : i32 to index
          %get3A_132 = tpu.vector_load %arg14[%get3A_131] {strides = array<i32>} : memref<6400xf32, #tpu.memory_space<vmem>>, vector<16xf32>,
          %sub3A = vector.broadcast %mul3A_2 : i32 to vector<16xi32>
          %sub3A_133 = arith.subi %get3A_32, %sub3A : vector<16xi32>
          %mul3A_134 = arith.constant 1536 : i32
          %mul3A_135 = vector.broadcast %mul3A_134 : i32 to vector<16xi32>
          %mul3A_136 = arith.muli %sub3A_133, %mul3A_135 : vector<16xi32>
          %add3A_137 = arith.addi %mul3A_136, %get3A_130 : vector<16xi32>
          %jit3A = arith.constant 0 : i32
          %broadcast_in_dim3A = vector.broadcast %jit3A : i32 to vector<16xi32>
          %select_n3A = arith.select %and3A, %add3A_137, %broadcast_in_dim3A : vector<16xi1>, vector<16xi32>
          %convert_element_type3A_138 = arith.extui %and3A : vector<16xi1> to vector<16xi32>
          %reduce_sum3A = arith.constant true
          %reduce_sum3A_139 = vector.broadcast %reduce_sum3A : i1 to vector<16xi1>
          %reduce_sum3A_140 = tpu.scan <sum>, %convert_element_type3A_138 masked %reduce_sum3A_139 : vector<16xi32>, vector<16xi1> -> vector<16xi32>
          %reduce_sum3A_141 = vector.extract %reduce_sum3A_140[15] : i32 from vector<16xi32>
          %eq3A = arith.constant 1 : i32
          %eq3A_142 = arith.cmpi eq, %reduce_sum3A_141, %eq3A : i32
          %convert_element_type3A_143 = arith.extui %eq3A_142 : i1 to i32
          %cond3A_144 = arith.constant 0 : i32
          %cond3A_145 = arith.cmpi ne, %convert_element_type3A_143, %cond3A_144 : i32
          scf.if %cond3A_145 {
            %scatter3A = arith.constant 0 : i32
            %scatter3A_150 = tpu.memref_slice %arg11[%scatter3A] : memref<73728xf32, #tpu.memory_space<vmem>> -> memref<73728xf32, #tpu.memory_space<vmem>>
            tpu.vector_store_idx %scatter3A_150[%select_n3A], %get3A_132 masked %and3A {add = true} : memref<73728xf32, #tpu.memory_space<vmem>>[vector<16xi32>], vector<16xf32>, vector<16xi1>
          } else {
          }
          %gt3A = arith.constant 1 : i32
          %gt3A_146 = arith.cmpi sgt, %reduce_sum3A_141, %gt3A : i32
          %convert_element_type3A_147 = arith.extui %gt3A_146 : i1 to i32
          %cond3A_148 = arith.constant 0 : i32
          %cond3A_149 = arith.cmpi ne, %convert_element_type3A_147, %cond3A_148 : i32
          scf.if %cond3A_149 {
            %eq3A_150 = arith.constant 0 : i32
            %eq3A_151 = vector.broadcast %eq3A_150 : i32 to vector<16xi32>
            %eq3A_152 = arith.cmpi eq, %iota3A_10, %eq3A_151 : vector<16xi32>
            %and3A_153 = arith.andi %and3A, %eq3A_152 : vector<16xi1>
            %scatter3A = arith.constant 0 : i32
            %scatter3A_154 = tpu.memref_slice %arg11[%scatter3A] : memref<73728xf32, #tpu.memory_space<vmem>> -> memref<73728xf32, #tpu.memory_space<vmem>>
            tpu.vector_store_idx %scatter3A_154[%select_n3A], %get3A_132 masked %and3A_153 {add = true} : memref<73728xf32, #tpu.memory_space<vmem>>[vector<16xi32>], vector<16xf32>, vector<16xi1>
            %eq3A_155 = arith.constant 1 : i32
            %eq3A_156 = vector.broadcast %eq3A_155 : i32 to vector<16xi32>
            %eq3A_157 = arith.cmpi eq, %iota3A_10, %eq3A_156 : vector<16xi32>
            %and3A_158 = arith.andi %and3A, %eq3A_157 : vector<16xi1>
            %scatter3A_159 = arith.constant 0 : i32
            %scatter3A_160 = tpu.memref_slice %arg11[%scatter3A_159] : memref<73728xf32, #tpu.memory_space<vmem>> -> memref<73728xf32, #tpu.memory_space<vmem>>
            tpu.vector_store_idx %scatter3A_160[%select_n3A], %get3A_132 masked %and3A_158 {add = true} : memref<73728xf32, #tpu.memory_space<vmem>>[vector<16xi32>], vector<16xf32>, vector<16xi1>
            %eq3A_161 = arith.constant 2 : i32
            %eq3A_162 = vector.broadcast %eq3A_161 : i32 to vector<16xi32>
            %eq3A_163 = arith.cmpi eq, %iota3A_10, %eq3A_162 : vector<16xi32>
            %and3A_164 = arith.andi %and3A, %eq3A_163 : vector<16xi1>
            %scatter3A_165 = arith.constant 0 : i32
            %scatter3A_166 = tpu.memref_slice %arg11[%scatter3A_165] : memref<73728xf32, #tpu.memory_space<vmem>> -> memref<73728xf32, #tpu.memory_space<vmem>>
            tpu.vector_store_idx %scatter3A_166[%select_n3A], %get3A_132 masked %and3A_164 {add = true} : memref<73728xf32, #tpu.memory_space<vmem>>[vector<16xi32>], vector<16xf32>, vector<16xi1>
            %eq3A_167 = arith.constant 3 : i32
            %eq3A_168 = vector.broadcast %eq3A_167 : i32 to vector<16xi32>
            %eq3A_169 = arith.cmpi eq, %iota3A_10, %eq3A_168 : vector<16xi32>
            %and3A_170 = arith.andi %and3A, %eq3A_169 : vector<16xi1>
            %scatter3A_171 = arith.constant 0 : i32
            %scatter3A_172 = tpu.memref_slice %arg11[%scatter3A_171] : memref<73728xf32, #tpu.memory_space<vmem>> -> memref<73728xf32, #tpu.memory_space<vmem>>
            tpu.vector_store_idx %scatter3A_172[%select_n3A], %get3A_132 masked %and3A_170 {add = true} : memref<73728xf32, #tpu.memory_space<vmem>>[vector<16xi32>], vector<16xf32>, vector<16xi1>
            %eq3A_173 = arith.constant 4 : i32
            %eq3A_174 = vector.broadcast %eq3A_173 : i32 to vector<16xi32>
            %eq3A_175 = arith.cmpi eq, %iota3A_10, %eq3A_174 : vector<16xi32>
            %and3A_176 = arith.andi %and3A, %eq3A_175 : vector<16xi1>
            %scatter3A_177 = arith.constant 0 : i32
            %scatter3A_178 = tpu.memref_slice %arg11[%scatter3A_177] : memref<73728xf32, #tpu.memory_space<vmem>> -> memref<73728xf32, #tpu.memory_space<vmem>>
            tpu.vector_store_idx %scatter3A_178[%select_n3A], %get3A_132 masked %and3A_176 {add = true} : memref<73728xf32, #tpu.memory_space<vmem>>[vector<16xi32>], vector<16xf32>, vector<16xi1>
            %eq3A_179 = arith.constant 5 : i32
            %eq3A_180 = vector.broadcast %eq3A_179 : i32 to vector<16xi32>
            %eq3A_181 = arith.cmpi eq, %iota3A_10, %eq3A_180 : vector<16xi32>
            %and3A_182 = arith.andi %and3A, %eq3A_181 : vector<16xi1>
            %scatter3A_183 = arith.constant 0 : i32
            %scatter3A_184 = tpu.memref_slice %arg11[%scatter3A_183] : memref<73728xf32, #tpu.memory_space<vmem>> -> memref<73728xf32, #tpu.memory_space<vmem>>
            tpu.vector_store_idx %scatter3A_184[%select_n3A], %get3A_132 masked %and3A_182 {add = true} : memref<73728xf32, #tpu.memory_space<vmem>>[vector<16xi32>], vector<16xf32>, vector<16xi1>
            %eq3A_185 = arith.constant 6 : i32
            %eq3A_186 = vector.broadcast %eq3A_185 : i32 to vector<16xi32>
            %eq3A_187 = arith.cmpi eq, %iota3A_10, %eq3A_186 : vector<16xi32>
            %and3A_188 = arith.andi %and3A, %eq3A_187 : vector<16xi1>
            %scatter3A_189 = arith.constant 0 : i32
            %scatter3A_190 = tpu.memref_slice %arg11[%scatter3A_189] : memref<73728xf32, #tpu.memory_space<vmem>> -> memref<73728xf32, #tpu.memory_space<vmem>>
            tpu.vector_store_idx %scatter3A_190[%select_n3A], %get3A_132 masked %and3A_188 {add = true} : memref<73728xf32, #tpu.memory_space<vmem>>[vector<16xi32>], vector<16xf32>, vector<16xi1>
            %eq3A_191 = arith.constant 7 : i32
            %eq3A_192 = vector.broadcast %eq3A_191 : i32 to vector<16xi32>
            %eq3A_193 = arith.cmpi eq, %iota3A_10, %eq3A_192 : vector<16xi32>
            %and3A_194 = arith.andi %and3A, %eq3A_193 : vector<16xi1>
            %scatter3A_195 = arith.constant 0 : i32
            %scatter3A_196 = tpu.memref_slice %arg11[%scatter3A_195] : memref<73728xf32, #tpu.memory_space<vmem>> -> memref<73728xf32, #tpu.memory_space<vmem>>
            tpu.vector_store_idx %scatter3A_196[%select_n3A], %get3A_132 masked %and3A_194 {add = true} : memref<73728xf32, #tpu.memory_space<vmem>>[vector<16xi32>], vector<16xf32>, vector<16xi1>
            %eq3A_197 = arith.constant 8 : i32
            %eq3A_198 = vector.broadcast %eq3A_197 : i32 to vector<16xi32>
            %eq3A_199 = arith.cmpi eq, %iota3A_10, %eq3A_198 : vector<16xi32>
            %and3A_200 = arith.andi %and3A, %eq3A_199 : vector<16xi1>
            %scatter3A_201 = arith.constant 0 : i32
            %scatter3A_202 = tpu.memref_slice %arg11[%scatter3A_201] : memref<73728xf32, #tpu.memory_space<vmem>> -> memref<73728xf32, #tpu.memory_space<vmem>>
            tpu.vector_store_idx %scatter3A_202[%select_n3A], %get3A_132 masked %and3A_200 {add = true} : memref<73728xf32, #tpu.memory_space<vmem>>[vector<16xi32>], vector<16xf32>, vector<16xi1>
            %eq3A_203 = arith.constant 9 : i32
            %eq3A_204 = vector.broadcast %eq3A_203 : i32 to vector<16xi32>
            %eq3A_205 = arith.cmpi eq, %iota3A_10, %eq3A_204 : vector<16xi32>
            %and3A_206 = arith.andi %and3A, %eq3A_205 : vector<16xi1>
            %scatter3A_207 = arith.constant 0 : i32
            %scatter3A_208 = tpu.memref_slice %arg11[%scatter3A_207] : memref<73728xf32, #tpu.memory_space<vmem>> -> memref<73728xf32, #tpu.memory_space<vmem>>
            tpu.vector_store_idx %scatter3A_208[%select_n3A], %get3A_132 masked %and3A_206 {add = true} : memref<73728xf32, #tpu.memory_space<vmem>>[vector<16xi32>], vector<16xf32>, vector<16xi1>
            %eq3A_209 = arith.constant 10 : i32
            %eq3A_210 = vector.broadcast %eq3A_209 : i32 to vector<16xi32>
            %eq3A_211 = arith.cmpi eq, %iota3A_10, %eq3A_210 : vector<16xi32>
            %and3A_212 = arith.andi %and3A, %eq3A_211 : vector<16xi1>
            %scatter3A_213 = arith.constant 0 : i32
            %scatter3A_214 = tpu.memref_slice %arg11[%scatter3A_213] : memref<73728xf32, #tpu.memory_space<vmem>> -> memref<73728xf32, #tpu.memory_space<vmem>>
            tpu.vector_store_idx %scatter3A_214[%select_n3A], %get3A_132 masked %and3A_212 {add = true} : memref<73728xf32, #tpu.memory_space<vmem>>[vector<16xi32>], vector<16xf32>, vector<16xi1>
            %eq3A_215 = arith.constant 11 : i32
            %eq3A_216 = vector.broadcast %eq3A_215 : i32 to vector<16xi32>
            %eq3A_217 = arith.cmpi eq, %iota3A_10, %eq3A_216 : vector<16xi32>
            %and3A_218 = arith.andi %and3A, %eq3A_217 : vector<16xi1>
            %scatter3A_219 = arith.constant 0 : i32
            %scatter3A_220 = tpu.memref_slice %arg11[%scatter3A_219] : memref<73728xf32, #tpu.memory_space<vmem>> -> memref<73728xf32, #tpu.memory_space<vmem>>
            tpu.vector_store_idx %scatter3A_220[%select_n3A], %get3A_132 masked %and3A_218 {add = true} : memref<73728xf32, #tpu.memory_space<vmem>>[vector<16xi32>], vector<16xf32>, vector<16xi1>
            %eq3A_221 = arith.constant 12 : i32
            %eq3A_222 = vector.broadcast %eq3A_221 : i32 to vector<16xi32>
            %eq3A_223 = arith.cmpi eq, %iota3A_10, %eq3A_222 : vector<16xi32>
            %and3A_224 = arith.andi %and3A, %eq3A_223 : vector<16xi1>
            %scatter3A_225 = arith.constant 0 : i32
            %scatter3A_226 = tpu.memref_slice %arg11[%scatter3A_225] : memref<73728xf32, #tpu.memory_space<vmem>> -> memref<73728xf32, #tpu.memory_space<vmem>>
            tpu.vector_store_idx %scatter3A_226[%select_n3A], %get3A_132 masked %and3A_224 {add = true} : memref<73728xf32, #tpu.memory_space<vmem>>[vector<16xi32>], vector<16xf32>, vector<16xi1>
            %eq3A_227 = arith.constant 13 : i32
            %eq3A_228 = vector.broadcast %eq3A_227 : i32 to vector<16xi32>
            %eq3A_229 = arith.cmpi eq, %iota3A_10, %eq3A_228 : vector<16xi32>
            %and3A_230 = arith.andi %and3A, %eq3A_229 : vector<16xi1>
            %scatter3A_231 = arith.constant 0 : i32
            %scatter3A_232 = tpu.memref_slice %arg11[%scatter3A_231] : memref<73728xf32, #tpu.memory_space<vmem>> -> memref<73728xf32, #tpu.memory_space<vmem>>
            tpu.vector_store_idx %scatter3A_232[%select_n3A], %get3A_132 masked %and3A_230 {add = true} : memref<73728xf32, #tpu.memory_space<vmem>>[vector<16xi32>], vector<16xf32>, vector<16xi1>
            %eq3A_233 = arith.constant 14 : i32
            %eq3A_234 = vector.broadcast %eq3A_233 : i32 to vector<16xi32>
            %eq3A_235 = arith.cmpi eq, %iota3A_10, %eq3A_234 : vector<16xi32>
            %and3A_236 = arith.andi %and3A, %eq3A_235 : vector<16xi1>
            %scatter3A_237 = arith.constant 0 : i32
            %scatter3A_238 = tpu.memref_slice %arg11[%scatter3A_237] : memref<73728xf32, #tpu.memory_space<vmem>> -> memref<73728xf32, #tpu.memory_space<vmem>>
            tpu.vector_store_idx %scatter3A_238[%select_n3A], %get3A_132 masked %and3A_236 {add = true} : memref<73728xf32, #tpu.memory_space<vmem>>[vector<16xi32>], vector<16xf32>, vector<16xi1>
            %eq3A_239 = arith.constant 15 : i32
            %eq3A_240 = vector.broadcast %eq3A_239 : i32 to vector<16xi32>
            %eq3A_241 = arith.cmpi eq, %iota3A_10, %eq3A_240 : vector<16xi32>
            %and3A_242 = arith.andi %and3A, %eq3A_241 : vector<16xi1>
            %scatter3A_243 = arith.constant 0 : i32
            %scatter3A_244 = tpu.memref_slice %arg11[%scatter3A_243] : memref<73728xf32, #tpu.memory_space<vmem>> -> memref<73728xf32, #tpu.memory_space<vmem>>
            tpu.vector_store_idx %scatter3A_244[%select_n3A], %get3A_132 masked %and3A_242 {add = true} : memref<73728xf32, #tpu.memory_space<vmem>>[vector<16xi32>], vector<16xf32>, vector<16xi1>
          } else {
          }
        } else {
        }
        %mul3A_48 = arith.constant 64 : i32
        %mul3A_49 = arith.muli %scan3A_27, %mul3A_48 : i32
        %add3A_50 = arith.constant 16 : i32
        %add3A_51 = arith.addi %mul3A_49, %add3A_50 : i32
        %get3A_52 = arith.index_cast %add3A_51 : i32 to index
        %get3A_53 = tpu.vector_load %arg12[%get3A_52] {strides = array<i32>} : memref<6400xi32, #tpu.memory_space<vmem>>, vector<16xi32>,
        %ge3A_54 = vector.broadcast %mul3A_2 : i32 to vector<16xi32>
        %ge3A_55 = arith.cmpi sge, %get3A_53, %ge3A_54 : vector<16xi32>
        %add3A_56 = arith.constant 48 : i32
        %add3A_57 = arith.addi %mul3A_2, %add3A_56 : i32
        %lt3A_58 = vector.broadcast %add3A_57 : i32 to vector<16xi32>
        %lt3A_59 = arith.cmpi slt, %get3A_53, %lt3A_58 : vector<16xi32>
        %and3A_60 = arith.andi %ge3A_55, %lt3A_59 : vector<16xi1>
        %reduce_or3A_61 = arith.constant 1.000000e+00 : f32
        %reduce_or3A_62 = arith.constant 0.000000e+00 : f32
        %reduce_or3A_63 = vector.broadcast %reduce_or3A_61 : f32 to vector<16xf32>
        %reduce_or3A_64 = vector.broadcast %reduce_or3A_62 : f32 to vector<16xf32>
        %reduce_or3A_65 = arith.select %and3A_60, %reduce_or3A_63, %reduce_or3A_64 : vector<16xi1>, vector<16xf32>
        %reduce_or3A_66 = arith.constant true
        %reduce_or3A_67 = vector.broadcast %reduce_or3A_66 : i1 to vector<16xi1>
        %reduce_or3A_68 = tpu.scan <max>, %reduce_or3A_65 masked %reduce_or3A_67 : vector<16xf32>, vector<16xi1> -> vector<16xf32>
        %reduce_or3A_69 = vector.extract %reduce_or3A_68[15] : f32 from vector<16xf32>
        %reduce_or3A_70 = arith.constant 0.000000e+00 : f32
        %reduce_or3A_71 = arith.cmpf ogt, %reduce_or3A_69, %reduce_or3A_70 : f32
        %convert_element_type3A_72 = arith.extui %reduce_or3A_71 : i1 to i32
        %cond3A_73 = arith.constant 0 : i32
        %cond3A_74 = arith.cmpi ne, %convert_element_type3A_72, %cond3A_73 : i32
        scf.if %cond3A_74 {
          %get3A_129 = arith.index_cast %add3A_51 : i32 to index
          %get3A_130 = tpu.vector_load %arg13[%get3A_129] {strides = array<i32>} : memref<6400xi32, #tpu.memory_space<vmem>>, vector<16xi32>,
          %get3A_131 = arith.index_cast %add3A_51 : i32 to index
          %get3A_132 = tpu.vector_load %arg14[%get3A_131] {strides = array<i32>} : memref<6400xf32, #tpu.memory_space<vmem>>, vector<16xf32>,
          %sub3A = vector.broadcast %mul3A_2 : i32 to vector<16xi32>
          %sub3A_133 = arith.subi %get3A_53, %sub3A : vector<16xi32>
          %mul3A_134 = arith.constant 1536 : i32
          %mul3A_135 = vector.broadcast %mul3A_134 : i32 to vector<16xi32>
          %mul3A_136 = arith.muli %sub3A_133, %mul3A_135 : vector<16xi32>
          %add3A_137 = arith.addi %mul3A_136, %get3A_130 : vector<16xi32>
          %jit3A = arith.constant 0 : i32
          %broadcast_in_dim3A = vector.broadcast %jit3A : i32 to vector<16xi32>
          %select_n3A = arith.select %and3A_60, %add3A_137, %broadcast_in_dim3A : vector<16xi1>, vector<16xi32>
          %convert_element_type3A_138 = arith.extui %and3A_60 : vector<16xi1> to vector<16xi32>
          %reduce_sum3A = arith.constant true
          %reduce_sum3A_139 = vector.broadcast %reduce_sum3A : i1 to vector<16xi1>
          %reduce_sum3A_140 = tpu.scan <sum>, %convert_element_type3A_138 masked %reduce_sum3A_139 : vector<16xi32>, vector<16xi1> -> vector<16xi32>
          %reduce_sum3A_141 = vector.extract %reduce_sum3A_140[15] : i32 from vector<16xi32>
          %eq3A = arith.constant 1 : i32
          %eq3A_142 = arith.cmpi eq, %reduce_sum3A_141, %eq3A : i32
          %convert_element_type3A_143 = arith.extui %eq3A_142 : i1 to i32
          %cond3A_144 = arith.constant 0 : i32
          %cond3A_145 = arith.cmpi ne, %convert_element_type3A_143, %cond3A_144 : i32
          scf.if %cond3A_145 {
            %scatter3A = arith.constant 0 : i32
            %scatter3A_150 = tpu.memref_slice %arg11[%scatter3A] : memref<73728xf32, #tpu.memory_space<vmem>> -> memref<73728xf32, #tpu.memory_space<vmem>>
            tpu.vector_store_idx %scatter3A_150[%select_n3A], %get3A_132 masked %and3A_60 {add = true} : memref<73728xf32, #tpu.memory_space<vmem>>[vector<16xi32>], vector<16xf32>, vector<16xi1>
          } else {
          }
          %gt3A = arith.constant 1 : i32
          %gt3A_146 = arith.cmpi sgt, %reduce_sum3A_141, %gt3A : i32
          %convert_element_type3A_147 = arith.extui %gt3A_146 : i1 to i32
          %cond3A_148 = arith.constant 0 : i32
          %cond3A_149 = arith.cmpi ne, %convert_element_type3A_147, %cond3A_148 : i32
          scf.if %cond3A_149 {
            %eq3A_150 = arith.constant 0 : i32
            %eq3A_151 = vector.broadcast %eq3A_150 : i32 to vector<16xi32>
            %eq3A_152 = arith.cmpi eq, %iota3A_10, %eq3A_151 : vector<16xi32>
            %and3A_153 = arith.andi %and3A_60, %eq3A_152 : vector<16xi1>
            %scatter3A = arith.constant 0 : i32
            %scatter3A_154 = tpu.memref_slice %arg11[%scatter3A] : memref<73728xf32, #tpu.memory_space<vmem>> -> memref<73728xf32, #tpu.memory_space<vmem>>
            tpu.vector_store_idx %scatter3A_154[%select_n3A], %get3A_132 masked %and3A_153 {add = true} : memref<73728xf32, #tpu.memory_space<vmem>>[vector<16xi32>], vector<16xf32>, vector<16xi1>
            %eq3A_155 = arith.constant 1 : i32
            %eq3A_156 = vector.broadcast %eq3A_155 : i32 to vector<16xi32>
            %eq3A_157 = arith.cmpi eq, %iota3A_10, %eq3A_156 : vector<16xi32>
            %and3A_158 = arith.andi %and3A_60, %eq3A_157 : vector<16xi1>
            %scatter3A_159 = arith.constant 0 : i32
            %scatter3A_160 = tpu.memref_slice %arg11[%scatter3A_159] : memref<73728xf32, #tpu.memory_space<vmem>> -> memref<73728xf32, #tpu.memory_space<vmem>>
            tpu.vector_store_idx %scatter3A_160[%select_n3A], %get3A_132 masked %and3A_158 {add = true} : memref<73728xf32, #tpu.memory_space<vmem>>[vector<16xi32>], vector<16xf32>, vector<16xi1>
            %eq3A_161 = arith.constant 2 : i32
            %eq3A_162 = vector.broadcast %eq3A_161 : i32 to vector<16xi32>
            %eq3A_163 = arith.cmpi eq, %iota3A_10, %eq3A_162 : vector<16xi32>
            %and3A_164 = arith.andi %and3A_60, %eq3A_163 : vector<16xi1>
            %scatter3A_165 = arith.constant 0 : i32
            %scatter3A_166 = tpu.memref_slice %arg11[%scatter3A_165] : memref<73728xf32, #tpu.memory_space<vmem>> -> memref<73728xf32, #tpu.memory_space<vmem>>
            tpu.vector_store_idx %scatter3A_166[%select_n3A], %get3A_132 masked %and3A_164 {add = true} : memref<73728xf32, #tpu.memory_space<vmem>>[vector<16xi32>], vector<16xf32>, vector<16xi1>
            %eq3A_167 = arith.constant 3 : i32
            %eq3A_168 = vector.broadcast %eq3A_167 : i32 to vector<16xi32>
            %eq3A_169 = arith.cmpi eq, %iota3A_10, %eq3A_168 : vector<16xi32>
            %and3A_170 = arith.andi %and3A_60, %eq3A_169 : vector<16xi1>
            %scatter3A_171 = arith.constant 0 : i32
            %scatter3A_172 = tpu.memref_slice %arg11[%scatter3A_171] : memref<73728xf32, #tpu.memory_space<vmem>> -> memref<73728xf32, #tpu.memory_space<vmem>>
            tpu.vector_store_idx %scatter3A_172[%select_n3A], %get3A_132 masked %and3A_170 {add = true} : memref<73728xf32, #tpu.memory_space<vmem>>[vector<16xi32>], vector<16xf32>, vector<16xi1>
            %eq3A_173 = arith.constant 4 : i32
            %eq3A_174 = vector.broadcast %eq3A_173 : i32 to vector<16xi32>
            %eq3A_175 = arith.cmpi eq, %iota3A_10, %eq3A_174 : vector<16xi32>
            %and3A_176 = arith.andi %and3A_60, %eq3A_175 : vector<16xi1>
            %scatter3A_177 = arith.constant 0 : i32
            %scatter3A_178 = tpu.memref_slice %arg11[%scatter3A_177] : memref<73728xf32, #tpu.memory_space<vmem>> -> memref<73728xf32, #tpu.memory_space<vmem>>
            tpu.vector_store_idx %scatter3A_178[%select_n3A], %get3A_132 masked %and3A_176 {add = true} : memref<73728xf32, #tpu.memory_space<vmem>>[vector<16xi32>], vector<16xf32>, vector<16xi1>
            %eq3A_179 = arith.constant 5 : i32
            %eq3A_180 = vector.broadcast %eq3A_179 : i32 to vector<16xi32>
            %eq3A_181 = arith.cmpi eq, %iota3A_10, %eq3A_180 : vector<16xi32>
            %and3A_182 = arith.andi %and3A_60, %eq3A_181 : vector<16xi1>
            %scatter3A_183 = arith.constant 0 : i32
            %scatter3A_184 = tpu.memref_slice %arg11[%scatter3A_183] : memref<73728xf32, #tpu.memory_space<vmem>> -> memref<73728xf32, #tpu.memory_space<vmem>>
            tpu.vector_store_idx %scatter3A_184[%select_n3A], %get3A_132 masked %and3A_182 {add = true} : memref<73728xf32, #tpu.memory_space<vmem>>[vector<16xi32>], vector<16xf32>, vector<16xi1>
            %eq3A_185 = arith.constant 6 : i32
            %eq3A_186 = vector.broadcast %eq3A_185 : i32 to vector<16xi32>
            %eq3A_187 = arith.cmpi eq, %iota3A_10, %eq3A_186 : vector<16xi32>
            %and3A_188 = arith.andi %and3A_60, %eq3A_187 : vector<16xi1>
            %scatter3A_189 = arith.constant 0 : i32
            %scatter3A_190 = tpu.memref_slice %arg11[%scatter3A_189] : memref<73728xf32, #tpu.memory_space<vmem>> -> memref<73728xf32, #tpu.memory_space<vmem>>
            tpu.vector_store_idx %scatter3A_190[%select_n3A], %get3A_132 masked %and3A_188 {add = true} : memref<73728xf32, #tpu.memory_space<vmem>>[vector<16xi32>], vector<16xf32>, vector<16xi1>
            %eq3A_191 = arith.constant 7 : i32
            %eq3A_192 = vector.broadcast %eq3A_191 : i32 to vector<16xi32>
            %eq3A_193 = arith.cmpi eq, %iota3A_10, %eq3A_192 : vector<16xi32>
            %and3A_194 = arith.andi %and3A_60, %eq3A_193 : vector<16xi1>
            %scatter3A_195 = arith.constant 0 : i32
            %scatter3A_196 = tpu.memref_slice %arg11[%scatter3A_195] : memref<73728xf32, #tpu.memory_space<vmem>> -> memref<73728xf32, #tpu.memory_space<vmem>>
            tpu.vector_store_idx %scatter3A_196[%select_n3A], %get3A_132 masked %and3A_194 {add = true} : memref<73728xf32, #tpu.memory_space<vmem>>[vector<16xi32>], vector<16xf32>, vector<16xi1>
            %eq3A_197 = arith.constant 8 : i32
            %eq3A_198 = vector.broadcast %eq3A_197 : i32 to vector<16xi32>
            %eq3A_199 = arith.cmpi eq, %iota3A_10, %eq3A_198 : vector<16xi32>
            %and3A_200 = arith.andi %and3A_60, %eq3A_199 : vector<16xi1>
            %scatter3A_201 = arith.constant 0 : i32
            %scatter3A_202 = tpu.memref_slice %arg11[%scatter3A_201] : memref<73728xf32, #tpu.memory_space<vmem>> -> memref<73728xf32, #tpu.memory_space<vmem>>
            tpu.vector_store_idx %scatter3A_202[%select_n3A], %get3A_132 masked %and3A_200 {add = true} : memref<73728xf32, #tpu.memory_space<vmem>>[vector<16xi32>], vector<16xf32>, vector<16xi1>
            %eq3A_203 = arith.constant 9 : i32
            %eq3A_204 = vector.broadcast %eq3A_203 : i32 to vector<16xi32>
            %eq3A_205 = arith.cmpi eq, %iota3A_10, %eq3A_204 : vector<16xi32>
            %and3A_206 = arith.andi %and3A_60, %eq3A_205 : vector<16xi1>
            %scatter3A_207 = arith.constant 0 : i32
            %scatter3A_208 = tpu.memref_slice %arg11[%scatter3A_207] : memref<73728xf32, #tpu.memory_space<vmem>> -> memref<73728xf32, #tpu.memory_space<vmem>>
            tpu.vector_store_idx %scatter3A_208[%select_n3A], %get3A_132 masked %and3A_206 {add = true} : memref<73728xf32, #tpu.memory_space<vmem>>[vector<16xi32>], vector<16xf32>, vector<16xi1>
            %eq3A_209 = arith.constant 10 : i32
            %eq3A_210 = vector.broadcast %eq3A_209 : i32 to vector<16xi32>
            %eq3A_211 = arith.cmpi eq, %iota3A_10, %eq3A_210 : vector<16xi32>
            %and3A_212 = arith.andi %and3A_60, %eq3A_211 : vector<16xi1>
            %scatter3A_213 = arith.constant 0 : i32
            %scatter3A_214 = tpu.memref_slice %arg11[%scatter3A_213] : memref<73728xf32, #tpu.memory_space<vmem>> -> memref<73728xf32, #tpu.memory_space<vmem>>
            tpu.vector_store_idx %scatter3A_214[%select_n3A], %get3A_132 masked %and3A_212 {add = true} : memref<73728xf32, #tpu.memory_space<vmem>>[vector<16xi32>], vector<16xf32>, vector<16xi1>
            %eq3A_215 = arith.constant 11 : i32
            %eq3A_216 = vector.broadcast %eq3A_215 : i32 to vector<16xi32>
            %eq3A_217 = arith.cmpi eq, %iota3A_10, %eq3A_216 : vector<16xi32>
            %and3A_218 = arith.andi %and3A_60, %eq3A_217 : vector<16xi1>
            %scatter3A_219 = arith.constant 0 : i32
            %scatter3A_220 = tpu.memref_slice %arg11[%scatter3A_219] : memref<73728xf32, #tpu.memory_space<vmem>> -> memref<73728xf32, #tpu.memory_space<vmem>>
            tpu.vector_store_idx %scatter3A_220[%select_n3A], %get3A_132 masked %and3A_218 {add = true} : memref<73728xf32, #tpu.memory_space<vmem>>[vector<16xi32>], vector<16xf32>, vector<16xi1>
            %eq3A_221 = arith.constant 12 : i32
            %eq3A_222 = vector.broadcast %eq3A_221 : i32 to vector<16xi32>
            %eq3A_223 = arith.cmpi eq, %iota3A_10, %eq3A_222 : vector<16xi32>
            %and3A_224 = arith.andi %and3A_60, %eq3A_223 : vector<16xi1>
            %scatter3A_225 = arith.constant 0 : i32
            %scatter3A_226 = tpu.memref_slice %arg11[%scatter3A_225] : memref<73728xf32, #tpu.memory_space<vmem>> -> memref<73728xf32, #tpu.memory_space<vmem>>
            tpu.vector_store_idx %scatter3A_226[%select_n3A], %get3A_132 masked %and3A_224 {add = true} : memref<73728xf32, #tpu.memory_space<vmem>>[vector<16xi32>], vector<16xf32>, vector<16xi1>
            %eq3A_227 = arith.constant 13 : i32
            %eq3A_228 = vector.broadcast %eq3A_227 : i32 to vector<16xi32>
            %eq3A_229 = arith.cmpi eq, %iota3A_10, %eq3A_228 : vector<16xi32>
            %and3A_230 = arith.andi %and3A_60, %eq3A_229 : vector<16xi1>
            %scatter3A_231 = arith.constant 0 : i32
            %scatter3A_232 = tpu.memref_slice %arg11[%scatter3A_231] : memref<73728xf32, #tpu.memory_space<vmem>> -> memref<73728xf32, #tpu.memory_space<vmem>>
            tpu.vector_store_idx %scatter3A_232[%select_n3A], %get3A_132 masked %and3A_230 {add = true} : memref<73728xf32, #tpu.memory_space<vmem>>[vector<16xi32>], vector<16xf32>, vector<16xi1>
            %eq3A_233 = arith.constant 14 : i32
            %eq3A_234 = vector.broadcast %eq3A_233 : i32 to vector<16xi32>
            %eq3A_235 = arith.cmpi eq, %iota3A_10, %eq3A_234 : vector<16xi32>
            %and3A_236 = arith.andi %and3A_60, %eq3A_235 : vector<16xi1>
            %scatter3A_237 = arith.constant 0 : i32
            %scatter3A_238 = tpu.memref_slice %arg11[%scatter3A_237] : memref<73728xf32, #tpu.memory_space<vmem>> -> memref<73728xf32, #tpu.memory_space<vmem>>
            tpu.vector_store_idx %scatter3A_238[%select_n3A], %get3A_132 masked %and3A_236 {add = true} : memref<73728xf32, #tpu.memory_space<vmem>>[vector<16xi32>], vector<16xf32>, vector<16xi1>
            %eq3A_239 = arith.constant 15 : i32
            %eq3A_240 = vector.broadcast %eq3A_239 : i32 to vector<16xi32>
            %eq3A_241 = arith.cmpi eq, %iota3A_10, %eq3A_240 : vector<16xi32>
            %and3A_242 = arith.andi %and3A_60, %eq3A_241 : vector<16xi1>
            %scatter3A_243 = arith.constant 0 : i32
            %scatter3A_244 = tpu.memref_slice %arg11[%scatter3A_243] : memref<73728xf32, #tpu.memory_space<vmem>> -> memref<73728xf32, #tpu.memory_space<vmem>>
            tpu.vector_store_idx %scatter3A_244[%select_n3A], %get3A_132 masked %and3A_242 {add = true} : memref<73728xf32, #tpu.memory_space<vmem>>[vector<16xi32>], vector<16xf32>, vector<16xi1>
          } else {
          }
        } else {
        }
        %mul3A_75 = arith.constant 64 : i32
        %mul3A_76 = arith.muli %scan3A_27, %mul3A_75 : i32
        %add3A_77 = arith.constant 32 : i32
        %add3A_78 = arith.addi %mul3A_76, %add3A_77 : i32
        %get3A_79 = arith.index_cast %add3A_78 : i32 to index
        %get3A_80 = tpu.vector_load %arg12[%get3A_79] {strides = array<i32>} : memref<6400xi32, #tpu.memory_space<vmem>>, vector<16xi32>,
        %ge3A_81 = vector.broadcast %mul3A_2 : i32 to vector<16xi32>
        %ge3A_82 = arith.cmpi sge, %get3A_80, %ge3A_81 : vector<16xi32>
        %add3A_83 = arith.constant 48 : i32
        %add3A_84 = arith.addi %mul3A_2, %add3A_83 : i32
        %lt3A_85 = vector.broadcast %add3A_84 : i32 to vector<16xi32>
        %lt3A_86 = arith.cmpi slt, %get3A_80, %lt3A_85 : vector<16xi32>
        %and3A_87 = arith.andi %ge3A_82, %lt3A_86 : vector<16xi1>
        %reduce_or3A_88 = arith.constant 1.000000e+00 : f32
        %reduce_or3A_89 = arith.constant 0.000000e+00 : f32
        %reduce_or3A_90 = vector.broadcast %reduce_or3A_88 : f32 to vector<16xf32>
        %reduce_or3A_91 = vector.broadcast %reduce_or3A_89 : f32 to vector<16xf32>
        %reduce_or3A_92 = arith.select %and3A_87, %reduce_or3A_90, %reduce_or3A_91 : vector<16xi1>, vector<16xf32>
        %reduce_or3A_93 = arith.constant true
        %reduce_or3A_94 = vector.broadcast %reduce_or3A_93 : i1 to vector<16xi1>
        %reduce_or3A_95 = tpu.scan <max>, %reduce_or3A_92 masked %reduce_or3A_94 : vector<16xf32>, vector<16xi1> -> vector<16xf32>
        %reduce_or3A_96 = vector.extract %reduce_or3A_95[15] : f32 from vector<16xf32>
        %reduce_or3A_97 = arith.constant 0.000000e+00 : f32
        %reduce_or3A_98 = arith.cmpf ogt, %reduce_or3A_96, %reduce_or3A_97 : f32
        %convert_element_type3A_99 = arith.extui %reduce_or3A_98 : i1 to i32
        %cond3A_100 = arith.constant 0 : i32
        %cond3A_101 = arith.cmpi ne, %convert_element_type3A_99, %cond3A_100 : i32
        scf.if %cond3A_101 {
          %get3A_129 = arith.index_cast %add3A_78 : i32 to index
          %get3A_130 = tpu.vector_load %arg13[%get3A_129] {strides = array<i32>} : memref<6400xi32, #tpu.memory_space<vmem>>, vector<16xi32>,
          %get3A_131 = arith.index_cast %add3A_78 : i32 to index
          %get3A_132 = tpu.vector_load %arg14[%get3A_131] {strides = array<i32>} : memref<6400xf32, #tpu.memory_space<vmem>>, vector<16xf32>,
          %sub3A = vector.broadcast %mul3A_2 : i32 to vector<16xi32>
          %sub3A_133 = arith.subi %get3A_80, %sub3A : vector<16xi32>
          %mul3A_134 = arith.constant 1536 : i32
          %mul3A_135 = vector.broadcast %mul3A_134 : i32 to vector<16xi32>
          %mul3A_136 = arith.muli %sub3A_133, %mul3A_135 : vector<16xi32>
          %add3A_137 = arith.addi %mul3A_136, %get3A_130 : vector<16xi32>
          %jit3A = arith.constant 0 : i32
          %broadcast_in_dim3A = vector.broadcast %jit3A : i32 to vector<16xi32>
          %select_n3A = arith.select %and3A_87, %add3A_137, %broadcast_in_dim3A : vector<16xi1>, vector<16xi32>
          %convert_element_type3A_138 = arith.extui %and3A_87 : vector<16xi1> to vector<16xi32>
          %reduce_sum3A = arith.constant true
          %reduce_sum3A_139 = vector.broadcast %reduce_sum3A : i1 to vector<16xi1>
          %reduce_sum3A_140 = tpu.scan <sum>, %convert_element_type3A_138 masked %reduce_sum3A_139 : vector<16xi32>, vector<16xi1> -> vector<16xi32>
          %reduce_sum3A_141 = vector.extract %reduce_sum3A_140[15] : i32 from vector<16xi32>
          %eq3A = arith.constant 1 : i32
          %eq3A_142 = arith.cmpi eq, %reduce_sum3A_141, %eq3A : i32
          %convert_element_type3A_143 = arith.extui %eq3A_142 : i1 to i32
          %cond3A_144 = arith.constant 0 : i32
          %cond3A_145 = arith.cmpi ne, %convert_element_type3A_143, %cond3A_144 : i32
          scf.if %cond3A_145 {
            %scatter3A = arith.constant 0 : i32
            %scatter3A_150 = tpu.memref_slice %arg11[%scatter3A] : memref<73728xf32, #tpu.memory_space<vmem>> -> memref<73728xf32, #tpu.memory_space<vmem>>
            tpu.vector_store_idx %scatter3A_150[%select_n3A], %get3A_132 masked %and3A_87 {add = true} : memref<73728xf32, #tpu.memory_space<vmem>>[vector<16xi32>], vector<16xf32>, vector<16xi1>
          } else {
          }
          %gt3A = arith.constant 1 : i32
          %gt3A_146 = arith.cmpi sgt, %reduce_sum3A_141, %gt3A : i32
          %convert_element_type3A_147 = arith.extui %gt3A_146 : i1 to i32
          %cond3A_148 = arith.constant 0 : i32
          %cond3A_149 = arith.cmpi ne, %convert_element_type3A_147, %cond3A_148 : i32
          scf.if %cond3A_149 {
            %eq3A_150 = arith.constant 0 : i32
            %eq3A_151 = vector.broadcast %eq3A_150 : i32 to vector<16xi32>
            %eq3A_152 = arith.cmpi eq, %iota3A_10, %eq3A_151 : vector<16xi32>
            %and3A_153 = arith.andi %and3A_87, %eq3A_152 : vector<16xi1>
            %scatter3A = arith.constant 0 : i32
            %scatter3A_154 = tpu.memref_slice %arg11[%scatter3A] : memref<73728xf32, #tpu.memory_space<vmem>> -> memref<73728xf32, #tpu.memory_space<vmem>>
            tpu.vector_store_idx %scatter3A_154[%select_n3A], %get3A_132 masked %and3A_153 {add = true} : memref<73728xf32, #tpu.memory_space<vmem>>[vector<16xi32>], vector<16xf32>, vector<16xi1>
            %eq3A_155 = arith.constant 1 : i32
            %eq3A_156 = vector.broadcast %eq3A_155 : i32 to vector<16xi32>
            %eq3A_157 = arith.cmpi eq, %iota3A_10, %eq3A_156 : vector<16xi32>
            %and3A_158 = arith.andi %and3A_87, %eq3A_157 : vector<16xi1>
            %scatter3A_159 = arith.constant 0 : i32
            %scatter3A_160 = tpu.memref_slice %arg11[%scatter3A_159] : memref<73728xf32, #tpu.memory_space<vmem>> -> memref<73728xf32, #tpu.memory_space<vmem>>
            tpu.vector_store_idx %scatter3A_160[%select_n3A], %get3A_132 masked %and3A_158 {add = true} : memref<73728xf32, #tpu.memory_space<vmem>>[vector<16xi32>], vector<16xf32>, vector<16xi1>
            %eq3A_161 = arith.constant 2 : i32
            %eq3A_162 = vector.broadcast %eq3A_161 : i32 to vector<16xi32>
            %eq3A_163 = arith.cmpi eq, %iota3A_10, %eq3A_162 : vector<16xi32>
            %and3A_164 = arith.andi %and3A_87, %eq3A_163 : vector<16xi1>
            %scatter3A_165 = arith.constant 0 : i32
            %scatter3A_166 = tpu.memref_slice %arg11[%scatter3A_165] : memref<73728xf32, #tpu.memory_space<vmem>> -> memref<73728xf32, #tpu.memory_space<vmem>>
            tpu.vector_store_idx %scatter3A_166[%select_n3A], %get3A_132 masked %and3A_164 {add = true} : memref<73728xf32, #tpu.memory_space<vmem>>[vector<16xi32>], vector<16xf32>, vector<16xi1>
            %eq3A_167 = arith.constant 3 : i32
            %eq3A_168 = vector.broadcast %eq3A_167 : i32 to vector<16xi32>
            %eq3A_169 = arith.cmpi eq, %iota3A_10, %eq3A_168 : vector<16xi32>
            %and3A_170 = arith.andi %and3A_87, %eq3A_169 : vector<16xi1>
            %scatter3A_171 = arith.constant 0 : i32
            %scatter3A_172 = tpu.memref_slice %arg11[%scatter3A_171] : memref<73728xf32, #tpu.memory_space<vmem>> -> memref<73728xf32, #tpu.memory_space<vmem>>
            tpu.vector_store_idx %scatter3A_172[%select_n3A], %get3A_132 masked %and3A_170 {add = true} : memref<73728xf32, #tpu.memory_space<vmem>>[vector<16xi32>], vector<16xf32>, vector<16xi1>
            %eq3A_173 = arith.constant 4 : i32
            %eq3A_174 = vector.broadcast %eq3A_173 : i32 to vector<16xi32>
            %eq3A_175 = arith.cmpi eq, %iota3A_10, %eq3A_174 : vector<16xi32>
            %and3A_176 = arith.andi %and3A_87, %eq3A_175 : vector<16xi1>
            %scatter3A_177 = arith.constant 0 : i32
            %scatter3A_178 = tpu.memref_slice %arg11[%scatter3A_177] : memref<73728xf32, #tpu.memory_space<vmem>> -> memref<73728xf32, #tpu.memory_space<vmem>>
            tpu.vector_store_idx %scatter3A_178[%select_n3A], %get3A_132 masked %and3A_176 {add = true} : memref<73728xf32, #tpu.memory_space<vmem>>[vector<16xi32>], vector<16xf32>, vector<16xi1>
            %eq3A_179 = arith.constant 5 : i32
            %eq3A_180 = vector.broadcast %eq3A_179 : i32 to vector<16xi32>
            %eq3A_181 = arith.cmpi eq, %iota3A_10, %eq3A_180 : vector<16xi32>
            %and3A_182 = arith.andi %and3A_87, %eq3A_181 : vector<16xi1>
            %scatter3A_183 = arith.constant 0 : i32
            %scatter3A_184 = tpu.memref_slice %arg11[%scatter3A_183] : memref<73728xf32, #tpu.memory_space<vmem>> -> memref<73728xf32, #tpu.memory_space<vmem>>
            tpu.vector_store_idx %scatter3A_184[%select_n3A], %get3A_132 masked %and3A_182 {add = true} : memref<73728xf32, #tpu.memory_space<vmem>>[vector<16xi32>], vector<16xf32>, vector<16xi1>
            %eq3A_185 = arith.constant 6 : i32
            %eq3A_186 = vector.broadcast %eq3A_185 : i32 to vector<16xi32>
            %eq3A_187 = arith.cmpi eq, %iota3A_10, %eq3A_186 : vector<16xi32>
            %and3A_188 = arith.andi %and3A_87, %eq3A_187 : vector<16xi1>
            %scatter3A_189 = arith.constant 0 : i32
            %scatter3A_190 = tpu.memref_slice %arg11[%scatter3A_189] : memref<73728xf32, #tpu.memory_space<vmem>> -> memref<73728xf32, #tpu.memory_space<vmem>>
            tpu.vector_store_idx %scatter3A_190[%select_n3A], %get3A_132 masked %and3A_188 {add = true} : memref<73728xf32, #tpu.memory_space<vmem>>[vector<16xi32>], vector<16xf32>, vector<16xi1>
            %eq3A_191 = arith.constant 7 : i32
            %eq3A_192 = vector.broadcast %eq3A_191 : i32 to vector<16xi32>
            %eq3A_193 = arith.cmpi eq, %iota3A_10, %eq3A_192 : vector<16xi32>
            %and3A_194 = arith.andi %and3A_87, %eq3A_193 : vector<16xi1>
            %scatter3A_195 = arith.constant 0 : i32
            %scatter3A_196 = tpu.memref_slice %arg11[%scatter3A_195] : memref<73728xf32, #tpu.memory_space<vmem>> -> memref<73728xf32, #tpu.memory_space<vmem>>
            tpu.vector_store_idx %scatter3A_196[%select_n3A], %get3A_132 masked %and3A_194 {add = true} : memref<73728xf32, #tpu.memory_space<vmem>>[vector<16xi32>], vector<16xf32>, vector<16xi1>
            %eq3A_197 = arith.constant 8 : i32
            %eq3A_198 = vector.broadcast %eq3A_197 : i32 to vector<16xi32>
            %eq3A_199 = arith.cmpi eq, %iota3A_10, %eq3A_198 : vector<16xi32>
            %and3A_200 = arith.andi %and3A_87, %eq3A_199 : vector<16xi1>
            %scatter3A_201 = arith.constant 0 : i32
            %scatter3A_202 = tpu.memref_slice %arg11[%scatter3A_201] : memref<73728xf32, #tpu.memory_space<vmem>> -> memref<73728xf32, #tpu.memory_space<vmem>>
            tpu.vector_store_idx %scatter3A_202[%select_n3A], %get3A_132 masked %and3A_200 {add = true} : memref<73728xf32, #tpu.memory_space<vmem>>[vector<16xi32>], vector<16xf32>, vector<16xi1>
            %eq3A_203 = arith.constant 9 : i32
            %eq3A_204 = vector.broadcast %eq3A_203 : i32 to vector<16xi32>
            %eq3A_205 = arith.cmpi eq, %iota3A_10, %eq3A_204 : vector<16xi32>
            %and3A_206 = arith.andi %and3A_87, %eq3A_205 : vector<16xi1>
            %scatter3A_207 = arith.constant 0 : i32
            %scatter3A_208 = tpu.memref_slice %arg11[%scatter3A_207] : memref<73728xf32, #tpu.memory_space<vmem>> -> memref<73728xf32, #tpu.memory_space<vmem>>
            tpu.vector_store_idx %scatter3A_208[%select_n3A], %get3A_132 masked %and3A_206 {add = true} : memref<73728xf32, #tpu.memory_space<vmem>>[vector<16xi32>], vector<16xf32>, vector<16xi1>
            %eq3A_209 = arith.constant 10 : i32
            %eq3A_210 = vector.broadcast %eq3A_209 : i32 to vector<16xi32>
            %eq3A_211 = arith.cmpi eq, %iota3A_10, %eq3A_210 : vector<16xi32>
            %and3A_212 = arith.andi %and3A_87, %eq3A_211 : vector<16xi1>
            %scatter3A_213 = arith.constant 0 : i32
            %scatter3A_214 = tpu.memref_slice %arg11[%scatter3A_213] : memref<73728xf32, #tpu.memory_space<vmem>> -> memref<73728xf32, #tpu.memory_space<vmem>>
            tpu.vector_store_idx %scatter3A_214[%select_n3A], %get3A_132 masked %and3A_212 {add = true} : memref<73728xf32, #tpu.memory_space<vmem>>[vector<16xi32>], vector<16xf32>, vector<16xi1>
            %eq3A_215 = arith.constant 11 : i32
            %eq3A_216 = vector.broadcast %eq3A_215 : i32 to vector<16xi32>
            %eq3A_217 = arith.cmpi eq, %iota3A_10, %eq3A_216 : vector<16xi32>
            %and3A_218 = arith.andi %and3A_87, %eq3A_217 : vector<16xi1>
            %scatter3A_219 = arith.constant 0 : i32
            %scatter3A_220 = tpu.memref_slice %arg11[%scatter3A_219] : memref<73728xf32, #tpu.memory_space<vmem>> -> memref<73728xf32, #tpu.memory_space<vmem>>
            tpu.vector_store_idx %scatter3A_220[%select_n3A], %get3A_132 masked %and3A_218 {add = true} : memref<73728xf32, #tpu.memory_space<vmem>>[vector<16xi32>], vector<16xf32>, vector<16xi1>
            %eq3A_221 = arith.constant 12 : i32
            %eq3A_222 = vector.broadcast %eq3A_221 : i32 to vector<16xi32>
            %eq3A_223 = arith.cmpi eq, %iota3A_10, %eq3A_222 : vector<16xi32>
            %and3A_224 = arith.andi %and3A_87, %eq3A_223 : vector<16xi1>
            %scatter3A_225 = arith.constant 0 : i32
            %scatter3A_226 = tpu.memref_slice %arg11[%scatter3A_225] : memref<73728xf32, #tpu.memory_space<vmem>> -> memref<73728xf32, #tpu.memory_space<vmem>>
            tpu.vector_store_idx %scatter3A_226[%select_n3A], %get3A_132 masked %and3A_224 {add = true} : memref<73728xf32, #tpu.memory_space<vmem>>[vector<16xi32>], vector<16xf32>, vector<16xi1>
            %eq3A_227 = arith.constant 13 : i32
            %eq3A_228 = vector.broadcast %eq3A_227 : i32 to vector<16xi32>
            %eq3A_229 = arith.cmpi eq, %iota3A_10, %eq3A_228 : vector<16xi32>
            %and3A_230 = arith.andi %and3A_87, %eq3A_229 : vector<16xi1>
            %scatter3A_231 = arith.constant 0 : i32
            %scatter3A_232 = tpu.memref_slice %arg11[%scatter3A_231] : memref<73728xf32, #tpu.memory_space<vmem>> -> memref<73728xf32, #tpu.memory_space<vmem>>
            tpu.vector_store_idx %scatter3A_232[%select_n3A], %get3A_132 masked %and3A_230 {add = true} : memref<73728xf32, #tpu.memory_space<vmem>>[vector<16xi32>], vector<16xf32>, vector<16xi1>
            %eq3A_233 = arith.constant 14 : i32
            %eq3A_234 = vector.broadcast %eq3A_233 : i32 to vector<16xi32>
            %eq3A_235 = arith.cmpi eq, %iota3A_10, %eq3A_234 : vector<16xi32>
            %and3A_236 = arith.andi %and3A_87, %eq3A_235 : vector<16xi1>
            %scatter3A_237 = arith.constant 0 : i32
            %scatter3A_238 = tpu.memref_slice %arg11[%scatter3A_237] : memref<73728xf32, #tpu.memory_space<vmem>> -> memref<73728xf32, #tpu.memory_space<vmem>>
            tpu.vector_store_idx %scatter3A_238[%select_n3A], %get3A_132 masked %and3A_236 {add = true} : memref<73728xf32, #tpu.memory_space<vmem>>[vector<16xi32>], vector<16xf32>, vector<16xi1>
            %eq3A_239 = arith.constant 15 : i32
            %eq3A_240 = vector.broadcast %eq3A_239 : i32 to vector<16xi32>
            %eq3A_241 = arith.cmpi eq, %iota3A_10, %eq3A_240 : vector<16xi32>
            %and3A_242 = arith.andi %and3A_87, %eq3A_241 : vector<16xi1>
            %scatter3A_243 = arith.constant 0 : i32
            %scatter3A_244 = tpu.memref_slice %arg11[%scatter3A_243] : memref<73728xf32, #tpu.memory_space<vmem>> -> memref<73728xf32, #tpu.memory_space<vmem>>
            tpu.vector_store_idx %scatter3A_244[%select_n3A], %get3A_132 masked %and3A_242 {add = true} : memref<73728xf32, #tpu.memory_space<vmem>>[vector<16xi32>], vector<16xf32>, vector<16xi1>
          } else {
          }
        } else {
        }
        %mul3A_102 = arith.constant 64 : i32
        %mul3A_103 = arith.muli %scan3A_27, %mul3A_102 : i32
        %add3A_104 = arith.constant 48 : i32
        %add3A_105 = arith.addi %mul3A_103, %add3A_104 : i32
        %get3A_106 = arith.index_cast %add3A_105 : i32 to index
        %get3A_107 = tpu.vector_load %arg12[%get3A_106] {strides = array<i32>} : memref<6400xi32, #tpu.memory_space<vmem>>, vector<16xi32>,
        %ge3A_108 = vector.broadcast %mul3A_2 : i32 to vector<16xi32>
        %ge3A_109 = arith.cmpi sge, %get3A_107, %ge3A_108 : vector<16xi32>
        %add3A_110 = arith.constant 48 : i32
        %add3A_111 = arith.addi %mul3A_2, %add3A_110 : i32
        %lt3A_112 = vector.broadcast %add3A_111 : i32 to vector<16xi32>
        %lt3A_113 = arith.cmpi slt, %get3A_107, %lt3A_112 : vector<16xi32>
        %and3A_114 = arith.andi %ge3A_109, %lt3A_113 : vector<16xi1>
        %reduce_or3A_115 = arith.constant 1.000000e+00 : f32
        %reduce_or3A_116 = arith.constant 0.000000e+00 : f32
        %reduce_or3A_117 = vector.broadcast %reduce_or3A_115 : f32 to vector<16xf32>
        %reduce_or3A_118 = vector.broadcast %reduce_or3A_116 : f32 to vector<16xf32>
        %reduce_or3A_119 = arith.select %and3A_114, %reduce_or3A_117, %reduce_or3A_118 : vector<16xi1>, vector<16xf32>
        %reduce_or3A_120 = arith.constant true
        %reduce_or3A_121 = vector.broadcast %reduce_or3A_120 : i1 to vector<16xi1>
        %reduce_or3A_122 = tpu.scan <max>, %reduce_or3A_119 masked %reduce_or3A_121 : vector<16xf32>, vector<16xi1> -> vector<16xf32>
        %reduce_or3A_123 = vector.extract %reduce_or3A_122[15] : f32 from vector<16xf32>
        %reduce_or3A_124 = arith.constant 0.000000e+00 : f32
        %reduce_or3A_125 = arith.cmpf ogt, %reduce_or3A_123, %reduce_or3A_124 : f32
        %convert_element_type3A_126 = arith.extui %reduce_or3A_125 : i1 to i32
        %cond3A_127 = arith.constant 0 : i32
        %cond3A_128 = arith.cmpi ne, %convert_element_type3A_126, %cond3A_127 : i32
        scf.if %cond3A_128 {
          %get3A_129 = arith.index_cast %add3A_105 : i32 to index
          %get3A_130 = tpu.vector_load %arg13[%get3A_129] {strides = array<i32>} : memref<6400xi32, #tpu.memory_space<vmem>>, vector<16xi32>,
          %get3A_131 = arith.index_cast %add3A_105 : i32 to index
          %get3A_132 = tpu.vector_load %arg14[%get3A_131] {strides = array<i32>} : memref<6400xf32, #tpu.memory_space<vmem>>, vector<16xf32>,
          %sub3A = vector.broadcast %mul3A_2 : i32 to vector<16xi32>
          %sub3A_133 = arith.subi %get3A_107, %sub3A : vector<16xi32>
          %mul3A_134 = arith.constant 1536 : i32
          %mul3A_135 = vector.broadcast %mul3A_134 : i32 to vector<16xi32>
          %mul3A_136 = arith.muli %sub3A_133, %mul3A_135 : vector<16xi32>
          %add3A_137 = arith.addi %mul3A_136, %get3A_130 : vector<16xi32>
          %jit3A = arith.constant 0 : i32
          %broadcast_in_dim3A = vector.broadcast %jit3A : i32 to vector<16xi32>
          %select_n3A = arith.select %and3A_114, %add3A_137, %broadcast_in_dim3A : vector<16xi1>, vector<16xi32>
          %convert_element_type3A_138 = arith.extui %and3A_114 : vector<16xi1> to vector<16xi32>
          %reduce_sum3A = arith.constant true
          %reduce_sum3A_139 = vector.broadcast %reduce_sum3A : i1 to vector<16xi1>
          %reduce_sum3A_140 = tpu.scan <sum>, %convert_element_type3A_138 masked %reduce_sum3A_139 : vector<16xi32>, vector<16xi1> -> vector<16xi32>
          %reduce_sum3A_141 = vector.extract %reduce_sum3A_140[15] : i32 from vector<16xi32>
          %eq3A = arith.constant 1 : i32
          %eq3A_142 = arith.cmpi eq, %reduce_sum3A_141, %eq3A : i32
          %convert_element_type3A_143 = arith.extui %eq3A_142 : i1 to i32
          %cond3A_144 = arith.constant 0 : i32
          %cond3A_145 = arith.cmpi ne, %convert_element_type3A_143, %cond3A_144 : i32
          scf.if %cond3A_145 {
            %scatter3A = arith.constant 0 : i32
            %scatter3A_150 = tpu.memref_slice %arg11[%scatter3A] : memref<73728xf32, #tpu.memory_space<vmem>> -> memref<73728xf32, #tpu.memory_space<vmem>>
            tpu.vector_store_idx %scatter3A_150[%select_n3A], %get3A_132 masked %and3A_114 {add = true} : memref<73728xf32, #tpu.memory_space<vmem>>[vector<16xi32>], vector<16xf32>, vector<16xi1>
          } else {
          }
          %gt3A = arith.constant 1 : i32
          %gt3A_146 = arith.cmpi sgt, %reduce_sum3A_141, %gt3A : i32
          %convert_element_type3A_147 = arith.extui %gt3A_146 : i1 to i32
          %cond3A_148 = arith.constant 0 : i32
          %cond3A_149 = arith.cmpi ne, %convert_element_type3A_147, %cond3A_148 : i32
          scf.if %cond3A_149 {
            %eq3A_150 = arith.constant 0 : i32
            %eq3A_151 = vector.broadcast %eq3A_150 : i32 to vector<16xi32>
            %eq3A_152 = arith.cmpi eq, %iota3A_10, %eq3A_151 : vector<16xi32>
            %and3A_153 = arith.andi %and3A_114, %eq3A_152 : vector<16xi1>
            %scatter3A = arith.constant 0 : i32
            %scatter3A_154 = tpu.memref_slice %arg11[%scatter3A] : memref<73728xf32, #tpu.memory_space<vmem>> -> memref<73728xf32, #tpu.memory_space<vmem>>
            tpu.vector_store_idx %scatter3A_154[%select_n3A], %get3A_132 masked %and3A_153 {add = true} : memref<73728xf32, #tpu.memory_space<vmem>>[vector<16xi32>], vector<16xf32>, vector<16xi1>
            %eq3A_155 = arith.constant 1 : i32
            %eq3A_156 = vector.broadcast %eq3A_155 : i32 to vector<16xi32>
            %eq3A_157 = arith.cmpi eq, %iota3A_10, %eq3A_156 : vector<16xi32>
            %and3A_158 = arith.andi %and3A_114, %eq3A_157 : vector<16xi1>
            %scatter3A_159 = arith.constant 0 : i32
            %scatter3A_160 = tpu.memref_slice %arg11[%scatter3A_159] : memref<73728xf32, #tpu.memory_space<vmem>> -> memref<73728xf32, #tpu.memory_space<vmem>>
            tpu.vector_store_idx %scatter3A_160[%select_n3A], %get3A_132 masked %and3A_158 {add = true} : memref<73728xf32, #tpu.memory_space<vmem>>[vector<16xi32>], vector<16xf32>, vector<16xi1>
            %eq3A_161 = arith.constant 2 : i32
            %eq3A_162 = vector.broadcast %eq3A_161 : i32 to vector<16xi32>
            %eq3A_163 = arith.cmpi eq, %iota3A_10, %eq3A_162 : vector<16xi32>
            %and3A_164 = arith.andi %and3A_114, %eq3A_163 : vector<16xi1>
            %scatter3A_165 = arith.constant 0 : i32
            %scatter3A_166 = tpu.memref_slice %arg11[%scatter3A_165] : memref<73728xf32, #tpu.memory_space<vmem>> -> memref<73728xf32, #tpu.memory_space<vmem>>
            tpu.vector_store_idx %scatter3A_166[%select_n3A], %get3A_132 masked %and3A_164 {add = true} : memref<73728xf32, #tpu.memory_space<vmem>>[vector<16xi32>], vector<16xf32>, vector<16xi1>
            %eq3A_167 = arith.constant 3 : i32
            %eq3A_168 = vector.broadcast %eq3A_167 : i32 to vector<16xi32>
            %eq3A_169 = arith.cmpi eq, %iota3A_10, %eq3A_168 : vector<16xi32>
            %and3A_170 = arith.andi %and3A_114, %eq3A_169 : vector<16xi1>
            %scatter3A_171 = arith.constant 0 : i32
            %scatter3A_172 = tpu.memref_slice %arg11[%scatter3A_171] : memref<73728xf32, #tpu.memory_space<vmem>> -> memref<73728xf32, #tpu.memory_space<vmem>>
            tpu.vector_store_idx %scatter3A_172[%select_n3A], %get3A_132 masked %and3A_170 {add = true} : memref<73728xf32, #tpu.memory_space<vmem>>[vector<16xi32>], vector<16xf32>, vector<16xi1>
            %eq3A_173 = arith.constant 4 : i32
            %eq3A_174 = vector.broadcast %eq3A_173 : i32 to vector<16xi32>
            %eq3A_175 = arith.cmpi eq, %iota3A_10, %eq3A_174 : vector<16xi32>
            %and3A_176 = arith.andi %and3A_114, %eq3A_175 : vector<16xi1>
            %scatter3A_177 = arith.constant 0 : i32
            %scatter3A_178 = tpu.memref_slice %arg11[%scatter3A_177] : memref<73728xf32, #tpu.memory_space<vmem>> -> memref<73728xf32, #tpu.memory_space<vmem>>
            tpu.vector_store_idx %scatter3A_178[%select_n3A], %get3A_132 masked %and3A_176 {add = true} : memref<73728xf32, #tpu.memory_space<vmem>>[vector<16xi32>], vector<16xf32>, vector<16xi1>
            %eq3A_179 = arith.constant 5 : i32
            %eq3A_180 = vector.broadcast %eq3A_179 : i32 to vector<16xi32>
            %eq3A_181 = arith.cmpi eq, %iota3A_10, %eq3A_180 : vector<16xi32>
            %and3A_182 = arith.andi %and3A_114, %eq3A_181 : vector<16xi1>
            %scatter3A_183 = arith.constant 0 : i32
            %scatter3A_184 = tpu.memref_slice %arg11[%scatter3A_183] : memref<73728xf32, #tpu.memory_space<vmem>> -> memref<73728xf32, #tpu.memory_space<vmem>>
            tpu.vector_store_idx %scatter3A_184[%select_n3A], %get3A_132 masked %and3A_182 {add = true} : memref<73728xf32, #tpu.memory_space<vmem>>[vector<16xi32>], vector<16xf32>, vector<16xi1>
            %eq3A_185 = arith.constant 6 : i32
            %eq3A_186 = vector.broadcast %eq3A_185 : i32 to vector<16xi32>
            %eq3A_187 = arith.cmpi eq, %iota3A_10, %eq3A_186 : vector<16xi32>
            %and3A_188 = arith.andi %and3A_114, %eq3A_187 : vector<16xi1>
            %scatter3A_189 = arith.constant 0 : i32
            %scatter3A_190 = tpu.memref_slice %arg11[%scatter3A_189] : memref<73728xf32, #tpu.memory_space<vmem>> -> memref<73728xf32, #tpu.memory_space<vmem>>
            tpu.vector_store_idx %scatter3A_190[%select_n3A], %get3A_132 masked %and3A_188 {add = true} : memref<73728xf32, #tpu.memory_space<vmem>>[vector<16xi32>], vector<16xf32>, vector<16xi1>
            %eq3A_191 = arith.constant 7 : i32
            %eq3A_192 = vector.broadcast %eq3A_191 : i32 to vector<16xi32>
            %eq3A_193 = arith.cmpi eq, %iota3A_10, %eq3A_192 : vector<16xi32>
            %and3A_194 = arith.andi %and3A_114, %eq3A_193 : vector<16xi1>
            %scatter3A_195 = arith.constant 0 : i32
            %scatter3A_196 = tpu.memref_slice %arg11[%scatter3A_195] : memref<73728xf32, #tpu.memory_space<vmem>> -> memref<73728xf32, #tpu.memory_space<vmem>>
            tpu.vector_store_idx %scatter3A_196[%select_n3A], %get3A_132 masked %and3A_194 {add = true} : memref<73728xf32, #tpu.memory_space<vmem>>[vector<16xi32>], vector<16xf32>, vector<16xi1>
            %eq3A_197 = arith.constant 8 : i32
            %eq3A_198 = vector.broadcast %eq3A_197 : i32 to vector<16xi32>
            %eq3A_199 = arith.cmpi eq, %iota3A_10, %eq3A_198 : vector<16xi32>
            %and3A_200 = arith.andi %and3A_114, %eq3A_199 : vector<16xi1>
            %scatter3A_201 = arith.constant 0 : i32
            %scatter3A_202 = tpu.memref_slice %arg11[%scatter3A_201] : memref<73728xf32, #tpu.memory_space<vmem>> -> memref<73728xf32, #tpu.memory_space<vmem>>
            tpu.vector_store_idx %scatter3A_202[%select_n3A], %get3A_132 masked %and3A_200 {add = true} : memref<73728xf32, #tpu.memory_space<vmem>>[vector<16xi32>], vector<16xf32>, vector<16xi1>
            %eq3A_203 = arith.constant 9 : i32
            %eq3A_204 = vector.broadcast %eq3A_203 : i32 to vector<16xi32>
            %eq3A_205 = arith.cmpi eq, %iota3A_10, %eq3A_204 : vector<16xi32>
            %and3A_206 = arith.andi %and3A_114, %eq3A_205 : vector<16xi1>
            %scatter3A_207 = arith.constant 0 : i32
            %scatter3A_208 = tpu.memref_slice %arg11[%scatter3A_207] : memref<73728xf32, #tpu.memory_space<vmem>> -> memref<73728xf32, #tpu.memory_space<vmem>>
            tpu.vector_store_idx %scatter3A_208[%select_n3A], %get3A_132 masked %and3A_206 {add = true} : memref<73728xf32, #tpu.memory_space<vmem>>[vector<16xi32>], vector<16xf32>, vector<16xi1>
            %eq3A_209 = arith.constant 10 : i32
            %eq3A_210 = vector.broadcast %eq3A_209 : i32 to vector<16xi32>
            %eq3A_211 = arith.cmpi eq, %iota3A_10, %eq3A_210 : vector<16xi32>
            %and3A_212 = arith.andi %and3A_114, %eq3A_211 : vector<16xi1>
            %scatter3A_213 = arith.constant 0 : i32
            %scatter3A_214 = tpu.memref_slice %arg11[%scatter3A_213] : memref<73728xf32, #tpu.memory_space<vmem>> -> memref<73728xf32, #tpu.memory_space<vmem>>
            tpu.vector_store_idx %scatter3A_214[%select_n3A], %get3A_132 masked %and3A_212 {add = true} : memref<73728xf32, #tpu.memory_space<vmem>>[vector<16xi32>], vector<16xf32>, vector<16xi1>
            %eq3A_215 = arith.constant 11 : i32
            %eq3A_216 = vector.broadcast %eq3A_215 : i32 to vector<16xi32>
            %eq3A_217 = arith.cmpi eq, %iota3A_10, %eq3A_216 : vector<16xi32>
            %and3A_218 = arith.andi %and3A_114, %eq3A_217 : vector<16xi1>
            %scatter3A_219 = arith.constant 0 : i32
            %scatter3A_220 = tpu.memref_slice %arg11[%scatter3A_219] : memref<73728xf32, #tpu.memory_space<vmem>> -> memref<73728xf32, #tpu.memory_space<vmem>>
            tpu.vector_store_idx %scatter3A_220[%select_n3A], %get3A_132 masked %and3A_218 {add = true} : memref<73728xf32, #tpu.memory_space<vmem>>[vector<16xi32>], vector<16xf32>, vector<16xi1>
            %eq3A_221 = arith.constant 12 : i32
            %eq3A_222 = vector.broadcast %eq3A_221 : i32 to vector<16xi32>
            %eq3A_223 = arith.cmpi eq, %iota3A_10, %eq3A_222 : vector<16xi32>
            %and3A_224 = arith.andi %and3A_114, %eq3A_223 : vector<16xi1>
            %scatter3A_225 = arith.constant 0 : i32
            %scatter3A_226 = tpu.memref_slice %arg11[%scatter3A_225] : memref<73728xf32, #tpu.memory_space<vmem>> -> memref<73728xf32, #tpu.memory_space<vmem>>
            tpu.vector_store_idx %scatter3A_226[%select_n3A], %get3A_132 masked %and3A_224 {add = true} : memref<73728xf32, #tpu.memory_space<vmem>>[vector<16xi32>], vector<16xf32>, vector<16xi1>
            %eq3A_227 = arith.constant 13 : i32
            %eq3A_228 = vector.broadcast %eq3A_227 : i32 to vector<16xi32>
            %eq3A_229 = arith.cmpi eq, %iota3A_10, %eq3A_228 : vector<16xi32>
            %and3A_230 = arith.andi %and3A_114, %eq3A_229 : vector<16xi1>
            %scatter3A_231 = arith.constant 0 : i32
            %scatter3A_232 = tpu.memref_slice %arg11[%scatter3A_231] : memref<73728xf32, #tpu.memory_space<vmem>> -> memref<73728xf32, #tpu.memory_space<vmem>>
            tpu.vector_store_idx %scatter3A_232[%select_n3A], %get3A_132 masked %and3A_230 {add = true} : memref<73728xf32, #tpu.memory_space<vmem>>[vector<16xi32>], vector<16xf32>, vector<16xi1>
            %eq3A_233 = arith.constant 14 : i32
            %eq3A_234 = vector.broadcast %eq3A_233 : i32 to vector<16xi32>
            %eq3A_235 = arith.cmpi eq, %iota3A_10, %eq3A_234 : vector<16xi32>
            %and3A_236 = arith.andi %and3A_114, %eq3A_235 : vector<16xi1>
            %scatter3A_237 = arith.constant 0 : i32
            %scatter3A_238 = tpu.memref_slice %arg11[%scatter3A_237] : memref<73728xf32, #tpu.memory_space<vmem>> -> memref<73728xf32, #tpu.memory_space<vmem>>
            tpu.vector_store_idx %scatter3A_238[%select_n3A], %get3A_132 masked %and3A_236 {add = true} : memref<73728xf32, #tpu.memory_space<vmem>>[vector<16xi32>], vector<16xf32>, vector<16xi1>
            %eq3A_239 = arith.constant 15 : i32
            %eq3A_240 = vector.broadcast %eq3A_239 : i32 to vector<16xi32>
            %eq3A_241 = arith.cmpi eq, %iota3A_10, %eq3A_240 : vector<16xi32>
            %and3A_242 = arith.andi %and3A_114, %eq3A_241 : vector<16xi1>
            %scatter3A_243 = arith.constant 0 : i32
            %scatter3A_244 = tpu.memref_slice %arg11[%scatter3A_243] : memref<73728xf32, #tpu.memory_space<vmem>> -> memref<73728xf32, #tpu.memory_space<vmem>>
            tpu.vector_store_idx %scatter3A_244[%select_n3A], %get3A_132 masked %and3A_242 {add = true} : memref<73728xf32, #tpu.memory_space<vmem>>[vector<16xi32>], vector<16xf32>, vector<16xi1>
          } else {
          }
        } else {
        }
      }
      %scan3A_26 = arith.constant 96 : i32
    }
    %scan3A_16 = arith.constant 4 : i32
    %mul3A_17 = arith.constant 1536 : i32
    %mul3A_18 = arith.muli %mul3A_2, %mul3A_17 : i32
    "tpu.region"() ({
      %run_scoped3A = tpu.sem_alloc : memref<!tpu.dma_semaphore, #tpu.memory_space<semaphore_mem>>
      %dma_start3A = tpu.memref_slice %arg10[%mul3A_18] : memref<2359296xf32, #tpu.memory_space<hbm>> -> memref<73728xf32, #tpu.memory_space<hbm>>
      %dma_start3A_19 = tpu.memref_slice %arg10[%mul3A_18] : memref<2359296xf32, #tpu.memory_space<hbm>> -> memref<73728xf32, #tpu.memory_space<hbm>>
      tpu.enqueue_dma source(%arg11 : memref<73728xf32, #tpu.memory_space<vmem>>) target(%dma_start3A_19 : memref<73728xf32, #tpu.memory_space<hbm>>) target_semaphore(%run_scoped3A : memref<!tpu.dma_semaphore, #tpu.memory_space<semaphore_mem>>)
      %dma_wait3A = tpu.memref_slice %arg10[%mul3A_18] : memref<2359296xf32, #tpu.memory_space<hbm>> -> memref<73728xf32, #tpu.memory_space<hbm>>
      %dma_wait3A_20 = tpu.memref_slice %arg10[%mul3A_18] : memref<2359296xf32, #tpu.memory_space<hbm>> -> memref<73728xf32, #tpu.memory_space<hbm>>
      tpu.wait_dma2 semaphore(%run_scoped3A : memref<!tpu.dma_semaphore, #tpu.memory_space<semaphore_mem>>) src(%arg11 : memref<73728xf32, #tpu.memory_space<vmem>>) dst(%dma_wait3A_20 : memref<73728xf32, #tpu.memory_space<hbm>>)
      tpu.yield
    }) : () -> ()
    return
  }
}

module attributes {stable_mosaic.version = 14 : i64} {
  func.func @_fused_body(%arg0: i32, %arg1: i32, %arg2: memref<2x512x2xf32, #tpu.memory_space<vmem>>, %arg3: memref<2x1x1024x2xf32, #tpu.memory_space<vmem>>, %arg4: memref<2x128xf32, #tpu.memory_space<vmem>>, %arg5: memref<1x128xf32, #tpu.memory_space<vmem>>, %arg6: memref<1536x1536xf32, #tpu.memory_space<vmem>>, %arg7: memref<1536x1536xf32, #tpu.memory_space<vmem>>, %arg8: memref<512x1536xf32, #tpu.memory_space<vmem>>, %arg9: memref<512x1536xf32, #tpu.memory_space<vmem>>, %arg10: memref<512x1xf32, #tpu.memory_space<vmem>>, %arg11: memref<512x1xf32, #tpu.memory_space<vmem>>, %arg12: memref<2x2x128x128xf32, #tpu.memory_space<vmem>>, %arg13: memref<2x2x128x128xf32, #tpu.memory_space<vmem>>, %arg14: memref<2x512x128xf32, #tpu.memory_space<vmem>>, %arg15: memref<2x512x128xf32, #tpu.memory_space<vmem>>, %arg16: memref<16x512x128xf32, #tpu.memory_space<vmem>>, %arg17: memref<16x512x128xf32, #tpu.memory_space<vmem>>, %arg18: memref<2x2xf32, #tpu.memory_space<smem>>, %arg19: memref<2x2xf32, #tpu.memory_space<smem>>) attributes {dimension_semantics = [#tpu.dimension_semantics<arbitrary>, #tpu.dimension_semantics<arbitrary>], iteration_bounds = array<i64: 7, 8>, scalar_prefetch = 0 : i64, scratch_operands = 4 : i64, tpu.core_type = #tpu.core_type<tc>, window_params = [{transform_indices = @transform_0, window_bounds = array<i64: 2, 512, 2>}, {transform_indices = @transform_1, window_bounds = array<i64: 2, 1, 1024, 2>}, {pipeline_mode = #tpu.pipeline_mode<synchronous>, transform_indices = @transform_2, window_bounds = array<i64: 2, 128>}, {pipeline_mode = #tpu.pipeline_mode<synchronous>, transform_indices = @transform_3, window_bounds = array<i64: 1, 128>}, {pipeline_mode = #tpu.pipeline_mode<synchronous>, transform_indices = @transform_4, window_bounds = array<i64: 1536, 1536>}, {pipeline_mode = #tpu.pipeline_mode<synchronous>, transform_indices = @transform_5, window_bounds = array<i64: 1536, 1536>}, {pipeline_mode = #tpu.pipeline_mode<synchronous>, transform_indices = @transform_6, window_bounds = array<i64: 512, 1536>}, {pipeline_mode = #tpu.pipeline_mode<synchronous>, transform_indices = @transform_7, window_bounds = array<i64: 512, 1536>}, {pipeline_mode = #tpu.pipeline_mode<synchronous>, transform_indices = @transform_8, window_bounds = array<i64: 512, 1>}, {pipeline_mode = #tpu.pipeline_mode<synchronous>, transform_indices = @transform_9, window_bounds = array<i64: 512, 1>}, {pipeline_mode = #tpu.pipeline_mode<synchronous>, transform_indices = @transform_10, window_bounds = array<i64: 2, 2, 128, 128>}, {pipeline_mode = #tpu.pipeline_mode<synchronous>, transform_indices = @transform_11, window_bounds = array<i64: 2, 2, 128, 128>}, {transform_indices = @transform_12, window_bounds = array<i64: 2, 512, 128>}, {transform_indices = @transform_13, window_bounds = array<i64: 2, 512, 128>}]} {
    %eq3A = arith.constant 0 : i32
    %eq3A_0 = arith.cmpi eq, %arg1, %eq3A : i32
    %eq3A_1 = arith.constant 0 : i32
    %eq3A_2 = arith.cmpi eq, %arg0, %eq3A_1 : i32
    %and3A = arith.andi %eq3A_0, %eq3A_2 : i1
    %convert_element_type3A = arith.extui %and3A : i1 to i32
    %cond3A = arith.constant 0 : i32
    %cond3A_3 = arith.cmpi ne, %convert_element_type3A, %cond3A : i32
    scf.if %cond3A_3 {
      %swap3A = arith.constant 0.000000e+00 : f32
      %swap3A_20 = arith.constant 0 : index
      %swap3A_21 = arith.constant 0 : index
      %swap3A_22 = memref.load %arg18[%swap3A_20, %swap3A_21] : memref<2x2xf32, #tpu.memory_space<smem>>
      memref.store %swap3A, %arg18[%swap3A_20, %swap3A_21] : memref<2x2xf32, #tpu.memory_space<smem>>
      %swap3A_23 = arith.constant 1.000000e+00 : f32
      %swap3A_24 = arith.constant 0 : index
      %swap3A_25 = arith.constant 1 : index
      %swap3A_26 = memref.load %arg18[%swap3A_24, %swap3A_25] : memref<2x2xf32, #tpu.memory_space<smem>>
      memref.store %swap3A_23, %arg18[%swap3A_24, %swap3A_25] : memref<2x2xf32, #tpu.memory_space<smem>>
      %swap3A_27 = arith.constant 0.000000e+00 : f32
      %swap3A_28 = arith.constant 0 : index
      %swap3A_29 = arith.constant 0 : index
      %swap3A_30 = memref.load %arg19[%swap3A_28, %swap3A_29] : memref<2x2xf32, #tpu.memory_space<smem>>
      memref.store %swap3A_27, %arg19[%swap3A_28, %swap3A_29] : memref<2x2xf32, #tpu.memory_space<smem>>
      %swap3A_31 = arith.constant 0.000000e+00 : f32
      %swap3A_32 = arith.constant 0 : index
      %swap3A_33 = arith.constant 1 : index
      %swap3A_34 = memref.load %arg19[%swap3A_32, %swap3A_33] : memref<2x2xf32, #tpu.memory_space<smem>>
      memref.store %swap3A_31, %arg19[%swap3A_32, %swap3A_33] : memref<2x2xf32, #tpu.memory_space<smem>>
      %swap3A_35 = arith.constant 0.000000e+00 : f32
      %swap3A_36 = arith.constant 1 : index
      %swap3A_37 = arith.constant 0 : index
      %swap3A_38 = memref.load %arg18[%swap3A_36, %swap3A_37] : memref<2x2xf32, #tpu.memory_space<smem>>
      memref.store %swap3A_35, %arg18[%swap3A_36, %swap3A_37] : memref<2x2xf32, #tpu.memory_space<smem>>
      %swap3A_39 = arith.constant 1.000000e+00 : f32
      %swap3A_40 = arith.constant 1 : index
      %swap3A_41 = arith.constant 1 : index
      %swap3A_42 = memref.load %arg18[%swap3A_40, %swap3A_41] : memref<2x2xf32, #tpu.memory_space<smem>>
      memref.store %swap3A_39, %arg18[%swap3A_40, %swap3A_41] : memref<2x2xf32, #tpu.memory_space<smem>>
      %swap3A_43 = arith.constant 0.000000e+00 : f32
      %swap3A_44 = arith.constant 1 : index
      %swap3A_45 = arith.constant 0 : index
      %swap3A_46 = memref.load %arg19[%swap3A_44, %swap3A_45] : memref<2x2xf32, #tpu.memory_space<smem>>
      memref.store %swap3A_43, %arg19[%swap3A_44, %swap3A_45] : memref<2x2xf32, #tpu.memory_space<smem>>
      %swap3A_47 = arith.constant 0.000000e+00 : f32
      %swap3A_48 = arith.constant 1 : index
      %swap3A_49 = arith.constant 1 : index
      %swap3A_50 = memref.load %arg19[%swap3A_48, %swap3A_49] : memref<2x2xf32, #tpu.memory_space<smem>>
      memref.store %swap3A_47, %arg19[%swap3A_48, %swap3A_49] : memref<2x2xf32, #tpu.memory_space<smem>>
    } else {
    }
    %eq3A_4 = arith.constant 0 : i32
    %eq3A_5 = arith.cmpi eq, %arg1, %eq3A_4 : i32
    %gt3A = arith.constant 0 : i32
    %gt3A_6 = arith.cmpi sgt, %arg0, %gt3A : i32
    %and3A_7 = arith.andi %eq3A_5, %gt3A_6 : i1
    %convert_element_type3A_8 = arith.extui %and3A_7 : i1 to i32
    %cond3A_9 = arith.constant 0 : i32
    %cond3A_10 = arith.cmpi ne, %convert_element_type3A_8, %cond3A_9 : i32
    scf.if %cond3A_10 {
      %get3A = arith.constant 0 : index
      %get3A_20 = arith.constant 0 : index
      %get3A_21 = memref.load %arg19[%get3A, %get3A_20] : memref<2x2xf32, #tpu.memory_space<smem>>
      %div3A = arith.constant 0x49800000 : f32
      %div3A_22 = arith.divf %get3A_21, %div3A : f32
      %get3A_23 = arith.constant 0 : index
      %get3A_24 = arith.constant 1 : index
      %get3A_25 = memref.load %arg19[%get3A_23, %get3A_24] : memref<2x2xf32, #tpu.memory_space<smem>>
      %div3A_26 = arith.constant 0x49800000 : f32
      %div3A_27 = arith.divf %get3A_25, %div3A_26 : f32
      %mul3A = arith.mulf %div3A_22, %div3A_22 : f32
      %sub3A = arith.subf %div3A_27, %mul3A : f32
      %swap3A = arith.constant 0 : index
      %swap3A_28 = arith.constant 0 : index
      %swap3A_29 = memref.load %arg18[%swap3A, %swap3A_28] : memref<2x2xf32, #tpu.memory_space<smem>>
      memref.store %div3A_22, %arg18[%swap3A, %swap3A_28] : memref<2x2xf32, #tpu.memory_space<smem>>
      %add3A = arith.constant 9.99999974E-6 : f32
      %add3A_30 = arith.addf %sub3A, %add3A : f32
      %rsqrt3A = math.rsqrt %add3A_30 : f32
      %swap3A_31 = arith.constant 0 : index
      %swap3A_32 = arith.constant 1 : index
      %swap3A_33 = memref.load %arg18[%swap3A_31, %swap3A_32] : memref<2x2xf32, #tpu.memory_space<smem>>
      memref.store %rsqrt3A, %arg18[%swap3A_31, %swap3A_32] : memref<2x2xf32, #tpu.memory_space<smem>>
      %swap3A_34 = arith.constant 0.000000e+00 : f32
      %swap3A_35 = arith.constant 0 : index
      %swap3A_36 = arith.constant 0 : index
      %swap3A_37 = memref.load %arg19[%swap3A_35, %swap3A_36] : memref<2x2xf32, #tpu.memory_space<smem>>
      memref.store %swap3A_34, %arg19[%swap3A_35, %swap3A_36] : memref<2x2xf32, #tpu.memory_space<smem>>
      %swap3A_38 = arith.constant 0.000000e+00 : f32
      %swap3A_39 = arith.constant 0 : index
      %swap3A_40 = arith.constant 1 : index
      %swap3A_41 = memref.load %arg19[%swap3A_39, %swap3A_40] : memref<2x2xf32, #tpu.memory_space<smem>>
      memref.store %swap3A_38, %arg19[%swap3A_39, %swap3A_40] : memref<2x2xf32, #tpu.memory_space<smem>>
      %get3A_42 = arith.constant 1 : index
      %get3A_43 = arith.constant 0 : index
      %get3A_44 = memref.load %arg19[%get3A_42, %get3A_43] : memref<2x2xf32, #tpu.memory_space<smem>>
      %div3A_45 = arith.constant 0x49800000 : f32
      %div3A_46 = arith.divf %get3A_44, %div3A_45 : f32
      %get3A_47 = arith.constant 1 : index
      %get3A_48 = arith.constant 1 : index
      %get3A_49 = memref.load %arg19[%get3A_47, %get3A_48] : memref<2x2xf32, #tpu.memory_space<smem>>
      %div3A_50 = arith.constant 0x49800000 : f32
      %div3A_51 = arith.divf %get3A_49, %div3A_50 : f32
      %mul3A_52 = arith.mulf %div3A_46, %div3A_46 : f32
      %sub3A_53 = arith.subf %div3A_51, %mul3A_52 : f32
      %swap3A_54 = arith.constant 1 : index
      %swap3A_55 = arith.constant 0 : index
      %swap3A_56 = memref.load %arg18[%swap3A_54, %swap3A_55] : memref<2x2xf32, #tpu.memory_space<smem>>
      memref.store %div3A_46, %arg18[%swap3A_54, %swap3A_55] : memref<2x2xf32, #tpu.memory_space<smem>>
      %add3A_57 = arith.constant 9.99999974E-6 : f32
      %add3A_58 = arith.addf %sub3A_53, %add3A_57 : f32
      %rsqrt3A_59 = math.rsqrt %add3A_58 : f32
      %swap3A_60 = arith.constant 1 : index
      %swap3A_61 = arith.constant 1 : index
      %swap3A_62 = memref.load %arg18[%swap3A_60, %swap3A_61] : memref<2x2xf32, #tpu.memory_space<smem>>
      memref.store %rsqrt3A_59, %arg18[%swap3A_60, %swap3A_61] : memref<2x2xf32, #tpu.memory_space<smem>>
      %swap3A_63 = arith.constant 0.000000e+00 : f32
      %swap3A_64 = arith.constant 1 : index
      %swap3A_65 = arith.constant 0 : index
      %swap3A_66 = memref.load %arg19[%swap3A_64, %swap3A_65] : memref<2x2xf32, #tpu.memory_space<smem>>
      memref.store %swap3A_63, %arg19[%swap3A_64, %swap3A_65] : memref<2x2xf32, #tpu.memory_space<smem>>
      %swap3A_67 = arith.constant 0.000000e+00 : f32
      %swap3A_68 = arith.constant 1 : index
      %swap3A_69 = arith.constant 1 : index
      %swap3A_70 = memref.load %arg19[%swap3A_68, %swap3A_69] : memref<2x2xf32, #tpu.memory_space<smem>>
      memref.store %swap3A_67, %arg19[%swap3A_68, %swap3A_69] : memref<2x2xf32, #tpu.memory_space<smem>>
    } else {
    }
    %lt3A = arith.constant 6 : i32
    %lt3A_11 = arith.cmpi slt, %arg0, %lt3A : i32
    %convert_element_type3A_12 = arith.extui %lt3A_11 : i1 to i32
    %cond3A_13 = arith.constant 0 : i32
    %cond3A_14 = arith.cmpi ne, %convert_element_type3A_12, %cond3A_13 : i32
    scf.if %cond3A_14 {
      %mul3A = arith.constant 2 : i32
      %mul3A_20 = arith.muli %arg1, %mul3A : i32
      %add3A = arith.constant 0 : i32
      %add3A_21 = arith.addi %mul3A_20, %add3A : i32
      %get3A = arith.constant 0 : index
      %get3A_22 = arith.constant 0 : index
      %get3A_23 = arith.constant 0 : index
      %get3A_24 = arith.constant 0 : index
      %get3A_25 = vector.load %arg3[%get3A, %get3A_22, %get3A_23, %get3A_24] : memref<2x1x1024x2xf32, #tpu.memory_space<vmem>>, vector<1x1x1024x2xf32>
      %get3A_26 = vector.shape_cast %get3A_25 : vector<1x1x1024x2xf32> to vector<1024x2xf32>
      %get3A_27 = arith.constant 0 : index
      %get3A_28 = arith.constant 0 : index
      %get3A_29 = vector.load %arg4[%get3A_27, %get3A_28] : memref<2x128xf32, #tpu.memory_space<vmem>>, vector<2x128xf32>
      %dot_general3A = arith.constant dense<0.000000e+00> : vector<1024x128xf32>
      %dot_general3A_30 = tpu.matmul %get3A_26, %get3A_29, %dot_general3A {dimension_numbers = #tpu.dot_dimension_numbers<[1], [0], [0], [1], [0, 0, 1, 1], [], []>, transpose_lhs_hint = false} : vector<1024x2xf32>, vector<2x128xf32>, vector<1024x128xf32> -> vector<1024x128xf32>
      %get3A_31 = arith.constant 0 : index
      %get3A_32 = arith.constant 0 : index
      %get3A_33 = vector.load %arg5[%get3A_31, %get3A_32] : memref<1x128xf32, #tpu.memory_space<vmem>>, vector<1x128xf32>
      %add3A_34 = vector.broadcast %get3A_33 : vector<1x128xf32> to vector<1024x128xf32>
      %add3A_35 = arith.addf %dot_general3A_30, %add3A_34 : vector<1024x128xf32>
      %get3A_36 = arith.constant 0 : index
      %get3A_37 = arith.constant 0 : index
      %get3A_38 = arith.constant 0 : index
      %get3A_39 = vector.load %arg2[%get3A_36, %get3A_37, %get3A_38] : memref<2x512x2xf32, #tpu.memory_space<vmem>>, vector<1x512x2xf32>
      %get3A_40 = vector.shape_cast %get3A_39 : vector<1x512x2xf32> to vector<512x2xf32>
      %get3A_41 = arith.constant 0 : index
      %get3A_42 = arith.constant 0 : index
      %get3A_43 = vector.load %arg4[%get3A_41, %get3A_42] : memref<2x128xf32, #tpu.memory_space<vmem>>, vector<2x128xf32>
      %dot_general3A_44 = arith.constant dense<0.000000e+00> : vector<512x128xf32>
      %dot_general3A_45 = tpu.matmul %get3A_40, %get3A_43, %dot_general3A_44 {dimension_numbers = #tpu.dot_dimension_numbers<[1], [0], [0], [1], [0, 0, 1, 1], [], []>, transpose_lhs_hint = false} : vector<512x2xf32>, vector<2x128xf32>, vector<512x128xf32> -> vector<512x128xf32>
      %get3A_46 = arith.constant 0 : index
      %get3A_47 = arith.constant 0 : index
      %get3A_48 = vector.load %arg5[%get3A_46, %get3A_47] : memref<1x128xf32, #tpu.memory_space<vmem>>, vector<1x128xf32>
      %add3A_49 = vector.broadcast %get3A_48 : vector<1x128xf32> to vector<512x128xf32>
      %add3A_50 = arith.addf %dot_general3A_45, %add3A_49 : vector<512x128xf32>
      %get3A_51 = arith.constant 0 : index
      %get3A_52 = arith.constant 512 : index
      %get3A_53 = vector.load %arg6[%get3A_51, %get3A_52] : memref<1536x1536xf32, #tpu.memory_space<vmem>>, vector<1536x1024xf32>
      %dot_general3A_54 = arith.constant dense<0.000000e+00> : vector<1536x128xf32>
      %dot_general3A_55 = tpu.matmul %get3A_53, %add3A_35, %dot_general3A_54 {dimension_numbers = #tpu.dot_dimension_numbers<[1], [0], [0], [1], [0, 0, 1, 1], [], []>, transpose_lhs_hint = false} : vector<1536x1024xf32>, vector<1024x128xf32>, vector<1536x128xf32> -> vector<1536x128xf32>
      %get3A_56 = arith.constant 0 : index
      %get3A_57 = arith.constant 512 : index
      %get3A_58 = vector.load %arg7[%get3A_56, %get3A_57] : memref<1536x1536xf32, #tpu.memory_space<vmem>>, vector<1536x1024xf32>
      %dot_general3A_59 = arith.constant dense<0.000000e+00> : vector<1536x128xf32>
      %dot_general3A_60 = tpu.matmul %get3A_58, %add3A_35, %dot_general3A_59 {dimension_numbers = #tpu.dot_dimension_numbers<[1], [0], [0], [1], [0, 0, 1, 1], [], []>, transpose_lhs_hint = false} : vector<1536x1024xf32>, vector<1024x128xf32>, vector<1536x128xf32> -> vector<1536x128xf32>
      %eq3A_61 = arith.constant 0 : i32
      %eq3A_62 = arith.cmpi eq, %arg0, %eq3A_61 : i32
      %get3A_63 = arith.index_cast %add3A_21 : i32 to index
      %get3A_64 = arith.constant 0 : index
      %get3A_65 = arith.constant 0 : index
      %get3A_66 = vector.load %arg16[%get3A_63, %get3A_64, %get3A_65] : memref<16x512x128xf32, #tpu.memory_space<vmem>>, vector<1x512x128xf32>
      %get3A_67 = vector.shape_cast %get3A_66 : vector<1x512x128xf32> to vector<512x128xf32>
      %get3A_68 = arith.constant 0 : index
      %get3A_69 = arith.constant 0 : index
      %get3A_70 = memref.load %arg18[%get3A_68, %get3A_69] : memref<2x2xf32, #tpu.memory_space<smem>>
      %sub3A = vector.broadcast %get3A_70 : f32 to vector<512x128xf32>
      %sub3A_71 = arith.subf %get3A_67, %sub3A : vector<512x128xf32>
      %get3A_72 = arith.constant 0 : index
      %get3A_73 = arith.constant 1 : index
      %get3A_74 = memref.load %arg18[%get3A_72, %get3A_73] : memref<2x2xf32, #tpu.memory_space<smem>>
      %mul3A_75 = vector.broadcast %get3A_74 : f32 to vector<512x128xf32>
      %mul3A_76 = arith.mulf %sub3A_71, %mul3A_75 : vector<512x128xf32>
      %select_n3A = arith.select %eq3A_62, %add3A_50, %mul3A_76 : vector<512x128xf32>
      %get3A_77 = arith.constant 0 : index
      %get3A_78 = arith.constant 0 : index
      %get3A_79 = vector.load %arg6[%get3A_77, %get3A_78] : memref<1536x1536xf32, #tpu.memory_space<vmem>>, vector<1536x512xf32>
      %dot_general3A_80 = arith.constant dense<0.000000e+00> : vector<1536x128xf32>
      %dot_general3A_81 = tpu.matmul %get3A_79, %select_n3A, %dot_general3A_80 {dimension_numbers = #tpu.dot_dimension_numbers<[1], [0], [0], [1], [0, 0, 1, 1], [], []>, transpose_lhs_hint = false} : vector<1536x512xf32>, vector<512x128xf32>, vector<1536x128xf32> -> vector<1536x128xf32>
      %add3A_82 = arith.addf %dot_general3A_81, %dot_general3A_55 : vector<1536x128xf32>
      %get3A_83 = arith.constant 0 : index
      %get3A_84 = arith.constant 0 : index
      %get3A_85 = vector.load %arg7[%get3A_83, %get3A_84] : memref<1536x1536xf32, #tpu.memory_space<vmem>>, vector<1536x512xf32>
      %dot_general3A_86 = arith.constant dense<0.000000e+00> : vector<1536x128xf32>
      %dot_general3A_87 = tpu.matmul %get3A_85, %select_n3A, %dot_general3A_86 {dimension_numbers = #tpu.dot_dimension_numbers<[1], [0], [0], [1], [0, 0, 1, 1], [], []>, transpose_lhs_hint = false} : vector<1536x512xf32>, vector<512x128xf32>, vector<1536x128xf32> -> vector<1536x128xf32>
      %add3A_88 = arith.addf %dot_general3A_87, %dot_general3A_60 : vector<1536x128xf32>
      %get3A_89 = arith.constant 0 : index
      %get3A_90 = arith.constant 0 : index
      %get3A_91 = arith.constant 0 : index
      %get3A_92 = arith.constant 0 : index
      %get3A_93 = vector.load %arg12[%get3A_89, %get3A_90, %get3A_91, %get3A_92] : memref<2x2x128x128xf32, #tpu.memory_space<vmem>>, vector<1x1x128x128xf32>
      %get3A_94 = vector.shape_cast %get3A_93 : vector<1x1x128x128xf32> to vector<128x128xf32>
      %dot_general3A_95 = arith.constant dense<0.000000e+00> : vector<1536x128xf32>
      %dot_general3A_96 = tpu.matmul %add3A_82, %get3A_94, %dot_general3A_95 {dimension_numbers = #tpu.dot_dimension_numbers<[1], [0], [0], [1], [0, 0, 1, 1], [], []>, transpose_lhs_hint = false} : vector<1536x128xf32>, vector<128x128xf32>, vector<1536x128xf32> -> vector<1536x128xf32>
      %get3A_97 = arith.constant 0 : index
      %get3A_98 = arith.constant 1 : index
      %get3A_99 = arith.constant 0 : index
      %get3A_100 = arith.constant 0 : index
      %get3A_101 = vector.load %arg12[%get3A_97, %get3A_98, %get3A_99, %get3A_100] : memref<2x2x128x128xf32, #tpu.memory_space<vmem>>, vector<1x1x128x128xf32>
      %get3A_102 = vector.shape_cast %get3A_101 : vector<1x1x128x128xf32> to vector<128x128xf32>
      %dot_general3A_103 = arith.constant dense<0.000000e+00> : vector<1536x128xf32>
      %dot_general3A_104 = tpu.matmul %add3A_88, %get3A_102, %dot_general3A_103 {dimension_numbers = #tpu.dot_dimension_numbers<[1], [0], [0], [1], [0, 0, 1, 1], [], []>, transpose_lhs_hint = false} : vector<1536x128xf32>, vector<128x128xf32>, vector<1536x128xf32> -> vector<1536x128xf32>
      %add3A_105 = arith.addf %dot_general3A_96, %dot_general3A_104 : vector<1536x128xf32>
      %max3A = arith.constant 0.000000e+00 : f32
      %max3A_106 = vector.broadcast %max3A : f32 to vector<1536x128xf32>
      %max3A_107 = arith.maximumf %add3A_105, %max3A_106 : vector<1536x128xf32>
      %get3A_108 = arith.constant 0 : index
      %get3A_109 = arith.constant 0 : index
      %get3A_110 = vector.load %arg6[%get3A_108, %get3A_109] : memref<1536x1536xf32, #tpu.memory_space<vmem>>, vector<1536x1536xf32>
      %dot_general3A_111 = arith.constant dense<0.000000e+00> : vector<1536x128xf32>
      %dot_general3A_112 = tpu.matmul %get3A_110, %max3A_107, %dot_general3A_111 {dimension_numbers = #tpu.dot_dimension_numbers<[1], [0], [0], [1], [0, 0, 1, 1], [], []>, transpose_lhs_hint = false} : vector<1536x1536xf32>, vector<1536x128xf32>, vector<1536x128xf32> -> vector<1536x128xf32>
      %get3A_113 = arith.constant 0 : index
      %get3A_114 = arith.constant 0 : index
      %get3A_115 = vector.load %arg7[%get3A_113, %get3A_114] : memref<1536x1536xf32, #tpu.memory_space<vmem>>, vector<1536x1536xf32>
      %dot_general3A_116 = arith.constant dense<0.000000e+00> : vector<1536x128xf32>
      %dot_general3A_117 = tpu.matmul %get3A_115, %max3A_107, %dot_general3A_116 {dimension_numbers = #tpu.dot_dimension_numbers<[1], [0], [0], [1], [0, 0, 1, 1], [], []>, transpose_lhs_hint = false} : vector<1536x1536xf32>, vector<1536x128xf32>, vector<1536x128xf32> -> vector<1536x128xf32>
      %get3A_118 = arith.constant 1 : index
      %get3A_119 = arith.constant 0 : index
      %get3A_120 = arith.constant 0 : index
      %get3A_121 = arith.constant 0 : index
      %get3A_122 = vector.load %arg12[%get3A_118, %get3A_119, %get3A_120, %get3A_121] : memref<2x2x128x128xf32, #tpu.memory_space<vmem>>, vector<1x1x128x128xf32>
      %get3A_123 = vector.shape_cast %get3A_122 : vector<1x1x128x128xf32> to vector<128x128xf32>
      %dot_general3A_124 = arith.constant dense<0.000000e+00> : vector<1536x128xf32>
      %dot_general3A_125 = tpu.matmul %dot_general3A_112, %get3A_123, %dot_general3A_124 {dimension_numbers = #tpu.dot_dimension_numbers<[1], [0], [0], [1], [0, 0, 1, 1], [], []>, transpose_lhs_hint = false} : vector<1536x128xf32>, vector<128x128xf32>, vector<1536x128xf32> -> vector<1536x128xf32>
      %get3A_126 = arith.constant 1 : index
      %get3A_127 = arith.constant 1 : index
      %get3A_128 = arith.constant 0 : index
      %get3A_129 = arith.constant 0 : index
      %get3A_130 = vector.load %arg12[%get3A_126, %get3A_127, %get3A_128, %get3A_129] : memref<2x2x128x128xf32, #tpu.memory_space<vmem>>, vector<1x1x128x128xf32>
      %get3A_131 = vector.shape_cast %get3A_130 : vector<1x1x128x128xf32> to vector<128x128xf32>
      %dot_general3A_132 = arith.constant dense<0.000000e+00> : vector<1536x128xf32>
      %dot_general3A_133 = tpu.matmul %dot_general3A_117, %get3A_131, %dot_general3A_132 {dimension_numbers = #tpu.dot_dimension_numbers<[1], [0], [0], [1], [0, 0, 1, 1], [], []>, transpose_lhs_hint = false} : vector<1536x128xf32>, vector<128x128xf32>, vector<1536x128xf32> -> vector<1536x128xf32>
      %add3A_134 = arith.addf %dot_general3A_125, %dot_general3A_133 : vector<1536x128xf32>
      %max3A_135 = arith.constant 0.000000e+00 : f32
      %max3A_136 = vector.broadcast %max3A_135 : f32 to vector<1536x128xf32>
      %max3A_137 = arith.maximumf %add3A_134, %max3A_136 : vector<1536x128xf32>
      %slice3A = vector.extract_strided_slice %max3A_137 {offsets = [0, 0], sizes = [512, 128], strides = [1, 1]} : vector<1536x128xf32> to vector<512x128xf32>
      %slice3A_138 = vector.extract_strided_slice %max3A_137 {offsets = [512, 0], sizes = [512, 128], strides = [1, 1]} : vector<1536x128xf32> to vector<512x128xf32>
      %add3A_139 = arith.addf %slice3A, %slice3A_138 : vector<512x128xf32>
      %slice3A_140 = vector.extract_strided_slice %max3A_137 {offsets = [1024, 0], sizes = [512, 128], strides = [1, 1]} : vector<1536x128xf32> to vector<512x128xf32>
      %add3A_141 = arith.addf %add3A_139, %slice3A_140 : vector<512x128xf32>
      %get3A_142 = arith.constant 0 : index
      %get3A_143 = arith.constant 0 : index
      %get3A_144 = vector.load %arg8[%get3A_142, %get3A_143] : memref<512x1536xf32, #tpu.memory_space<vmem>>, vector<512x512xf32>
      %dot_general3A_145 = arith.constant dense<0.000000e+00> : vector<512x128xf32>
      %dot_general3A_146 = tpu.matmul %get3A_144, %select_n3A, %dot_general3A_145 {dimension_numbers = #tpu.dot_dimension_numbers<[1], [0], [0], [1], [0, 0, 1, 1], [], []>, transpose_lhs_hint = false} : vector<512x512xf32>, vector<512x128xf32>, vector<512x128xf32> -> vector<512x128xf32>
      %get3A_147 = arith.constant 0 : index
      %get3A_148 = arith.constant 512 : index
      %get3A_149 = vector.load %arg8[%get3A_147, %get3A_148] : memref<512x1536xf32, #tpu.memory_space<vmem>>, vector<512x1024xf32>
      %dot_general3A_150 = arith.constant dense<0.000000e+00> : vector<512x128xf32>
      %dot_general3A_151 = tpu.matmul %get3A_149, %add3A_35, %dot_general3A_150 {dimension_numbers = #tpu.dot_dimension_numbers<[1], [0], [0], [1], [0, 0, 1, 1], [], []>, transpose_lhs_hint = false} : vector<512x1024xf32>, vector<1024x128xf32>, vector<512x128xf32> -> vector<512x128xf32>
      %add3A_152 = arith.addf %dot_general3A_146, %dot_general3A_151 : vector<512x128xf32>
      %get3A_153 = arith.constant 0 : index
      %get3A_154 = arith.constant 0 : index
      %get3A_155 = vector.load %arg10[%get3A_153, %get3A_154] : memref<512x1xf32, #tpu.memory_space<vmem>>, vector<512x1xf32>
      %add3A_156 = vector.broadcast %get3A_155 : vector<512x1xf32> to vector<512x128xf32>
      %add3A_157 = arith.addf %add3A_152, %add3A_156 : vector<512x128xf32>
      %add3A_158 = arith.addf %add3A_141, %add3A_157 : vector<512x128xf32>
      %swap3A = arith.index_cast %add3A_21 : i32 to index
      %swap3A_159 = arith.constant 0 : index
      %swap3A_160 = arith.constant 0 : index
      %swap3A_161 = vector.load %arg16[%swap3A, %swap3A_159, %swap3A_160] : memref<16x512x128xf32, #tpu.memory_space<vmem>>, vector<1x512x128xf32>
      %swap3A_162 = vector.shape_cast %swap3A_161 : vector<1x512x128xf32> to vector<512x128xf32>
      %swap3A_163 = vector.shape_cast %add3A_158 : vector<512x128xf32> to vector<1x512x128xf32>
      tpu.vector_store %arg16[%swap3A, %swap3A_159, %swap3A_160], %swap3A_163 {strides = array<i32>} : memref<16x512x128xf32, #tpu.memory_space<vmem>>, vector<1x512x128xf32>,
      %get3A_164 = arith.constant 0 : index
      %get3A_165 = arith.constant 0 : index
      %get3A_166 = memref.load %arg19[%get3A_164, %get3A_165] : memref<2x2xf32, #tpu.memory_space<smem>>
      %reduce_sum3A = vector.shape_cast %add3A_158 : vector<512x128xf32> to vector<1x512x128xf32>
      %reduce_sum3A_167 = arith.constant dense<0.000000e+00> : vector<1xf32>
      %reduce_sum3A_168 = vector.multi_reduction <add>, %reduce_sum3A, %reduce_sum3A_167 [1, 2] : vector<1x512x128xf32> to vector<1xf32>
      %reduce_sum3A_169 = vector.shape_cast %reduce_sum3A_168 : vector<1xf32> to vector<1x1x1xf32>
      %reduce_sum3A_170 = vector.extract %reduce_sum3A_169[0, 0, 0] : f32 from vector<1x1x1xf32>
      %add3A_171 = arith.addf %get3A_166, %reduce_sum3A_170 : f32
      %swap3A_172 = arith.constant 0 : index
      %swap3A_173 = arith.constant 0 : index
      %swap3A_174 = memref.load %arg19[%swap3A_172, %swap3A_173] : memref<2x2xf32, #tpu.memory_space<smem>>
      memref.store %add3A_171, %arg19[%swap3A_172, %swap3A_173] : memref<2x2xf32, #tpu.memory_space<smem>>
      %get3A_175 = arith.constant 0 : index
      %get3A_176 = arith.constant 1 : index
      %get3A_177 = memref.load %arg19[%get3A_175, %get3A_176] : memref<2x2xf32, #tpu.memory_space<smem>>
      %mul3A_178 = arith.mulf %add3A_158, %add3A_158 : vector<512x128xf32>
      %reduce_sum3A_179 = vector.shape_cast %mul3A_178 : vector<512x128xf32> to vector<1x512x128xf32>
      %reduce_sum3A_180 = arith.constant dense<0.000000e+00> : vector<1xf32>
      %reduce_sum3A_181 = vector.multi_reduction <add>, %reduce_sum3A_179, %reduce_sum3A_180 [1, 2] : vector<1x512x128xf32> to vector<1xf32>
      %reduce_sum3A_182 = vector.shape_cast %reduce_sum3A_181 : vector<1xf32> to vector<1x1x1xf32>
      %reduce_sum3A_183 = vector.extract %reduce_sum3A_182[0, 0, 0] : f32 from vector<1x1x1xf32>
      %add3A_184 = arith.addf %get3A_177, %reduce_sum3A_183 : f32
      %swap3A_185 = arith.constant 0 : index
      %swap3A_186 = arith.constant 1 : index
      %swap3A_187 = memref.load %arg19[%swap3A_185, %swap3A_186] : memref<2x2xf32, #tpu.memory_space<smem>>
      memref.store %add3A_184, %arg19[%swap3A_185, %swap3A_186] : memref<2x2xf32, #tpu.memory_space<smem>>
      %eq3A_188 = arith.constant 0 : i32
      %eq3A_189 = arith.cmpi eq, %arg0, %eq3A_188 : i32
      %get3A_190 = arith.index_cast %add3A_21 : i32 to index
      %get3A_191 = arith.constant 0 : index
      %get3A_192 = arith.constant 0 : index
      %get3A_193 = vector.load %arg17[%get3A_190, %get3A_191, %get3A_192] : memref<16x512x128xf32, #tpu.memory_space<vmem>>, vector<1x512x128xf32>
      %get3A_194 = vector.shape_cast %get3A_193 : vector<1x512x128xf32> to vector<512x128xf32>
      %get3A_195 = arith.constant 1 : index
      %get3A_196 = arith.constant 0 : index
      %get3A_197 = memref.load %arg18[%get3A_195, %get3A_196] : memref<2x2xf32, #tpu.memory_space<smem>>
      %sub3A_198 = vector.broadcast %get3A_197 : f32 to vector<512x128xf32>
      %sub3A_199 = arith.subf %get3A_194, %sub3A_198 : vector<512x128xf32>
      %get3A_200 = arith.constant 1 : index
      %get3A_201 = arith.constant 1 : index
      %get3A_202 = memref.load %arg18[%get3A_200, %get3A_201] : memref<2x2xf32, #tpu.memory_space<smem>>
      %mul3A_203 = vector.broadcast %get3A_202 : f32 to vector<512x128xf32>
      %mul3A_204 = arith.mulf %sub3A_199, %mul3A_203 : vector<512x128xf32>
      %select_n3A_205 = arith.select %eq3A_189, %add3A_50, %mul3A_204 : vector<512x128xf32>
      %get3A_206 = arith.constant 0 : index
      %get3A_207 = arith.constant 0 : index
      %get3A_208 = vector.load %arg6[%get3A_206, %get3A_207] : memref<1536x1536xf32, #tpu.memory_space<vmem>>, vector<1536x512xf32>
      %dot_general3A_209 = arith.constant dense<0.000000e+00> : vector<1536x128xf32>
      %dot_general3A_210 = tpu.matmul %get3A_208, %select_n3A_205, %dot_general3A_209 {dimension_numbers = #tpu.dot_dimension_numbers<[1], [0], [0], [1], [0, 0, 1, 1], [], []>, transpose_lhs_hint = false} : vector<1536x512xf32>, vector<512x128xf32>, vector<1536x128xf32> -> vector<1536x128xf32>
      %add3A_211 = arith.addf %dot_general3A_210, %dot_general3A_55 : vector<1536x128xf32>
      %get3A_212 = arith.constant 0 : index
      %get3A_213 = arith.constant 0 : index
      %get3A_214 = vector.load %arg7[%get3A_212, %get3A_213] : memref<1536x1536xf32, #tpu.memory_space<vmem>>, vector<1536x512xf32>
      %dot_general3A_215 = arith.constant dense<0.000000e+00> : vector<1536x128xf32>
      %dot_general3A_216 = tpu.matmul %get3A_214, %select_n3A_205, %dot_general3A_215 {dimension_numbers = #tpu.dot_dimension_numbers<[1], [0], [0], [1], [0, 0, 1, 1], [], []>, transpose_lhs_hint = false} : vector<1536x512xf32>, vector<512x128xf32>, vector<1536x128xf32> -> vector<1536x128xf32>
      %add3A_217 = arith.addf %dot_general3A_216, %dot_general3A_60 : vector<1536x128xf32>
      %get3A_218 = arith.constant 0 : index
      %get3A_219 = arith.constant 0 : index
      %get3A_220 = arith.constant 0 : index
      %get3A_221 = arith.constant 0 : index
      %get3A_222 = vector.load %arg13[%get3A_218, %get3A_219, %get3A_220, %get3A_221] : memref<2x2x128x128xf32, #tpu.memory_space<vmem>>, vector<1x1x128x128xf32>
      %get3A_223 = vector.shape_cast %get3A_222 : vector<1x1x128x128xf32> to vector<128x128xf32>
      %dot_general3A_224 = arith.constant dense<0.000000e+00> : vector<1536x128xf32>
      %dot_general3A_225 = tpu.matmul %add3A_211, %get3A_223, %dot_general3A_224 {dimension_numbers = #tpu.dot_dimension_numbers<[1], [0], [0], [1], [0, 0, 1, 1], [], []>, transpose_lhs_hint = false} : vector<1536x128xf32>, vector<128x128xf32>, vector<1536x128xf32> -> vector<1536x128xf32>
      %get3A_226 = arith.constant 0 : index
      %get3A_227 = arith.constant 1 : index
      %get3A_228 = arith.constant 0 : index
      %get3A_229 = arith.constant 0 : index
      %get3A_230 = vector.load %arg13[%get3A_226, %get3A_227, %get3A_228, %get3A_229] : memref<2x2x128x128xf32, #tpu.memory_space<vmem>>, vector<1x1x128x128xf32>
      %get3A_231 = vector.shape_cast %get3A_230 : vector<1x1x128x128xf32> to vector<128x128xf32>
      %dot_general3A_232 = arith.constant dense<0.000000e+00> : vector<1536x128xf32>
      %dot_general3A_233 = tpu.matmul %add3A_217, %get3A_231, %dot_general3A_232 {dimension_numbers = #tpu.dot_dimension_numbers<[1], [0], [0], [1], [0, 0, 1, 1], [], []>, transpose_lhs_hint = false} : vector<1536x128xf32>, vector<128x128xf32>, vector<1536x128xf32> -> vector<1536x128xf32>
      %add3A_234 = arith.addf %dot_general3A_225, %dot_general3A_233 : vector<1536x128xf32>
      %max3A_235 = arith.constant 0.000000e+00 : f32
      %max3A_236 = vector.broadcast %max3A_235 : f32 to vector<1536x128xf32>
      %max3A_237 = arith.maximumf %add3A_234, %max3A_236 : vector<1536x128xf32>
      %get3A_238 = arith.constant 0 : index
      %get3A_239 = arith.constant 0 : index
      %get3A_240 = vector.load %arg6[%get3A_238, %get3A_239] : memref<1536x1536xf32, #tpu.memory_space<vmem>>, vector<1536x1536xf32>
      %dot_general3A_241 = arith.constant dense<0.000000e+00> : vector<1536x128xf32>
      %dot_general3A_242 = tpu.matmul %get3A_240, %max3A_237, %dot_general3A_241 {dimension_numbers = #tpu.dot_dimension_numbers<[1], [0], [0], [1], [0, 0, 1, 1], [], []>, transpose_lhs_hint = false} : vector<1536x1536xf32>, vector<1536x128xf32>, vector<1536x128xf32> -> vector<1536x128xf32>
      %get3A_243 = arith.constant 0 : index
      %get3A_244 = arith.constant 0 : index
      %get3A_245 = vector.load %arg7[%get3A_243, %get3A_244] : memref<1536x1536xf32, #tpu.memory_space<vmem>>, vector<1536x1536xf32>
      %dot_general3A_246 = arith.constant dense<0.000000e+00> : vector<1536x128xf32>
      %dot_general3A_247 = tpu.matmul %get3A_245, %max3A_237, %dot_general3A_246 {dimension_numbers = #tpu.dot_dimension_numbers<[1], [0], [0], [1], [0, 0, 1, 1], [], []>, transpose_lhs_hint = false} : vector<1536x1536xf32>, vector<1536x128xf32>, vector<1536x128xf32> -> vector<1536x128xf32>
      %get3A_248 = arith.constant 1 : index
      %get3A_249 = arith.constant 0 : index
      %get3A_250 = arith.constant 0 : index
      %get3A_251 = arith.constant 0 : index
      %get3A_252 = vector.load %arg13[%get3A_248, %get3A_249, %get3A_250, %get3A_251] : memref<2x2x128x128xf32, #tpu.memory_space<vmem>>, vector<1x1x128x128xf32>
      %get3A_253 = vector.shape_cast %get3A_252 : vector<1x1x128x128xf32> to vector<128x128xf32>
      %dot_general3A_254 = arith.constant dense<0.000000e+00> : vector<1536x128xf32>
      %dot_general3A_255 = tpu.matmul %dot_general3A_242, %get3A_253, %dot_general3A_254 {dimension_numbers = #tpu.dot_dimension_numbers<[1], [0], [0], [1], [0, 0, 1, 1], [], []>, transpose_lhs_hint = false} : vector<1536x128xf32>, vector<128x128xf32>, vector<1536x128xf32> -> vector<1536x128xf32>
      %get3A_256 = arith.constant 1 : index
      %get3A_257 = arith.constant 1 : index
      %get3A_258 = arith.constant 0 : index
      %get3A_259 = arith.constant 0 : index
      %get3A_260 = vector.load %arg13[%get3A_256, %get3A_257, %get3A_258, %get3A_259] : memref<2x2x128x128xf32, #tpu.memory_space<vmem>>, vector<1x1x128x128xf32>
      %get3A_261 = vector.shape_cast %get3A_260 : vector<1x1x128x128xf32> to vector<128x128xf32>
      %dot_general3A_262 = arith.constant dense<0.000000e+00> : vector<1536x128xf32>
      %dot_general3A_263 = tpu.matmul %dot_general3A_247, %get3A_261, %dot_general3A_262 {dimension_numbers = #tpu.dot_dimension_numbers<[1], [0], [0], [1], [0, 0, 1, 1], [], []>, transpose_lhs_hint = false} : vector<1536x128xf32>, vector<128x128xf32>, vector<1536x128xf32> -> vector<1536x128xf32>
      %add3A_264 = arith.addf %dot_general3A_255, %dot_general3A_263 : vector<1536x128xf32>
      %max3A_265 = arith.constant 0.000000e+00 : f32
      %max3A_266 = vector.broadcast %max3A_265 : f32 to vector<1536x128xf32>
      %max3A_267 = arith.maximumf %add3A_264, %max3A_266 : vector<1536x128xf32>
      %slice3A_268 = vector.extract_strided_slice %max3A_267 {offsets = [0, 0], sizes = [512, 128], strides = [1, 1]} : vector<1536x128xf32> to vector<512x128xf32>
      %slice3A_269 = vector.extract_strided_slice %max3A_267 {offsets = [512, 0], sizes = [512, 128], strides = [1, 1]} : vector<1536x128xf32> to vector<512x128xf32>
      %add3A_270 = arith.addf %slice3A_268, %slice3A_269 : vector<512x128xf32>
      %slice3A_271 = vector.extract_strided_slice %max3A_267 {offsets = [1024, 0], sizes = [512, 128], strides = [1, 1]} : vector<1536x128xf32> to vector<512x128xf32>
      %add3A_272 = arith.addf %add3A_270, %slice3A_271 : vector<512x128xf32>
      %get3A_273 = arith.constant 0 : index
      %get3A_274 = arith.constant 0 : index
      %get3A_275 = vector.load %arg9[%get3A_273, %get3A_274] : memref<512x1536xf32, #tpu.memory_space<vmem>>, vector<512x512xf32>
      %dot_general3A_276 = arith.constant dense<0.000000e+00> : vector<512x128xf32>
      %dot_general3A_277 = tpu.matmul %get3A_275, %select_n3A_205, %dot_general3A_276 {dimension_numbers = #tpu.dot_dimension_numbers<[1], [0], [0], [1], [0, 0, 1, 1], [], []>, transpose_lhs_hint = false} : vector<512x512xf32>, vector<512x128xf32>, vector<512x128xf32> -> vector<512x128xf32>
      %get3A_278 = arith.constant 0 : index
      %get3A_279 = arith.constant 512 : index
      %get3A_280 = vector.load %arg9[%get3A_278, %get3A_279] : memref<512x1536xf32, #tpu.memory_space<vmem>>, vector<512x1024xf32>
      %dot_general3A_281 = arith.constant dense<0.000000e+00> : vector<512x128xf32>
      %dot_general3A_282 = tpu.matmul %get3A_280, %add3A_35, %dot_general3A_281 {dimension_numbers = #tpu.dot_dimension_numbers<[1], [0], [0], [1], [0, 0, 1, 1], [], []>, transpose_lhs_hint = false} : vector<512x1024xf32>, vector<1024x128xf32>, vector<512x128xf32> -> vector<512x128xf32>
      %add3A_283 = arith.addf %dot_general3A_277, %dot_general3A_282 : vector<512x128xf32>
      %get3A_284 = arith.constant 0 : index
      %get3A_285 = arith.constant 0 : index
      %get3A_286 = vector.load %arg11[%get3A_284, %get3A_285] : memref<512x1xf32, #tpu.memory_space<vmem>>, vector<512x1xf32>
      %add3A_287 = vector.broadcast %get3A_286 : vector<512x1xf32> to vector<512x128xf32>
      %add3A_288 = arith.addf %add3A_283, %add3A_287 : vector<512x128xf32>
      %add3A_289 = arith.addf %add3A_272, %add3A_288 : vector<512x128xf32>
      %swap3A_290 = arith.index_cast %add3A_21 : i32 to index
      %swap3A_291 = arith.constant 0 : index
      %swap3A_292 = arith.constant 0 : index
      %swap3A_293 = vector.load %arg17[%swap3A_290, %swap3A_291, %swap3A_292] : memref<16x512x128xf32, #tpu.memory_space<vmem>>, vector<1x512x128xf32>
      %swap3A_294 = vector.shape_cast %swap3A_293 : vector<1x512x128xf32> to vector<512x128xf32>
      %swap3A_295 = vector.shape_cast %add3A_289 : vector<512x128xf32> to vector<1x512x128xf32>
      tpu.vector_store %arg17[%swap3A_290, %swap3A_291, %swap3A_292], %swap3A_295 {strides = array<i32>} : memref<16x512x128xf32, #tpu.memory_space<vmem>>, vector<1x512x128xf32>,
      %get3A_296 = arith.constant 1 : index
      %get3A_297 = arith.constant 0 : index
      %get3A_298 = memref.load %arg19[%get3A_296, %get3A_297] : memref<2x2xf32, #tpu.memory_space<smem>>
      %reduce_sum3A_299 = vector.shape_cast %add3A_289 : vector<512x128xf32> to vector<1x512x128xf32>
      %reduce_sum3A_300 = arith.constant dense<0.000000e+00> : vector<1xf32>
      %reduce_sum3A_301 = vector.multi_reduction <add>, %reduce_sum3A_299, %reduce_sum3A_300 [1, 2] : vector<1x512x128xf32> to vector<1xf32>
      %reduce_sum3A_302 = vector.shape_cast %reduce_sum3A_301 : vector<1xf32> to vector<1x1x1xf32>
      %reduce_sum3A_303 = vector.extract %reduce_sum3A_302[0, 0, 0] : f32 from vector<1x1x1xf32>
      %add3A_304 = arith.addf %get3A_298, %reduce_sum3A_303 : f32
      %swap3A_305 = arith.constant 1 : index
      %swap3A_306 = arith.constant 0 : index
      %swap3A_307 = memref.load %arg19[%swap3A_305, %swap3A_306] : memref<2x2xf32, #tpu.memory_space<smem>>
      memref.store %add3A_304, %arg19[%swap3A_305, %swap3A_306] : memref<2x2xf32, #tpu.memory_space<smem>>
      %get3A_308 = arith.constant 1 : index
      %get3A_309 = arith.constant 1 : index
      %get3A_310 = memref.load %arg19[%get3A_308, %get3A_309] : memref<2x2xf32, #tpu.memory_space<smem>>
      %mul3A_311 = arith.mulf %add3A_289, %add3A_289 : vector<512x128xf32>
      %reduce_sum3A_312 = vector.shape_cast %mul3A_311 : vector<512x128xf32> to vector<1x512x128xf32>
      %reduce_sum3A_313 = arith.constant dense<0.000000e+00> : vector<1xf32>
      %reduce_sum3A_314 = vector.multi_reduction <add>, %reduce_sum3A_312, %reduce_sum3A_313 [1, 2] : vector<1x512x128xf32> to vector<1xf32>
      %reduce_sum3A_315 = vector.shape_cast %reduce_sum3A_314 : vector<1xf32> to vector<1x1x1xf32>
      %reduce_sum3A_316 = vector.extract %reduce_sum3A_315[0, 0, 0] : f32 from vector<1x1x1xf32>
      %add3A_317 = arith.addf %get3A_310, %reduce_sum3A_316 : f32
      %swap3A_318 = arith.constant 1 : index
      %swap3A_319 = arith.constant 1 : index
      %swap3A_320 = memref.load %arg19[%swap3A_318, %swap3A_319] : memref<2x2xf32, #tpu.memory_space<smem>>
      memref.store %add3A_317, %arg19[%swap3A_318, %swap3A_319] : memref<2x2xf32, #tpu.memory_space<smem>>
      %mul3A_321 = arith.constant 2 : i32
      %mul3A_322 = arith.muli %arg1, %mul3A_321 : i32
      %add3A_323 = arith.constant 1 : i32
      %add3A_324 = arith.addi %mul3A_322, %add3A_323 : i32
      %get3A_325 = arith.constant 1 : index
      %get3A_326 = arith.constant 0 : index
      %get3A_327 = arith.constant 0 : index
      %get3A_328 = arith.constant 0 : index
      %get3A_329 = vector.load %arg3[%get3A_325, %get3A_326, %get3A_327, %get3A_328] : memref<2x1x1024x2xf32, #tpu.memory_space<vmem>>, vector<1x1x1024x2xf32>
      %get3A_330 = vector.shape_cast %get3A_329 : vector<1x1x1024x2xf32> to vector<1024x2xf32>
      %get3A_331 = arith.constant 0 : index
      %get3A_332 = arith.constant 0 : index
      %get3A_333 = vector.load %arg4[%get3A_331, %get3A_332] : memref<2x128xf32, #tpu.memory_space<vmem>>, vector<2x128xf32>
      %dot_general3A_334 = arith.constant dense<0.000000e+00> : vector<1024x128xf32>
      %dot_general3A_335 = tpu.matmul %get3A_330, %get3A_333, %dot_general3A_334 {dimension_numbers = #tpu.dot_dimension_numbers<[1], [0], [0], [1], [0, 0, 1, 1], [], []>, transpose_lhs_hint = false} : vector<1024x2xf32>, vector<2x128xf32>, vector<1024x128xf32> -> vector<1024x128xf32>
      %get3A_336 = arith.constant 0 : index
      %get3A_337 = arith.constant 0 : index
      %get3A_338 = vector.load %arg5[%get3A_336, %get3A_337] : memref<1x128xf32, #tpu.memory_space<vmem>>, vector<1x128xf32>
      %add3A_339 = vector.broadcast %get3A_338 : vector<1x128xf32> to vector<1024x128xf32>
      %add3A_340 = arith.addf %dot_general3A_335, %add3A_339 : vector<1024x128xf32>
      %get3A_341 = arith.constant 1 : index
      %get3A_342 = arith.constant 0 : index
      %get3A_343 = arith.constant 0 : index
      %get3A_344 = vector.load %arg2[%get3A_341, %get3A_342, %get3A_343] : memref<2x512x2xf32, #tpu.memory_space<vmem>>, vector<1x512x2xf32>
      %get3A_345 = vector.shape_cast %get3A_344 : vector<1x512x2xf32> to vector<512x2xf32>
      %get3A_346 = arith.constant 0 : index
      %get3A_347 = arith.constant 0 : index
      %get3A_348 = vector.load %arg4[%get3A_346, %get3A_347] : memref<2x128xf32, #tpu.memory_space<vmem>>, vector<2x128xf32>
      %dot_general3A_349 = arith.constant dense<0.000000e+00> : vector<512x128xf32>
      %dot_general3A_350 = tpu.matmul %get3A_345, %get3A_348, %dot_general3A_349 {dimension_numbers = #tpu.dot_dimension_numbers<[1], [0], [0], [1], [0, 0, 1, 1], [], []>, transpose_lhs_hint = false} : vector<512x2xf32>, vector<2x128xf32>, vector<512x128xf32> -> vector<512x128xf32>
      %get3A_351 = arith.constant 0 : index
      %get3A_352 = arith.constant 0 : index
      %get3A_353 = vector.load %arg5[%get3A_351, %get3A_352] : memref<1x128xf32, #tpu.memory_space<vmem>>, vector<1x128xf32>
      %add3A_354 = vector.broadcast %get3A_353 : vector<1x128xf32> to vector<512x128xf32>
      %add3A_355 = arith.addf %dot_general3A_350, %add3A_354 : vector<512x128xf32>
      %get3A_356 = arith.constant 0 : index
      %get3A_357 = arith.constant 512 : index
      %get3A_358 = vector.load %arg6[%get3A_356, %get3A_357] : memref<1536x1536xf32, #tpu.memory_space<vmem>>, vector<1536x1024xf32>
      %dot_general3A_359 = arith.constant dense<0.000000e+00> : vector<1536x128xf32>
      %dot_general3A_360 = tpu.matmul %get3A_358, %add3A_340, %dot_general3A_359 {dimension_numbers = #tpu.dot_dimension_numbers<[1], [0], [0], [1], [0, 0, 1, 1], [], []>, transpose_lhs_hint = false} : vector<1536x1024xf32>, vector<1024x128xf32>, vector<1536x128xf32> -> vector<1536x128xf32>
      %get3A_361 = arith.constant 0 : index
      %get3A_362 = arith.constant 512 : index
      %get3A_363 = vector.load %arg7[%get3A_361, %get3A_362] : memref<1536x1536xf32, #tpu.memory_space<vmem>>, vector<1536x1024xf32>
      %dot_general3A_364 = arith.constant dense<0.000000e+00> : vector<1536x128xf32>
      %dot_general3A_365 = tpu.matmul %get3A_363, %add3A_340, %dot_general3A_364 {dimension_numbers = #tpu.dot_dimension_numbers<[1], [0], [0], [1], [0, 0, 1, 1], [], []>, transpose_lhs_hint = false} : vector<1536x1024xf32>, vector<1024x128xf32>, vector<1536x128xf32> -> vector<1536x128xf32>
      %eq3A_366 = arith.constant 0 : i32
      %eq3A_367 = arith.cmpi eq, %arg0, %eq3A_366 : i32
      %get3A_368 = arith.index_cast %add3A_324 : i32 to index
      %get3A_369 = arith.constant 0 : index
      %get3A_370 = arith.constant 0 : index
      %get3A_371 = vector.load %arg16[%get3A_368, %get3A_369, %get3A_370] : memref<16x512x128xf32, #tpu.memory_space<vmem>>, vector<1x512x128xf32>
      %get3A_372 = vector.shape_cast %get3A_371 : vector<1x512x128xf32> to vector<512x128xf32>
      %get3A_373 = arith.constant 0 : index
      %get3A_374 = arith.constant 0 : index
      %get3A_375 = memref.load %arg18[%get3A_373, %get3A_374] : memref<2x2xf32, #tpu.memory_space<smem>>
      %sub3A_376 = vector.broadcast %get3A_375 : f32 to vector<512x128xf32>
      %sub3A_377 = arith.subf %get3A_372, %sub3A_376 : vector<512x128xf32>
      %get3A_378 = arith.constant 0 : index
      %get3A_379 = arith.constant 1 : index
      %get3A_380 = memref.load %arg18[%get3A_378, %get3A_379] : memref<2x2xf32, #tpu.memory_space<smem>>
      %mul3A_381 = vector.broadcast %get3A_380 : f32 to vector<512x128xf32>
      %mul3A_382 = arith.mulf %sub3A_377, %mul3A_381 : vector<512x128xf32>
      %select_n3A_383 = arith.select %eq3A_367, %add3A_355, %mul3A_382 : vector<512x128xf32>
      %get3A_384 = arith.constant 0 : index
      %get3A_385 = arith.constant 0 : index
      %get3A_386 = vector.load %arg6[%get3A_384, %get3A_385] : memref<1536x1536xf32, #tpu.memory_space<vmem>>, vector<1536x512xf32>
      %dot_general3A_387 = arith.constant dense<0.000000e+00> : vector<1536x128xf32>
      %dot_general3A_388 = tpu.matmul %get3A_386, %select_n3A_383, %dot_general3A_387 {dimension_numbers = #tpu.dot_dimension_numbers<[1], [0], [0], [1], [0, 0, 1, 1], [], []>, transpose_lhs_hint = false} : vector<1536x512xf32>, vector<512x128xf32>, vector<1536x128xf32> -> vector<1536x128xf32>
      %add3A_389 = arith.addf %dot_general3A_388, %dot_general3A_360 : vector<1536x128xf32>
      %get3A_390 = arith.constant 0 : index
      %get3A_391 = arith.constant 0 : index
      %get3A_392 = vector.load %arg7[%get3A_390, %get3A_391] : memref<1536x1536xf32, #tpu.memory_space<vmem>>, vector<1536x512xf32>
      %dot_general3A_393 = arith.constant dense<0.000000e+00> : vector<1536x128xf32>
      %dot_general3A_394 = tpu.matmul %get3A_392, %select_n3A_383, %dot_general3A_393 {dimension_numbers = #tpu.dot_dimension_numbers<[1], [0], [0], [1], [0, 0, 1, 1], [], []>, transpose_lhs_hint = false} : vector<1536x512xf32>, vector<512x128xf32>, vector<1536x128xf32> -> vector<1536x128xf32>
      %add3A_395 = arith.addf %dot_general3A_394, %dot_general3A_365 : vector<1536x128xf32>
      %get3A_396 = arith.constant 0 : index
      %get3A_397 = arith.constant 0 : index
      %get3A_398 = arith.constant 0 : index
      %get3A_399 = arith.constant 0 : index
      %get3A_400 = vector.load %arg12[%get3A_396, %get3A_397, %get3A_398, %get3A_399] : memref<2x2x128x128xf32, #tpu.memory_space<vmem>>, vector<1x1x128x128xf32>
      %get3A_401 = vector.shape_cast %get3A_400 : vector<1x1x128x128xf32> to vector<128x128xf32>
      %dot_general3A_402 = arith.constant dense<0.000000e+00> : vector<1536x128xf32>
      %dot_general3A_403 = tpu.matmul %add3A_389, %get3A_401, %dot_general3A_402 {dimension_numbers = #tpu.dot_dimension_numbers<[1], [0], [0], [1], [0, 0, 1, 1], [], []>, transpose_lhs_hint = false} : vector<1536x128xf32>, vector<128x128xf32>, vector<1536x128xf32> -> vector<1536x128xf32>
      %get3A_404 = arith.constant 0 : index
      %get3A_405 = arith.constant 1 : index
      %get3A_406 = arith.constant 0 : index
      %get3A_407 = arith.constant 0 : index
      %get3A_408 = vector.load %arg12[%get3A_404, %get3A_405, %get3A_406, %get3A_407] : memref<2x2x128x128xf32, #tpu.memory_space<vmem>>, vector<1x1x128x128xf32>
      %get3A_409 = vector.shape_cast %get3A_408 : vector<1x1x128x128xf32> to vector<128x128xf32>
      %dot_general3A_410 = arith.constant dense<0.000000e+00> : vector<1536x128xf32>
      %dot_general3A_411 = tpu.matmul %add3A_395, %get3A_409, %dot_general3A_410 {dimension_numbers = #tpu.dot_dimension_numbers<[1], [0], [0], [1], [0, 0, 1, 1], [], []>, transpose_lhs_hint = false} : vector<1536x128xf32>, vector<128x128xf32>, vector<1536x128xf32> -> vector<1536x128xf32>
      %add3A_412 = arith.addf %dot_general3A_403, %dot_general3A_411 : vector<1536x128xf32>
      %max3A_413 = arith.constant 0.000000e+00 : f32
      %max3A_414 = vector.broadcast %max3A_413 : f32 to vector<1536x128xf32>
      %max3A_415 = arith.maximumf %add3A_412, %max3A_414 : vector<1536x128xf32>
      %get3A_416 = arith.constant 0 : index
      %get3A_417 = arith.constant 0 : index
      %get3A_418 = vector.load %arg6[%get3A_416, %get3A_417] : memref<1536x1536xf32, #tpu.memory_space<vmem>>, vector<1536x1536xf32>
      %dot_general3A_419 = arith.constant dense<0.000000e+00> : vector<1536x128xf32>
      %dot_general3A_420 = tpu.matmul %get3A_418, %max3A_415, %dot_general3A_419 {dimension_numbers = #tpu.dot_dimension_numbers<[1], [0], [0], [1], [0, 0, 1, 1], [], []>, transpose_lhs_hint = false} : vector<1536x1536xf32>, vector<1536x128xf32>, vector<1536x128xf32> -> vector<1536x128xf32>
      %get3A_421 = arith.constant 0 : index
      %get3A_422 = arith.constant 0 : index
      %get3A_423 = vector.load %arg7[%get3A_421, %get3A_422] : memref<1536x1536xf32, #tpu.memory_space<vmem>>, vector<1536x1536xf32>
      %dot_general3A_424 = arith.constant dense<0.000000e+00> : vector<1536x128xf32>
      %dot_general3A_425 = tpu.matmul %get3A_423, %max3A_415, %dot_general3A_424 {dimension_numbers = #tpu.dot_dimension_numbers<[1], [0], [0], [1], [0, 0, 1, 1], [], []>, transpose_lhs_hint = false} : vector<1536x1536xf32>, vector<1536x128xf32>, vector<1536x128xf32> -> vector<1536x128xf32>
      %get3A_426 = arith.constant 1 : index
      %get3A_427 = arith.constant 0 : index
      %get3A_428 = arith.constant 0 : index
      %get3A_429 = arith.constant 0 : index
      %get3A_430 = vector.load %arg12[%get3A_426, %get3A_427, %get3A_428, %get3A_429] : memref<2x2x128x128xf32, #tpu.memory_space<vmem>>, vector<1x1x128x128xf32>
      %get3A_431 = vector.shape_cast %get3A_430 : vector<1x1x128x128xf32> to vector<128x128xf32>
      %dot_general3A_432 = arith.constant dense<0.000000e+00> : vector<1536x128xf32>
      %dot_general3A_433 = tpu.matmul %dot_general3A_420, %get3A_431, %dot_general3A_432 {dimension_numbers = #tpu.dot_dimension_numbers<[1], [0], [0], [1], [0, 0, 1, 1], [], []>, transpose_lhs_hint = false} : vector<1536x128xf32>, vector<128x128xf32>, vector<1536x128xf32> -> vector<1536x128xf32>
      %get3A_434 = arith.constant 1 : index
      %get3A_435 = arith.constant 1 : index
      %get3A_436 = arith.constant 0 : index
      %get3A_437 = arith.constant 0 : index
      %get3A_438 = vector.load %arg12[%get3A_434, %get3A_435, %get3A_436, %get3A_437] : memref<2x2x128x128xf32, #tpu.memory_space<vmem>>, vector<1x1x128x128xf32>
      %get3A_439 = vector.shape_cast %get3A_438 : vector<1x1x128x128xf32> to vector<128x128xf32>
      %dot_general3A_440 = arith.constant dense<0.000000e+00> : vector<1536x128xf32>
      %dot_general3A_441 = tpu.matmul %dot_general3A_425, %get3A_439, %dot_general3A_440 {dimension_numbers = #tpu.dot_dimension_numbers<[1], [0], [0], [1], [0, 0, 1, 1], [], []>, transpose_lhs_hint = false} : vector<1536x128xf32>, vector<128x128xf32>, vector<1536x128xf32> -> vector<1536x128xf32>
      %add3A_442 = arith.addf %dot_general3A_433, %dot_general3A_441 : vector<1536x128xf32>
      %max3A_443 = arith.constant 0.000000e+00 : f32
      %max3A_444 = vector.broadcast %max3A_443 : f32 to vector<1536x128xf32>
      %max3A_445 = arith.maximumf %add3A_442, %max3A_444 : vector<1536x128xf32>
      %slice3A_446 = vector.extract_strided_slice %max3A_445 {offsets = [0, 0], sizes = [512, 128], strides = [1, 1]} : vector<1536x128xf32> to vector<512x128xf32>
      %slice3A_447 = vector.extract_strided_slice %max3A_445 {offsets = [512, 0], sizes = [512, 128], strides = [1, 1]} : vector<1536x128xf32> to vector<512x128xf32>
      %add3A_448 = arith.addf %slice3A_446, %slice3A_447 : vector<512x128xf32>
      %slice3A_449 = vector.extract_strided_slice %max3A_445 {offsets = [1024, 0], sizes = [512, 128], strides = [1, 1]} : vector<1536x128xf32> to vector<512x128xf32>
      %add3A_450 = arith.addf %add3A_448, %slice3A_449 : vector<512x128xf32>
      %get3A_451 = arith.constant 0 : index
      %get3A_452 = arith.constant 0 : index
      %get3A_453 = vector.load %arg8[%get3A_451, %get3A_452] : memref<512x1536xf32, #tpu.memory_space<vmem>>, vector<512x512xf32>
      %dot_general3A_454 = arith.constant dense<0.000000e+00> : vector<512x128xf32>
      %dot_general3A_455 = tpu.matmul %get3A_453, %select_n3A_383, %dot_general3A_454 {dimension_numbers = #tpu.dot_dimension_numbers<[1], [0], [0], [1], [0, 0, 1, 1], [], []>, transpose_lhs_hint = false} : vector<512x512xf32>, vector<512x128xf32>, vector<512x128xf32> -> vector<512x128xf32>
      %get3A_456 = arith.constant 0 : index
      %get3A_457 = arith.constant 512 : index
      %get3A_458 = vector.load %arg8[%get3A_456, %get3A_457] : memref<512x1536xf32, #tpu.memory_space<vmem>>, vector<512x1024xf32>
      %dot_general3A_459 = arith.constant dense<0.000000e+00> : vector<512x128xf32>
      %dot_general3A_460 = tpu.matmul %get3A_458, %add3A_340, %dot_general3A_459 {dimension_numbers = #tpu.dot_dimension_numbers<[1], [0], [0], [1], [0, 0, 1, 1], [], []>, transpose_lhs_hint = false} : vector<512x1024xf32>, vector<1024x128xf32>, vector<512x128xf32> -> vector<512x128xf32>
      %add3A_461 = arith.addf %dot_general3A_455, %dot_general3A_460 : vector<512x128xf32>
      %get3A_462 = arith.constant 0 : index
      %get3A_463 = arith.constant 0 : index
      %get3A_464 = vector.load %arg10[%get3A_462, %get3A_463] : memref<512x1xf32, #tpu.memory_space<vmem>>, vector<512x1xf32>
      %add3A_465 = vector.broadcast %get3A_464 : vector<512x1xf32> to vector<512x128xf32>
      %add3A_466 = arith.addf %add3A_461, %add3A_465 : vector<512x128xf32>
      %add3A_467 = arith.addf %add3A_450, %add3A_466 : vector<512x128xf32>
      %swap3A_468 = arith.index_cast %add3A_324 : i32 to index
      %swap3A_469 = arith.constant 0 : index
      %swap3A_470 = arith.constant 0 : index
      %swap3A_471 = vector.load %arg16[%swap3A_468, %swap3A_469, %swap3A_470] : memref<16x512x128xf32, #tpu.memory_space<vmem>>, vector<1x512x128xf32>
      %swap3A_472 = vector.shape_cast %swap3A_471 : vector<1x512x128xf32> to vector<512x128xf32>
      %swap3A_473 = vector.shape_cast %add3A_467 : vector<512x128xf32> to vector<1x512x128xf32>
      tpu.vector_store %arg16[%swap3A_468, %swap3A_469, %swap3A_470], %swap3A_473 {strides = array<i32>} : memref<16x512x128xf32, #tpu.memory_space<vmem>>, vector<1x512x128xf32>,
      %get3A_474 = arith.constant 0 : index
      %get3A_475 = arith.constant 0 : index
      %get3A_476 = memref.load %arg19[%get3A_474, %get3A_475] : memref<2x2xf32, #tpu.memory_space<smem>>
      %reduce_sum3A_477 = vector.shape_cast %add3A_467 : vector<512x128xf32> to vector<1x512x128xf32>
      %reduce_sum3A_478 = arith.constant dense<0.000000e+00> : vector<1xf32>
      %reduce_sum3A_479 = vector.multi_reduction <add>, %reduce_sum3A_477, %reduce_sum3A_478 [1, 2] : vector<1x512x128xf32> to vector<1xf32>
      %reduce_sum3A_480 = vector.shape_cast %reduce_sum3A_479 : vector<1xf32> to vector<1x1x1xf32>
      %reduce_sum3A_481 = vector.extract %reduce_sum3A_480[0, 0, 0] : f32 from vector<1x1x1xf32>
      %add3A_482 = arith.addf %get3A_476, %reduce_sum3A_481 : f32
      %swap3A_483 = arith.constant 0 : index
      %swap3A_484 = arith.constant 0 : index
      %swap3A_485 = memref.load %arg19[%swap3A_483, %swap3A_484] : memref<2x2xf32, #tpu.memory_space<smem>>
      memref.store %add3A_482, %arg19[%swap3A_483, %swap3A_484] : memref<2x2xf32, #tpu.memory_space<smem>>
      %get3A_486 = arith.constant 0 : index
      %get3A_487 = arith.constant 1 : index
      %get3A_488 = memref.load %arg19[%get3A_486, %get3A_487] : memref<2x2xf32, #tpu.memory_space<smem>>
      %mul3A_489 = arith.mulf %add3A_467, %add3A_467 : vector<512x128xf32>
      %reduce_sum3A_490 = vector.shape_cast %mul3A_489 : vector<512x128xf32> to vector<1x512x128xf32>
      %reduce_sum3A_491 = arith.constant dense<0.000000e+00> : vector<1xf32>
      %reduce_sum3A_492 = vector.multi_reduction <add>, %reduce_sum3A_490, %reduce_sum3A_491 [1, 2] : vector<1x512x128xf32> to vector<1xf32>
      %reduce_sum3A_493 = vector.shape_cast %reduce_sum3A_492 : vector<1xf32> to vector<1x1x1xf32>
      %reduce_sum3A_494 = vector.extract %reduce_sum3A_493[0, 0, 0] : f32 from vector<1x1x1xf32>
      %add3A_495 = arith.addf %get3A_488, %reduce_sum3A_494 : f32
      %swap3A_496 = arith.constant 0 : index
      %swap3A_497 = arith.constant 1 : index
      %swap3A_498 = memref.load %arg19[%swap3A_496, %swap3A_497] : memref<2x2xf32, #tpu.memory_space<smem>>
      memref.store %add3A_495, %arg19[%swap3A_496, %swap3A_497] : memref<2x2xf32, #tpu.memory_space<smem>>
      %eq3A_499 = arith.constant 0 : i32
      %eq3A_500 = arith.cmpi eq, %arg0, %eq3A_499 : i32
      %get3A_501 = arith.index_cast %add3A_324 : i32 to index
      %get3A_502 = arith.constant 0 : index
      %get3A_503 = arith.constant 0 : index
      %get3A_504 = vector.load %arg17[%get3A_501, %get3A_502, %get3A_503] : memref<16x512x128xf32, #tpu.memory_space<vmem>>, vector<1x512x128xf32>
      %get3A_505 = vector.shape_cast %get3A_504 : vector<1x512x128xf32> to vector<512x128xf32>
      %get3A_506 = arith.constant 1 : index
      %get3A_507 = arith.constant 0 : index
      %get3A_508 = memref.load %arg18[%get3A_506, %get3A_507] : memref<2x2xf32, #tpu.memory_space<smem>>
      %sub3A_509 = vector.broadcast %get3A_508 : f32 to vector<512x128xf32>
      %sub3A_510 = arith.subf %get3A_505, %sub3A_509 : vector<512x128xf32>
      %get3A_511 = arith.constant 1 : index
      %get3A_512 = arith.constant 1 : index
      %get3A_513 = memref.load %arg18[%get3A_511, %get3A_512] : memref<2x2xf32, #tpu.memory_space<smem>>
      %mul3A_514 = vector.broadcast %get3A_513 : f32 to vector<512x128xf32>
      %mul3A_515 = arith.mulf %sub3A_510, %mul3A_514 : vector<512x128xf32>
      %select_n3A_516 = arith.select %eq3A_500, %add3A_355, %mul3A_515 : vector<512x128xf32>
      %get3A_517 = arith.constant 0 : index
      %get3A_518 = arith.constant 0 : index
      %get3A_519 = vector.load %arg6[%get3A_517, %get3A_518] : memref<1536x1536xf32, #tpu.memory_space<vmem>>, vector<1536x512xf32>
      %dot_general3A_520 = arith.constant dense<0.000000e+00> : vector<1536x128xf32>
      %dot_general3A_521 = tpu.matmul %get3A_519, %select_n3A_516, %dot_general3A_520 {dimension_numbers = #tpu.dot_dimension_numbers<[1], [0], [0], [1], [0, 0, 1, 1], [], []>, transpose_lhs_hint = false} : vector<1536x512xf32>, vector<512x128xf32>, vector<1536x128xf32> -> vector<1536x128xf32>
      %add3A_522 = arith.addf %dot_general3A_521, %dot_general3A_360 : vector<1536x128xf32>
      %get3A_523 = arith.constant 0 : index
      %get3A_524 = arith.constant 0 : index
      %get3A_525 = vector.load %arg7[%get3A_523, %get3A_524] : memref<1536x1536xf32, #tpu.memory_space<vmem>>, vector<1536x512xf32>
      %dot_general3A_526 = arith.constant dense<0.000000e+00> : vector<1536x128xf32>
      %dot_general3A_527 = tpu.matmul %get3A_525, %select_n3A_516, %dot_general3A_526 {dimension_numbers = #tpu.dot_dimension_numbers<[1], [0], [0], [1], [0, 0, 1, 1], [], []>, transpose_lhs_hint = false} : vector<1536x512xf32>, vector<512x128xf32>, vector<1536x128xf32> -> vector<1536x128xf32>
      %add3A_528 = arith.addf %dot_general3A_527, %dot_general3A_365 : vector<1536x128xf32>
      %get3A_529 = arith.constant 0 : index
      %get3A_530 = arith.constant 0 : index
      %get3A_531 = arith.constant 0 : index
      %get3A_532 = arith.constant 0 : index
      %get3A_533 = vector.load %arg13[%get3A_529, %get3A_530, %get3A_531, %get3A_532] : memref<2x2x128x128xf32, #tpu.memory_space<vmem>>, vector<1x1x128x128xf32>
      %get3A_534 = vector.shape_cast %get3A_533 : vector<1x1x128x128xf32> to vector<128x128xf32>
      %dot_general3A_535 = arith.constant dense<0.000000e+00> : vector<1536x128xf32>
      %dot_general3A_536 = tpu.matmul %add3A_522, %get3A_534, %dot_general3A_535 {dimension_numbers = #tpu.dot_dimension_numbers<[1], [0], [0], [1], [0, 0, 1, 1], [], []>, transpose_lhs_hint = false} : vector<1536x128xf32>, vector<128x128xf32>, vector<1536x128xf32> -> vector<1536x128xf32>
      %get3A_537 = arith.constant 0 : index
      %get3A_538 = arith.constant 1 : index
      %get3A_539 = arith.constant 0 : index
      %get3A_540 = arith.constant 0 : index
      %get3A_541 = vector.load %arg13[%get3A_537, %get3A_538, %get3A_539, %get3A_540] : memref<2x2x128x128xf32, #tpu.memory_space<vmem>>, vector<1x1x128x128xf32>
      %get3A_542 = vector.shape_cast %get3A_541 : vector<1x1x128x128xf32> to vector<128x128xf32>
      %dot_general3A_543 = arith.constant dense<0.000000e+00> : vector<1536x128xf32>
      %dot_general3A_544 = tpu.matmul %add3A_528, %get3A_542, %dot_general3A_543 {dimension_numbers = #tpu.dot_dimension_numbers<[1], [0], [0], [1], [0, 0, 1, 1], [], []>, transpose_lhs_hint = false} : vector<1536x128xf32>, vector<128x128xf32>, vector<1536x128xf32> -> vector<1536x128xf32>
      %add3A_545 = arith.addf %dot_general3A_536, %dot_general3A_544 : vector<1536x128xf32>
      %max3A_546 = arith.constant 0.000000e+00 : f32
      %max3A_547 = vector.broadcast %max3A_546 : f32 to vector<1536x128xf32>
      %max3A_548 = arith.maximumf %add3A_545, %max3A_547 : vector<1536x128xf32>
      %get3A_549 = arith.constant 0 : index
      %get3A_550 = arith.constant 0 : index
      %get3A_551 = vector.load %arg6[%get3A_549, %get3A_550] : memref<1536x1536xf32, #tpu.memory_space<vmem>>, vector<1536x1536xf32>
      %dot_general3A_552 = arith.constant dense<0.000000e+00> : vector<1536x128xf32>
      %dot_general3A_553 = tpu.matmul %get3A_551, %max3A_548, %dot_general3A_552 {dimension_numbers = #tpu.dot_dimension_numbers<[1], [0], [0], [1], [0, 0, 1, 1], [], []>, transpose_lhs_hint = false} : vector<1536x1536xf32>, vector<1536x128xf32>, vector<1536x128xf32> -> vector<1536x128xf32>
      %get3A_554 = arith.constant 0 : index
      %get3A_555 = arith.constant 0 : index
      %get3A_556 = vector.load %arg7[%get3A_554, %get3A_555] : memref<1536x1536xf32, #tpu.memory_space<vmem>>, vector<1536x1536xf32>
      %dot_general3A_557 = arith.constant dense<0.000000e+00> : vector<1536x128xf32>
      %dot_general3A_558 = tpu.matmul %get3A_556, %max3A_548, %dot_general3A_557 {dimension_numbers = #tpu.dot_dimension_numbers<[1], [0], [0], [1], [0, 0, 1, 1], [], []>, transpose_lhs_hint = false} : vector<1536x1536xf32>, vector<1536x128xf32>, vector<1536x128xf32> -> vector<1536x128xf32>
      %get3A_559 = arith.constant 1 : index
      %get3A_560 = arith.constant 0 : index
      %get3A_561 = arith.constant 0 : index
      %get3A_562 = arith.constant 0 : index
      %get3A_563 = vector.load %arg13[%get3A_559, %get3A_560, %get3A_561, %get3A_562] : memref<2x2x128x128xf32, #tpu.memory_space<vmem>>, vector<1x1x128x128xf32>
      %get3A_564 = vector.shape_cast %get3A_563 : vector<1x1x128x128xf32> to vector<128x128xf32>
      %dot_general3A_565 = arith.constant dense<0.000000e+00> : vector<1536x128xf32>
      %dot_general3A_566 = tpu.matmul %dot_general3A_553, %get3A_564, %dot_general3A_565 {dimension_numbers = #tpu.dot_dimension_numbers<[1], [0], [0], [1], [0, 0, 1, 1], [], []>, transpose_lhs_hint = false} : vector<1536x128xf32>, vector<128x128xf32>, vector<1536x128xf32> -> vector<1536x128xf32>
      %get3A_567 = arith.constant 1 : index
      %get3A_568 = arith.constant 1 : index
      %get3A_569 = arith.constant 0 : index
      %get3A_570 = arith.constant 0 : index
      %get3A_571 = vector.load %arg13[%get3A_567, %get3A_568, %get3A_569, %get3A_570] : memref<2x2x128x128xf32, #tpu.memory_space<vmem>>, vector<1x1x128x128xf32>
      %get3A_572 = vector.shape_cast %get3A_571 : vector<1x1x128x128xf32> to vector<128x128xf32>
      %dot_general3A_573 = arith.constant dense<0.000000e+00> : vector<1536x128xf32>
      %dot_general3A_574 = tpu.matmul %dot_general3A_558, %get3A_572, %dot_general3A_573 {dimension_numbers = #tpu.dot_dimension_numbers<[1], [0], [0], [1], [0, 0, 1, 1], [], []>, transpose_lhs_hint = false} : vector<1536x128xf32>, vector<128x128xf32>, vector<1536x128xf32> -> vector<1536x128xf32>
      %add3A_575 = arith.addf %dot_general3A_566, %dot_general3A_574 : vector<1536x128xf32>
      %max3A_576 = arith.constant 0.000000e+00 : f32
      %max3A_577 = vector.broadcast %max3A_576 : f32 to vector<1536x128xf32>
      %max3A_578 = arith.maximumf %add3A_575, %max3A_577 : vector<1536x128xf32>
      %slice3A_579 = vector.extract_strided_slice %max3A_578 {offsets = [0, 0], sizes = [512, 128], strides = [1, 1]} : vector<1536x128xf32> to vector<512x128xf32>
      %slice3A_580 = vector.extract_strided_slice %max3A_578 {offsets = [512, 0], sizes = [512, 128], strides = [1, 1]} : vector<1536x128xf32> to vector<512x128xf32>
      %add3A_581 = arith.addf %slice3A_579, %slice3A_580 : vector<512x128xf32>
      %slice3A_582 = vector.extract_strided_slice %max3A_578 {offsets = [1024, 0], sizes = [512, 128], strides = [1, 1]} : vector<1536x128xf32> to vector<512x128xf32>
      %add3A_583 = arith.addf %add3A_581, %slice3A_582 : vector<512x128xf32>
      %get3A_584 = arith.constant 0 : index
      %get3A_585 = arith.constant 0 : index
      %get3A_586 = vector.load %arg9[%get3A_584, %get3A_585] : memref<512x1536xf32, #tpu.memory_space<vmem>>, vector<512x512xf32>
      %dot_general3A_587 = arith.constant dense<0.000000e+00> : vector<512x128xf32>
      %dot_general3A_588 = tpu.matmul %get3A_586, %select_n3A_516, %dot_general3A_587 {dimension_numbers = #tpu.dot_dimension_numbers<[1], [0], [0], [1], [0, 0, 1, 1], [], []>, transpose_lhs_hint = false} : vector<512x512xf32>, vector<512x128xf32>, vector<512x128xf32> -> vector<512x128xf32>
      %get3A_589 = arith.constant 0 : index
      %get3A_590 = arith.constant 512 : index
      %get3A_591 = vector.load %arg9[%get3A_589, %get3A_590] : memref<512x1536xf32, #tpu.memory_space<vmem>>, vector<512x1024xf32>
      %dot_general3A_592 = arith.constant dense<0.000000e+00> : vector<512x128xf32>
      %dot_general3A_593 = tpu.matmul %get3A_591, %add3A_340, %dot_general3A_592 {dimension_numbers = #tpu.dot_dimension_numbers<[1], [0], [0], [1], [0, 0, 1, 1], [], []>, transpose_lhs_hint = false} : vector<512x1024xf32>, vector<1024x128xf32>, vector<512x128xf32> -> vector<512x128xf32>
      %add3A_594 = arith.addf %dot_general3A_588, %dot_general3A_593 : vector<512x128xf32>
      %get3A_595 = arith.constant 0 : index
      %get3A_596 = arith.constant 0 : index
      %get3A_597 = vector.load %arg11[%get3A_595, %get3A_596] : memref<512x1xf32, #tpu.memory_space<vmem>>, vector<512x1xf32>
      %add3A_598 = vector.broadcast %get3A_597 : vector<512x1xf32> to vector<512x128xf32>
      %add3A_599 = arith.addf %add3A_594, %add3A_598 : vector<512x128xf32>
      %add3A_600 = arith.addf %add3A_583, %add3A_599 : vector<512x128xf32>
      %swap3A_601 = arith.index_cast %add3A_324 : i32 to index
      %swap3A_602 = arith.constant 0 : index
      %swap3A_603 = arith.constant 0 : index
      %swap3A_604 = vector.load %arg17[%swap3A_601, %swap3A_602, %swap3A_603] : memref<16x512x128xf32, #tpu.memory_space<vmem>>, vector<1x512x128xf32>
      %swap3A_605 = vector.shape_cast %swap3A_604 : vector<1x512x128xf32> to vector<512x128xf32>
      %swap3A_606 = vector.shape_cast %add3A_600 : vector<512x128xf32> to vector<1x512x128xf32>
      tpu.vector_store %arg17[%swap3A_601, %swap3A_602, %swap3A_603], %swap3A_606 {strides = array<i32>} : memref<16x512x128xf32, #tpu.memory_space<vmem>>, vector<1x512x128xf32>,
      %get3A_607 = arith.constant 1 : index
      %get3A_608 = arith.constant 0 : index
      %get3A_609 = memref.load %arg19[%get3A_607, %get3A_608] : memref<2x2xf32, #tpu.memory_space<smem>>
      %reduce_sum3A_610 = vector.shape_cast %add3A_600 : vector<512x128xf32> to vector<1x512x128xf32>
      %reduce_sum3A_611 = arith.constant dense<0.000000e+00> : vector<1xf32>
      %reduce_sum3A_612 = vector.multi_reduction <add>, %reduce_sum3A_610, %reduce_sum3A_611 [1, 2] : vector<1x512x128xf32> to vector<1xf32>
      %reduce_sum3A_613 = vector.shape_cast %reduce_sum3A_612 : vector<1xf32> to vector<1x1x1xf32>
      %reduce_sum3A_614 = vector.extract %reduce_sum3A_613[0, 0, 0] : f32 from vector<1x1x1xf32>
      %add3A_615 = arith.addf %get3A_609, %reduce_sum3A_614 : f32
      %swap3A_616 = arith.constant 1 : index
      %swap3A_617 = arith.constant 0 : index
      %swap3A_618 = memref.load %arg19[%swap3A_616, %swap3A_617] : memref<2x2xf32, #tpu.memory_space<smem>>
      memref.store %add3A_615, %arg19[%swap3A_616, %swap3A_617] : memref<2x2xf32, #tpu.memory_space<smem>>
      %get3A_619 = arith.constant 1 : index
      %get3A_620 = arith.constant 1 : index
      %get3A_621 = memref.load %arg19[%get3A_619, %get3A_620] : memref<2x2xf32, #tpu.memory_space<smem>>
      %mul3A_622 = arith.mulf %add3A_600, %add3A_600 : vector<512x128xf32>
      %reduce_sum3A_623 = vector.shape_cast %mul3A_622 : vector<512x128xf32> to vector<1x512x128xf32>
      %reduce_sum3A_624 = arith.constant dense<0.000000e+00> : vector<1xf32>
      %reduce_sum3A_625 = vector.multi_reduction <add>, %reduce_sum3A_623, %reduce_sum3A_624 [1, 2] : vector<1x512x128xf32> to vector<1xf32>
      %reduce_sum3A_626 = vector.shape_cast %reduce_sum3A_625 : vector<1xf32> to vector<1x1x1xf32>
      %reduce_sum3A_627 = vector.extract %reduce_sum3A_626[0, 0, 0] : f32 from vector<1x1x1xf32>
      %add3A_628 = arith.addf %get3A_621, %reduce_sum3A_627 : f32
      %swap3A_629 = arith.constant 1 : index
      %swap3A_630 = arith.constant 1 : index
      %swap3A_631 = memref.load %arg19[%swap3A_629, %swap3A_630] : memref<2x2xf32, #tpu.memory_space<smem>>
      memref.store %add3A_628, %arg19[%swap3A_629, %swap3A_630] : memref<2x2xf32, #tpu.memory_space<smem>>
    } else {
    }
    %eq3A_15 = arith.constant 6 : i32
    %eq3A_16 = arith.cmpi eq, %arg0, %eq3A_15 : i32
    %convert_element_type3A_17 = arith.extui %eq3A_16 : i1 to i32
    %cond3A_18 = arith.constant 0 : i32
    %cond3A_19 = arith.cmpi ne, %convert_element_type3A_17, %cond3A_18 : i32
    scf.if %cond3A_19 {
      %mul3A = arith.constant 2 : i32
      %mul3A_20 = arith.muli %arg1, %mul3A : i32
      %add3A = arith.constant 0 : i32
      %add3A_21 = arith.addi %mul3A_20, %add3A : i32
      %get3A = arith.index_cast %add3A_21 : i32 to index
      %get3A_22 = arith.constant 0 : index
      %get3A_23 = arith.constant 0 : index
      %get3A_24 = vector.load %arg16[%get3A, %get3A_22, %get3A_23] : memref<16x512x128xf32, #tpu.memory_space<vmem>>, vector<1x512x128xf32>
      %get3A_25 = vector.shape_cast %get3A_24 : vector<1x512x128xf32> to vector<512x128xf32>
      %get3A_26 = arith.constant 0 : index
      %get3A_27 = arith.constant 0 : index
      %get3A_28 = memref.load %arg18[%get3A_26, %get3A_27] : memref<2x2xf32, #tpu.memory_space<smem>>
      %sub3A = vector.broadcast %get3A_28 : f32 to vector<512x128xf32>
      %sub3A_29 = arith.subf %get3A_25, %sub3A : vector<512x128xf32>
      %get3A_30 = arith.constant 0 : index
      %get3A_31 = arith.constant 1 : index
      %get3A_32 = memref.load %arg18[%get3A_30, %get3A_31] : memref<2x2xf32, #tpu.memory_space<smem>>
      %mul3A_33 = vector.broadcast %get3A_32 : f32 to vector<512x128xf32>
      %mul3A_34 = arith.mulf %sub3A_29, %mul3A_33 : vector<512x128xf32>
      %swap3A = arith.constant 0 : index
      %swap3A_35 = arith.constant 0 : index
      %swap3A_36 = arith.constant 0 : index
      %swap3A_37 = vector.load %arg14[%swap3A, %swap3A_35, %swap3A_36] : memref<2x512x128xf32, #tpu.memory_space<vmem>>, vector<1x512x128xf32>
      %swap3A_38 = vector.shape_cast %swap3A_37 : vector<1x512x128xf32> to vector<512x128xf32>
      %swap3A_39 = vector.shape_cast %mul3A_34 : vector<512x128xf32> to vector<1x512x128xf32>
      tpu.vector_store %arg14[%swap3A, %swap3A_35, %swap3A_36], %swap3A_39 {strides = array<i32>} : memref<2x512x128xf32, #tpu.memory_space<vmem>>, vector<1x512x128xf32>,
      %get3A_40 = arith.index_cast %add3A_21 : i32 to index
      %get3A_41 = arith.constant 0 : index
      %get3A_42 = arith.constant 0 : index
      %get3A_43 = vector.load %arg17[%get3A_40, %get3A_41, %get3A_42] : memref<16x512x128xf32, #tpu.memory_space<vmem>>, vector<1x512x128xf32>
      %get3A_44 = vector.shape_cast %get3A_43 : vector<1x512x128xf32> to vector<512x128xf32>
      %get3A_45 = arith.constant 1 : index
      %get3A_46 = arith.constant 0 : index
      %get3A_47 = memref.load %arg18[%get3A_45, %get3A_46] : memref<2x2xf32, #tpu.memory_space<smem>>
      %sub3A_48 = vector.broadcast %get3A_47 : f32 to vector<512x128xf32>
      %sub3A_49 = arith.subf %get3A_44, %sub3A_48 : vector<512x128xf32>
      %get3A_50 = arith.constant 1 : index
      %get3A_51 = arith.constant 1 : index
      %get3A_52 = memref.load %arg18[%get3A_50, %get3A_51] : memref<2x2xf32, #tpu.memory_space<smem>>
      %mul3A_53 = vector.broadcast %get3A_52 : f32 to vector<512x128xf32>
      %mul3A_54 = arith.mulf %sub3A_49, %mul3A_53 : vector<512x128xf32>
      %swap3A_55 = arith.constant 0 : index
      %swap3A_56 = arith.constant 0 : index
      %swap3A_57 = arith.constant 0 : index
      %swap3A_58 = vector.load %arg15[%swap3A_55, %swap3A_56, %swap3A_57] : memref<2x512x128xf32, #tpu.memory_space<vmem>>, vector<1x512x128xf32>
      %swap3A_59 = vector.shape_cast %swap3A_58 : vector<1x512x128xf32> to vector<512x128xf32>
      %swap3A_60 = vector.shape_cast %mul3A_54 : vector<512x128xf32> to vector<1x512x128xf32>
      tpu.vector_store %arg15[%swap3A_55, %swap3A_56, %swap3A_57], %swap3A_60 {strides = array<i32>} : memref<2x512x128xf32, #tpu.memory_space<vmem>>, vector<1x512x128xf32>,
      %mul3A_61 = arith.constant 2 : i32
      %mul3A_62 = arith.muli %arg1, %mul3A_61 : i32
      %add3A_63 = arith.constant 1 : i32
      %add3A_64 = arith.addi %mul3A_62, %add3A_63 : i32
      %get3A_65 = arith.index_cast %add3A_64 : i32 to index
      %get3A_66 = arith.constant 0 : index
      %get3A_67 = arith.constant 0 : index
      %get3A_68 = vector.load %arg16[%get3A_65, %get3A_66, %get3A_67] : memref<16x512x128xf32, #tpu.memory_space<vmem>>, vector<1x512x128xf32>
      %get3A_69 = vector.shape_cast %get3A_68 : vector<1x512x128xf32> to vector<512x128xf32>
      %get3A_70 = arith.constant 0 : index
      %get3A_71 = arith.constant 0 : index
      %get3A_72 = memref.load %arg18[%get3A_70, %get3A_71] : memref<2x2xf32, #tpu.memory_space<smem>>
      %sub3A_73 = vector.broadcast %get3A_72 : f32 to vector<512x128xf32>
      %sub3A_74 = arith.subf %get3A_69, %sub3A_73 : vector<512x128xf32>
      %get3A_75 = arith.constant 0 : index
      %get3A_76 = arith.constant 1 : index
      %get3A_77 = memref.load %arg18[%get3A_75, %get3A_76] : memref<2x2xf32, #tpu.memory_space<smem>>
      %mul3A_78 = vector.broadcast %get3A_77 : f32 to vector<512x128xf32>
      %mul3A_79 = arith.mulf %sub3A_74, %mul3A_78 : vector<512x128xf32>
      %swap3A_80 = arith.constant 1 : index
      %swap3A_81 = arith.constant 0 : index
      %swap3A_82 = arith.constant 0 : index
      %swap3A_83 = vector.load %arg14[%swap3A_80, %swap3A_81, %swap3A_82] : memref<2x512x128xf32, #tpu.memory_space<vmem>>, vector<1x512x128xf32>
      %swap3A_84 = vector.shape_cast %swap3A_83 : vector<1x512x128xf32> to vector<512x128xf32>
      %swap3A_85 = vector.shape_cast %mul3A_79 : vector<512x128xf32> to vector<1x512x128xf32>
      tpu.vector_store %arg14[%swap3A_80, %swap3A_81, %swap3A_82], %swap3A_85 {strides = array<i32>} : memref<2x512x128xf32, #tpu.memory_space<vmem>>, vector<1x512x128xf32>,
      %get3A_86 = arith.index_cast %add3A_64 : i32 to index
      %get3A_87 = arith.constant 0 : index
      %get3A_88 = arith.constant 0 : index
      %get3A_89 = vector.load %arg17[%get3A_86, %get3A_87, %get3A_88] : memref<16x512x128xf32, #tpu.memory_space<vmem>>, vector<1x512x128xf32>
      %get3A_90 = vector.shape_cast %get3A_89 : vector<1x512x128xf32> to vector<512x128xf32>
      %get3A_91 = arith.constant 1 : index
      %get3A_92 = arith.constant 0 : index
      %get3A_93 = memref.load %arg18[%get3A_91, %get3A_92] : memref<2x2xf32, #tpu.memory_space<smem>>
      %sub3A_94 = vector.broadcast %get3A_93 : f32 to vector<512x128xf32>
      %sub3A_95 = arith.subf %get3A_90, %sub3A_94 : vector<512x128xf32>
      %get3A_96 = arith.constant 1 : index
      %get3A_97 = arith.constant 1 : index
      %get3A_98 = memref.load %arg18[%get3A_96, %get3A_97] : memref<2x2xf32, #tpu.memory_space<smem>>
      %mul3A_99 = vector.broadcast %get3A_98 : f32 to vector<512x128xf32>
      %mul3A_100 = arith.mulf %sub3A_95, %mul3A_99 : vector<512x128xf32>
      %swap3A_101 = arith.constant 1 : index
      %swap3A_102 = arith.constant 0 : index
      %swap3A_103 = arith.constant 0 : index
      %swap3A_104 = vector.load %arg15[%swap3A_101, %swap3A_102, %swap3A_103] : memref<2x512x128xf32, #tpu.memory_space<vmem>>, vector<1x512x128xf32>
      %swap3A_105 = vector.shape_cast %swap3A_104 : vector<1x512x128xf32> to vector<512x128xf32>
      %swap3A_106 = vector.shape_cast %mul3A_100 : vector<512x128xf32> to vector<1x512x128xf32>
      tpu.vector_store %arg15[%swap3A_101, %swap3A_102, %swap3A_103], %swap3A_106 {strides = array<i32>} : memref<2x512x128xf32, #tpu.memory_space<vmem>>, vector<1x512x128xf32>,
    } else {
    }
    return
  }
  func.func @transform_0(%arg0: i32, %arg1: i32) -> (i32, i32, i32) {
    %c0_i32 = arith.constant 0 : i32
    %c0_i32_0 = arith.constant 0 : i32
    %c0_i32_1 = arith.constant 0 : i32
    return %arg1, %c0_i32, %c0_i32_0 : i32, i32, i32
  }
  func.func @transform_1(%arg0: i32, %arg1: i32) -> (i32, i32, i32, i32) {
    %min3A = arith.constant 5 : i32
    %min3A_0 = arith.minsi %arg0, %min3A : i32
    %c0_i32 = arith.constant 0 : i32
    %c0_i32_1 = arith.constant 0 : i32
    %c0_i32_2 = arith.constant 0 : i32
    return %arg1, %min3A_0, %c0_i32, %c0_i32_1 : i32, i32, i32, i32
  }
  func.func @transform_2(%arg0: i32, %arg1: i32) -> (i32, i32) {
    %c0_i32 = arith.constant 0 : i32
    %c0_i32_0 = arith.constant 0 : i32
    %c0_i32_1 = arith.constant 0 : i32
    return %c0_i32, %c0_i32_0 : i32, i32
  }
  func.func @transform_3(%arg0: i32, %arg1: i32) -> (i32, i32) {
    %c0_i32 = arith.constant 0 : i32
    %c0_i32_0 = arith.constant 0 : i32
    %c0_i32_1 = arith.constant 0 : i32
    return %c0_i32, %c0_i32_0 : i32, i32
  }
  func.func @transform_4(%arg0: i32, %arg1: i32) -> (i32, i32) {
    %c0_i32 = arith.constant 0 : i32
    %c0_i32_0 = arith.constant 0 : i32
    %c0_i32_1 = arith.constant 0 : i32
    return %c0_i32, %c0_i32_0 : i32, i32
  }
  func.func @transform_5(%arg0: i32, %arg1: i32) -> (i32, i32) {
    %c0_i32 = arith.constant 0 : i32
    %c0_i32_0 = arith.constant 0 : i32
    %c0_i32_1 = arith.constant 0 : i32
    return %c0_i32, %c0_i32_0 : i32, i32
  }
  func.func @transform_6(%arg0: i32, %arg1: i32) -> (i32, i32) {
    %c0_i32 = arith.constant 0 : i32
    %c0_i32_0 = arith.constant 0 : i32
    %c0_i32_1 = arith.constant 0 : i32
    return %c0_i32, %c0_i32_0 : i32, i32
  }
  func.func @transform_7(%arg0: i32, %arg1: i32) -> (i32, i32) {
    %c0_i32 = arith.constant 0 : i32
    %c0_i32_0 = arith.constant 0 : i32
    %c0_i32_1 = arith.constant 0 : i32
    return %c0_i32, %c0_i32_0 : i32, i32
  }
  func.func @transform_8(%arg0: i32, %arg1: i32) -> (i32, i32) {
    %c0_i32 = arith.constant 0 : i32
    %c0_i32_0 = arith.constant 0 : i32
    %c0_i32_1 = arith.constant 0 : i32
    return %c0_i32, %c0_i32_0 : i32, i32
  }
  func.func @transform_9(%arg0: i32, %arg1: i32) -> (i32, i32) {
    %c0_i32 = arith.constant 0 : i32
    %c0_i32_0 = arith.constant 0 : i32
    %c0_i32_1 = arith.constant 0 : i32
    return %c0_i32, %c0_i32_0 : i32, i32
  }
  func.func @transform_10(%arg0: i32, %arg1: i32) -> (i32, i32, i32, i32) {
    %c0_i32 = arith.constant 0 : i32
    %c0_i32_0 = arith.constant 0 : i32
    %c0_i32_1 = arith.constant 0 : i32
    %c0_i32_2 = arith.constant 0 : i32
    %c0_i32_3 = arith.constant 0 : i32
    return %c0_i32, %c0_i32_0, %c0_i32_1, %c0_i32_2 : i32, i32, i32, i32
  }
  func.func @transform_11(%arg0: i32, %arg1: i32) -> (i32, i32, i32, i32) {
    %c0_i32 = arith.constant 0 : i32
    %c0_i32_0 = arith.constant 0 : i32
    %c0_i32_1 = arith.constant 0 : i32
    %c0_i32_2 = arith.constant 0 : i32
    %c0_i32_3 = arith.constant 0 : i32
    return %c0_i32, %c0_i32_0, %c0_i32_1, %c0_i32_2 : i32, i32, i32, i32
  }
  func.func @transform_12(%arg0: i32, %arg1: i32) -> (i32, i32, i32) {
    %eq3A = arith.constant 6 : i32
    %eq3A_0 = arith.cmpi eq, %arg0, %eq3A : i32
    %jit3A = arith.constant 8 : i32
    %select_n3A = arith.select %eq3A_0, %arg1, %jit3A : i32
    %c0_i32 = arith.constant 0 : i32
    %c0_i32_1 = arith.constant 0 : i32
    %c0_i32_2 = arith.constant 0 : i32
    return %select_n3A, %c0_i32, %c0_i32_1 : i32, i32, i32
  }
  func.func @transform_13(%arg0: i32, %arg1: i32) -> (i32, i32, i32) {
    %eq3A = arith.constant 6 : i32
    %eq3A_0 = arith.cmpi eq, %arg0, %eq3A : i32
    %jit3A = arith.constant 8 : i32
    %select_n3A = arith.select %eq3A_0, %arg1, %jit3A : i32
    %c0_i32 = arith.constant 0 : i32
    %c0_i32_1 = arith.constant 0 : i32
    %c0_i32_2 = arith.constant 0 : i32
    return %select_n3A, %c0_i32, %c0_i32_1 : i32, i32, i32
  }
}

</mosaic_0001>

<sc_bundles>
// kernel: kernel.4.cloned.1.call-start
scs
__scs_entry_jumppad:
0x0: {  	(pc) =	sbr.rel $0x88, $3  }
0x1: {  	(tag) =	ssettag $0x0;
	lr =	simm.s32 $0x1  }
0x2: {  	[smem:$0x3F92] =	sst lr;
	_ =	strace $0xD0000000  }
0x3: {  	_ = 	snop  }
0x4: {  	_ = 	snop  }
0x5: {  	_ = 	snop  }
0x6: {  	_ = 	snop  }
0x7: {  	_ = 	snop  }
__scs_overlays_trampoline_lowered:
0x8: {  	[smem:$0x3FA1] =	sst s0  }
0x9: {  	[smem:$0x3FA2] =	sst s1  }
0xa: {  	[smem:$0x3FA3] =	sst s2  }
0xb: {  	[smem:$0x3FA4] =	sst s3  }
0xc: {  	[smem:$0x3FA5] =	sst s4  }
0xd: {  	[smem:$0x3FA6] =	sst s5  }
0xe: {  	[smem:$0x3FA7] =	sst s6  }
0xf: {  	[smem:$0x3FA8] =	sst s7  }
0x10: {  	[smem:$0x3FA9] =	sst s8  }
0x11: {  	[smem:$0x3FAA] =	sst s9;
	s0 =	simm.s32 @!p0 $0x0  }
0x12: {  	s1 =	sld [smem:$0x3F90];
	s0 =	simm.s32 @p0 $0x1  }
0x13: {  	[smem:$0x3FAB] =	sst s0;
	s0 =	simm.s32 @!p1 $0x0  }
0x14: {  	s2 =	sld [smem:$0x3F8F];
	s0 =	simm.s32 @p1 $0x1  }
0x15: {  	[smem:$0x3FAC] =	sst s0;
	s0 =	simm.s32 @!p2 $0x0  }
0x16: {  	s3 =	sld [smem:$0x3FDB];
	s0 =	simm.s32 @p2 $0x1  }
0x17: {  	s4 =	simm.s32 $0x1BF5;
	[smem:$0x3FAE] =	sst s0  }
0x18: {  	s0 =	sld [smem:$0x3F91];
	_ =	swait.ge [sflag:s4], $0x0  }
0x19: {  	s7 =	sld [smem:$0x3F92]  }
0x1a: {  	s8 =	sadd.s32 $0xFFFFE003, lr  }
0x1b: {  	s9 =	sadd.s32 $0xFFFFFEF7, lr;
	s5 =	simm.s32 $0xFFFFFFFF;
	p2 =	slt.u32 s8, $0xFFFFF086  }
0x1c: {  	p1 =	slt.u32 s9, $0xF7A;
	s5 =	simm.s32 @!p2 $0x0  }
0x1d: {  	s5 =	simm.s32 @p1 $0x1;
	p0 =	seq.s32 s7, s2  }
0x1e: {  	s7 =	smul.u32 @!p0 $0xF7A, s2;
	p2 =	seq.s32 @!p0 s5, $0x0  }
0x1f: {  	s9 =	smul.u32 $0xF7A, s1;
	s8 =	simm.s32 @!p0 $0x1BF5;
	p2 =	por !p2, p0  }
0x20: {  	[sflag:s8] =	ssyncset.s32 @!p0 $0xFFFFF086;
	s6 =	sadd.s32 @!p0 s3, s7;
	s7 =	simm.s32 @!p0 $0x108  }
0x21: {  	s3 =	sadd.s32 s3, s9;
	s6 =	sadd.s32 @!p0 $0x88, s6;
	s7 =	simm.s32 @p2 $0x1082  }
0x22: {  	[simem:s7], [sflag:s8] =	dma.local @!p0 [hbm:s6], $0xF7A  }
0x23: {  	s9 =	sor.u32 $0xD0000000, s2;
	s6 =	simm.s32 $0x108;
	_ =	swait.ge @!p0 [sflag:s8], $0x0  }
0x24: {  	s3 =	sadd.s32 $0x88, s3;
	s6 =	simm.s32 @!p1 $0x1082;
	[sflag:s4] =	ssyncset.s32 $0xFFFFF086  }
0x25: {  	[simem:s6], [sflag:s4] =	dma.local [hbm:s3], $0xF7A  }
0x26: {  	[smem:$0x3F92] =	sst s1;
	(tag) =	ssettag s2;
	_ =	strace s9  }
0x27: {  	s1 =	sld [smem:$0x3FA2]  }
0x28: {  	s2 =	sld [smem:$0x3FA3]  }
0x29: {  	s4 =	sld [smem:$0x3FA5]  }
0x2a: {  	p0 =	seq.s32 s5, $0x0;
	s5 =	sld [smem:$0x3FA6]  }
0x2b: {  	s6 =	sld [smem:$0x3FA7]  }
0x2c: {  	s7 =	sld [smem:$0x3FA8]  }
0x2d: {  	s3 =	simm.s32 $0x108;
	s8 =	sld [smem:$0x3FA9]  }
0x2e: {  	s3 =	simm.s32 @!p0 $0x1082;
	s9 =	sld [smem:$0x3FAA]  }
0x2f: {  	lr =	sadd.s32 s0, s3;
	s0 =	sld [smem:$0x3FA1]  }
0x30: {  	s3 =	sld [smem:$0x3FA4]  }
0x31: {  	[smem:$0x3FAD] =	sst s10  }
0x32: {  	s10 =	sld [smem:$0x3FAB];
	_ =	sdelay $0x3  }
0x33: {  	p0 =	seq.s32 s10, $0x1;
	s10 =	sld [smem:$0x3FAD];
	_ =	sdelay $0x3  }
0x34: {  	[smem:$0x3FAD] =	sst s10  }
0x35: {  	s10 =	sld [smem:$0x3FAC];
	_ =	sdelay $0x3  }
0x36: {  	p1 =	seq.s32 s10, $0x1;
	s10 =	sld [smem:$0x3FAD];
	_ =	sdelay $0x3  }
0x37: {  	[smem:$0x3FAD] =	sst s10  }
0x38: {  	s10 =	sld [smem:$0x3FAE]  }
0x39: {  	_ = 	snop;
	(pc) =	sbr.ind lr, $3  }
0x3a: {  	_ = 	snop  }
0x3b: {  	_ = 	snop  }
0x3c: {  	p2 =	seq.s32 s10, $0x1;
	s10 =	sld [smem:$0x3FAD]  }
0x3d: {  	_ =	shalt  }
0x3e: {  	_ =	shalt  }
0x3f: {  	_ =	shalt  }
0x40: {  	_ =	shalt  }
0x41: {  	_ =	shalt  }
0x42: {  	_ =	shalt  }
0x43: {  	_ =	shalt  }
0x44: {  	_ =	shalt  }
0x45: {  	_ =	shalt  }
0x46: {  	_ =	shalt  }
0x47: {  	_ =	shalt  }
0x48: {  	_ =	shalt  }
0x49: {  	_ =	shalt  }
0x4a: {  	_ =	shalt  }
0x4b: {  	_ =	shalt  }
0x4c: {  	_ =	shalt  }
0x4d: {  	_ =	shalt  }
0x4e: {  	_ =	shalt  }
0x4f: {  	_ =	shalt  }
0x50: {  	_ =	shalt  }
0x51: {  	_ =	shalt  }
0x52: {  	_ =	shalt  }
0x53: {  	_ =	shalt  }
0x54: {  	_ =	shalt  }
0x55: {  	_ =	shalt  }
0x56: {  	_ =	shalt  }
0x57: {  	_ =	shalt  }
0x58: {  	_ =	shalt  }
0x59: {  	_ =	shalt  }
0x5a: {  	_ =	shalt  }
0x5b: {  	_ =	shalt  }
0x5c: {  	_ =	shalt  }
0x5d: {  	_ =	shalt  }
0x5e: {  	_ =	shalt  }
0x5f: {  	_ =	shalt  }
0x60: {  	_ =	shalt  }
0x61: {  	_ =	shalt  }
0x62: {  	_ =	shalt  }
0x63: {  	_ =	shalt  }
0x64: {  	_ =	shalt  }
0x65: {  	_ =	shalt  }
0x66: {  	_ =	shalt  }
0x67: {  	_ =	shalt  }
0x68: {  	_ =	shalt  }
0x69: {  	_ =	shalt  }
0x6a: {  	_ =	shalt  }
0x6b: {  	_ =	shalt  }
0x6c: {  	_ =	shalt  }
0x6d: {  	_ =	shalt  }
0x6e: {  	_ =	shalt  }
0x6f: {  	_ =	shalt  }
0x70: {  	_ =	shalt  }
0x71: {  	_ =	shalt  }
0x72: {  	_ =	shalt  }
0x73: {  	_ =	shalt  }
0x74: {  	_ =	shalt  }
0x75: {  	_ =	shalt  }
0x76: {  	_ =	shalt  }
0x77: {  	_ =	shalt  }
0x78: {  	_ =	shalt  }
0x79: {  	_ =	shalt  }
0x7a: {  	_ =	shalt  }
0x7b: {  	_ =	shalt  }
0x7c: {  	_ =	shalt  }
0x7d: {  	_ =	shalt  }
0x7e: {  	_ =	shalt  }
0x7f: {  	_ =	shalt  }
0x80: {  	_ =	shalt  }
0x81: {  	_ =	shalt  }
0x82: {  	_ =	shalt  }
0x83: {  	_ =	shalt  }
0x84: {  	_ =	shalt  }
0x85: {  	_ =	shalt  }
0x86: {  	_ =	shalt  }
0x87: {  	_ =	shalt  }
.Lfunc_end0:
.L_simem_size_0:
called_computation_lowered:
.L_overlay_start_0:
0x88: {  	s2 =	sld [smem:$0x3FD9]  }
0x89: {  	s3 =	sld [smem:$0x3FFE];
	_ =	sdelay $0x1  }
0x8a: {  	s1 =	srdreg.scid  }
0x8b: {  	s0 =	sand.u32 $0x1, s1  }
0x8c: {  	s14 =	sshll.u32 s0, $0xA;
	s2 =	sadd.s32 s3, s2  }
0x8d: {  	s2 =	sadd.s32 s2, s14  }
0x8e: {  	[smem:$0x3FB9] =	sst s2  }
0x8f: {  	_ = 	snop  }
0x90: {  	s2 =	sld [smem:$0x3FC8]  }
0x91: {  	s15 =	sld [smem:$0x3FC7]  }
0x92: {  	s4 =	sld [smem:$0x3FC6]  }
0x93: {  	s5 =	sld [smem:$0x3FD0]  }
0x94: {  	s6 =	sld [smem:$0x3FC5]  }
0x95: {  	s7 =	sld [smem:$0x3FC4]  }
0x96: {  	s9 =	simm.s32 $0xA;
	s10 =	simm.s32 $0x10;
	s8 =	sld [smem:$0x3FC3]  }
0x97: {  	[smem:s10], [sflag:s9] =	dma.local [hbm:s5], $0x1  }
0x98: {  	_ =	swait.eq [sflag:s9], $0x1  }
0x99: {  	[sflag:s9] =	ssyncset.done $0x0  }
0x9a: {  	[sflag:s9] =	ssyncadd.s32 $0xFFFFFFFF  }
0x9b: {  	s16 =	sld [smem:$0x10];
	(tm) =	ssettm $0x1  }
0x9c: {  	s17 =	sld [smem:$0x3FFB];
	_ =	sdelay $0x3  }
0x9d: {  	_ =	strace s17  }
0x9e: {  	s9 =	sld [smem:$0x3FFC];
	_ =	sdelay $0x3  }
0x9f: {  	_ =	strace s9  }
0xa0: {  	s9 =	sld [smem:$0x3FFD];
	_ =	sdelay $0x3  }
0xa1: {  	_ =	strace s9  }
0xa2: {  	_ =	strace $0x8FFFFFFF  }
0xa3: {  	s18 =	sld [smem:$0x3FDB];
	_ =	sdelay $0x1  }
0xa4: {  	s19 =	simm.s32 $_scs_section_size  }
0xa5: {  	s11 =	simm.s32 $_size__tile_overlayer_lowered;
	s12 =	simm.s32 $_tile_overlayer_lowered  }
0xa6: {  	s22 =	simm.s32 $0x1BFF;
	s21 =	sshll.u32 s12, $0x1;
	s9 =	sadd.s32 s19, s18  }
0xa7: {  	s13 =	simm.s32 $0x0;
	s20 =	sshll.u32 s11, $0x1;
	s11 =	sadd.s32 s21, s9  }
0xa8: {  	[timem:s13], [sflag:s22] =	dma.local [hbm:s11], s20  }
0xa9: {  	_ =	swait.ge [sflag:s22], s20  }
0xaa: {  	s10 =	ssub.s32 $0x0, s20;
	[sflag:s22] =	ssyncset.done $0x0  }
0xab: {  	[sflag:s22] =	ssyncadd.s32 s10;
	_ =	sdelay $0x1  }
0xac: {  	s23 =	simm.s32 $0x1B8B  }
0xad: {  	_ =	swait.ge [sflag:s23], $0x1  }
0xae: {  	[sflag:s23] =	ssyncset.done $0x0  }
0xaf: {  	s25 =	simm.s32 $0x1B8E;
	s24 =	sld [smem:$0x3FFE];
	[sflag:s23] =	ssyncadd.s32 $0xFFFFFFFF  }
0xb0: {  	s26 =	simm.s32 $execute0_lowered;
	[smem:$0x3FD2] =	sst s25  }
0xb1: {  	s11 =	sshll.u32 s26, $0x1;
	_ =	strace $0x80000046;
	[dreg:$0x1] =	wrdreg $0xFFFFFFFF  }
0xb2: {  	s28 =	simm.s32 $_size_execute0_lowered;
	s9 =	sadd.s32 s9, s11;
	[dreg:$0x0] =	wrdreg $0x0  }
0xb3: {  	s11 =	sshll.u32 s28, $0x1;
	[dreg:$0x2] =	wrdreg s9  }
0xb4: {  	[dreg:$0x3] =	wrdreg s11  }
0xb5: {  	[dreg:$0x4] =	wrdreg $0xC0  }
0xb6: {  	_ =	task [dreg:s13], $0x5FFFF  }
0xb7: {  	[dreg:$0x1] =	wrdreg $0xFFFFFFFF  }
0xb8: {  	[dreg:$0x0] =	wrdreg $0x60  }
0xb9: {  	[dreg:$0x2] =	wrdreg s16  }
0xba: {  	[dreg:$0x3] =	wrdreg s15  }
0xbb: {  	[dreg:$0x4] =	wrdreg s2  }
0xbc: {  	[dreg:$0x5] =	wrdreg s4  }
0xbd: {  	[dreg:$0x6] =	wrdreg s7  }
0xbe: {  	[dreg:$0x7] =	wrdreg s6  }
0xbf: {  	[dreg:$0x8] =	wrdreg s8  }
0xc0: {  	[dreg:$0x9] =	wrdreg s24  }
0xc1: {  	[dreg:$0xa] =	wrdreg $0x9  }
0xc2: {  	_ =	task.clear_ibuf [dreg:s13], $0xBFFFF;
	_ =	strace $0x90000046  }
0xc3: {  	s29 =	simm.s32 $0x9;
	_ =	strace $0x80000048  }
0xc4: {  	_ =	swait.ge [sflag:s29], $0x1  }
0xc5: {  	[sflag:s29] =	ssyncadd.s32 $0xFFFFFFFF  }
0xc6: {  	_ =	strace $0x90000048  }
0xc7: {  	_ =	sfence  }
0xc8: {  	s30 =	sld [smem:$0x0];
	_ =	sdelay $0x2  }
0xc9: {  	s31 =	sshll.u32 s1, $0xD;
	s1 =	sshrl.u32 s1, $0x2  }
0xca: {  	s3 =	sand.u32 $0x4000, s31;
	s1 =	sadd.s32 s1, s30  }
0xcb: {  	s0 =	sor.u32 s3, s0;
	s1 =	sshll.u32 s1, $0x11  }
0xcc: {  	s0 =	sor.u32 s1, s0  }
0xcd: {  	s0 =	sadd.s32 $0x8F2B, s0  }
0xce: {  	[sflag:s0] =	ssyncadd.remote.s32 $0x1  }
0xcf: {  	_ =	sfence.sel $0xFFFF  }
0xd0: {  	[dreg:$0x0] =	wrdreg $0xFFFFFFFF;
	(pc) =	sbr.abs _section_cstart, $3  }
0xd1: {  	[dreg:$0x1] =	wrdreg $0xFFFFFFFF  }
0xd2: {  	_ =	task.clear_ibuf [dreg:s13], $0x2FFFF;
	_ =	strace $0x9FFFFFFF  }
0xd3: {  	(tm) =	ssettm $0x7FFFFFFF  }
tec
execute0_lowered:
.L_overlay_start_1:
0x0: {  	(tag) =	ssettag $0x1  }
0x1: {  	s1 =	rddreg [dreg:$0x0]  }
0x2: {  	s2 =	rddreg [dreg:$0x1]  }
0x3: {  	s4 =	srdreg.scid;
	s3 =	rddreg [dreg:$0x2]  }
0x4: {  	s0 =	stileid.u32;
	s7 =	rddreg [dreg:$0x5]  }
0x5: {  	s8 =	rddreg [dreg:$0x6];
	s10 =	sand.u32 $0x1, s4;
	s5 =	sshll.u32 s0, $0x1  }
0x6: {  	s12 =	rddreg [dreg:$0x7];
	s13 =	simm.s32 $0x1;
	s11 =	sor.u32 s10, s5  }
0x7: {  	s14 =	simm.s32 $0x12000;
	s15 =	simm.s32 $0x13900;
	s6 =	smul.u32 $0x30, s11  }
0x8: {  	s16 =	simm.s32 $0x15200;
	s17 =	simm.s32 $0x0;
	s11 =	smul.u32 $0x2400, s11  }
.Ltmp0:
0x9: {  	v2 =	vimm.f32 $0.0e+00;
	s4 =	rddreg [dreg:$0x3];
	s10 =	ssub.s32 $0x2, s10;
	(pc) =	sbr.rel .LBB2_1-.Ltmp0, $4  }
0xa: {  	v3 =	vimm.s32 $0x0;
	vm0 =	vmmov $0x1;
	vm8 =	vcmask $0x2320;
	s5 =	rddreg [dreg:$0x4];
	s31 =	sshrl.u32 s10, $0x1;
	s9 =	sadd.s32 $0x30, s6  }
0xb: {  	vm9 =	vcmask $0x2724;
	v0 =	vmov s6;
	s6 =	rddreg [dreg:$0x8];
	s11 =	sadd.s32 s11, s12;
	v1 =	vmov s9;
	s9 =	simm.s32 $0x0  }
0xc: {  	vm10 =	vcmask $0x2B28;
	vm11 =	vcmask $0x2F2C;
	vm12 =	vcmask $0x3330;
	s12 =	ssub.s32 s10, s31;
	s10 =	sadd.s32 $0x2400, s11;
	[smem:$0x7FF] =	sst s9  }
0xd: {  	vm13 =	vcmask $0x3734;
	vm14 =	vcmask $0x3B38;
	vm15 =	vcmask $0x3F3C;
	s11 =	sadd.s32 $0x4A400, s11;
	s12 =	smax.u32 s12, $0x1;
	_ =	strace $0x80000047  }
.LBB2_49:
0xe: {  	s17 =	sadd.s32 $0x1, s17  }
0xf: {  	p0 =	sne.s32 s17, s12  }
.Ltmp1:
0x10: {  	_ = 	snop;
	(pc) =	sbr.rel @!p0 .LBB2_50-.Ltmp1, $4  }
0x11: {  	[hbm4b:s11+s9] =	stream.linear.scatter [tilespmem:s9], [sflag:$0x1], $0x12000, $0x38;
	[tilespmem:$0x16B00] =	vst v63  }
0x12: {  	_ =	swait.ge [sflag:s13], $0x12000  }
0x13: {  	[sflag:s13] =	ssyncset.done $0x0  }
0x14: {  	[sflag:s13] =	ssyncadd.s32 $0xFFFEE000  }
.LBB2_1:
.Ltmp2:
0x15: {  	(pc) =	sbr.rel .LBB2_2-.Ltmp2, $4  }
0x16: {  	[tilespmem:s9], [sflag:$0x1] =	stream.linear.gather [hbm4b:s1+s9], $0x12000, $0x38;
	[tilespmem:$0x16B00] =	vst v63  }
0x17: {  	_ =	swait.ge [sflag:s13], $0x12000  }
0x18: {  	[sflag:s13] =	ssyncset.done $0x0  }
0x19: {  	s18 =	simm.s32 $0x0;
	[sflag:s13] =	ssyncadd.s32 $0xFFFEE000  }
.LBB2_24:
0x1a: {  	s18 =	sadd.s32 $0x1, s18  }
0x1b: {  	p0 =	sne.s32 s18, $0x4  }
.Ltmp3:
0x1c: {  	_ = 	snop;
	(pc) =	sbr.rel @!p0 .LBB2_25-.Ltmp3, $1  }
0x1d: {  	_ =	sdelay $0x3  }
.LBB2_2:
0x1e: {  	s20 =	smul.u32 $0x320, s18;
	_ =	sdelay $0x1  }
0x1f: {  	s19 =	simm.s32 $0x0;
	s21 =	sadd.s32 s2, s20  }
0x20: {  	[tilespmem:s14], [sflag:$0x1] =	stream.linear.gather [hbm4b:s21+s19], $0x1900, $0x38;
	[tilespmem:$0x16B00] =	vst v63  }
0x21: {  	_ =	swait.ge [sflag:s13], $0x1900  }
0x22: {  	[sflag:s13] =	ssyncset.done $0x0  }
0x23: {  	s31 =	sadd.s32 s3, s20;
	[sflag:s13] =	ssyncadd.s32 $0xFFFFE700  }
0x24: {  	[tilespmem:s15], [sflag:$0x1] =	stream.linear.gather [hbm4b:s31+s19], $0x1900, $0x38;
	[tilespmem:$0x16B00] =	vst v63  }
0x25: {  	_ =	swait.ge [sflag:s13], $0x1900  }
0x26: {  	[sflag:s13] =	ssyncset.done $0x0  }
.Ltmp4:
0x27: {  	s20 =	sadd.s32 s4, s20;
	[sflag:s13] =	ssyncadd.s32 $0xFFFFE700;
	(pc) =	sbr.rel .LBB2_3-.Ltmp4, $4  }
0x28: {  	[tilespmem:s16], [sflag:$0x1] =	stream.linear.gather [hbm4b:s20+s19], $0x1900, $0x38;
	[tilespmem:$0x16B00] =	vst v63  }
0x29: {  	_ =	swait.ge [sflag:s13], $0x1900  }
0x2a: {  	[sflag:s13] =	ssyncset.done $0x0  }
0x2b: {  	[sflag:s13] =	ssyncadd.s32 $0xFFFFE700  }
.LBB2_22:
0x2c: {  	_ =	sdelay $0x4  }
0x2d: {  	[tilespmem:v5+s9+$0x0] =	vst.idx.add.f32.msk vm1, v4  }
.LBB2_23:
0x2e: {  	s19 =	sadd.s32 $0x100, s19  }
0x2f: {  	p0 =	sne.s32 s19, $0x6400  }
.Ltmp5:
0x30: {  	_ = 	snop;
	(pc) =	sbr.rel @!p0 .LBB2_24-.Ltmp5, $1  }
0x31: {  	_ =	sdelay $0x3  }
.LBB2_3:
0x32: {  	s20 =	sshra.s32 s19, $0x2  }
0x33: {  	v4 =	vld [tilespmem:s20+$0x12000];
	_ =	sdelay $0x4  }
0x34: {  	vm1 =	vge.s32 v4, v0;
	vm2 =	vlt.s32 v4, v1  }
0x35: {  	vm1 =	vmand vm1, vm2  }
0x36: {  	v5 =	vsel vm1, $0x3F800000, v2  }
0x37: {  	(xrf0) =	vmax.scan.msk.f32 $0xffff, v5;
	_ =	sdelay $0x5  }
0x38: {  	v5, _, _ =	vpop (xrf0)  }
0x39: {  	(v2sf) =	vpush v5, $0xF;
	_ =	sdelay $0xe  }
0x3a: {  	s21 =	spop (v2sf)  }
0x3b: {  	p0 =	sgt.f32 s21, $0.0e+00  }
.Ltmp6:
0x3c: {  	_ = 	snop;
	(pc) =	sbr.rel @!p0 .LBB2_8-.Ltmp6, $1  }
0x3d: {  	_ =	sdelay $0x3  }
0x3e: {  	v5 =	vsel vm1, $0x1, v3  }
0x3f: {  	(xrf0) =	vadd.scan.msk.s32 $0xffff, v5;
	_ =	sdelay $0x5  }
0x40: {  	v5, _, _ =	vpop (xrf0)  }
0x41: {  	(v2sf) =	vpush v5, $0xF;
	_ =	sdelay $0xe  }
0x42: {  	v5 =	vld [tilespmem:s20+$0x13900];
	s21 =	spop (v2sf)  }
0x43: {  	p0 =	seq.s32 s21, $0x1  }
.Ltmp7:
0x44: {  	v4 =	vsub.s32 v4, v0;
	(pc) =	sbr.rel @p0 .LBB2_7-.Ltmp7, $3  }
0x45: {  	v4 =	vmul.u32 $0x600, v4;
	_ =	sdelay $0x1  }
0x46: {  	v5 =	vadd.s32 v4, v5  }
0x47: {  	v4 =	vld [tilespmem:s20+$0x15200];
	v5 =	vnsel vm1, $0x0, v5  }
0x48: {  	p0 =	slt.s32 s21, $0x2  }
.Ltmp8:
0x49: {  	_ = 	snop;
	(pc) =	sbr.rel @p0 .LBB2_8-.Ltmp8, $1  }
0x4a: {  	_ =	sdelay $0x3  }
0x4b: {  	vm2 =	vmand vm1, vm0;
	vm3 =	vcmask $0x704  }
0x4c: {  	vm3 =	vmand vm1, vm3  }
0x4d: {  	vm4 =	vcmask $0xB08  }
0x4e: {  	vm5 =	vcmask $0xF0C;
	vm4 =	vmand vm1, vm4  }
0x4f: {  	vm6 =	vcmask $0x1310;
	vm5 =	vmand vm1, vm5  }
0x50: {  	vm7 =	vcmask $0x1714;
	vm6 =	vmand vm1, vm6  }
0x51: {  	vm7 =	vmand vm1, vm7;
	[tilespmem:v5+s9+$0x0] =	vst.idx.add.f32.msk vm2, v4;
	vm2 =	vcmask $0x1B18  }
0x52: {  	vm2 =	vmand vm1, vm2;
	[tilespmem:v5+s9+$0x0] =	vst.idx.add.f32.msk vm3, v4;
	vm3 =	vcmask $0x1F1C  }
0x53: {  	vm3 =	vmand vm1, vm3  }
0x54: {  	[tilespmem:v5+s9+$0x0] =	vst.idx.add.f32.msk vm4, v4;
	vm4 =	vmand vm1, vm8  }
0x55: {  	[tilespmem:v5+s9+$0x0] =	vst.idx.add.f32.msk vm5, v4;
	vm5 =	vmand vm1, vm9  }
0x56: {  	[tilespmem:v5+s9+$0x0] =	vst.idx.add.f32.msk vm6, v4;
	vm6 =	vmand vm1, vm10  }
0x57: {  	[tilespmem:v5+s9+$0x0] =	vst.idx.add.f32.msk vm7, v4;
	vm7 =	vmand vm1, vm11  }
0x58: {  	[tilespmem:v5+s9+$0x0] =	vst.idx.add.f32.msk vm2, v4;
	vm2 =	vmand vm1, vm12  }
0x59: {  	[tilespmem:v5+s9+$0x0] =	vst.idx.add.f32.msk vm3, v4;
	vm3 =	vmand vm1, vm13  }
0x5a: {  	[tilespmem:v5+s9+$0x0] =	vst.idx.add.f32.msk vm4, v4;
	vm4 =	vmand vm1, vm14  }
0x5b: {  	[tilespmem:v5+s9+$0x0] =	vst.idx.add.f32.msk vm5, v4  }
0x5c: {  	[tilespmem:v5+s9+$0x0] =	vst.idx.add.f32.msk vm6, v4  }
0x5d: {  	[tilespmem:v5+s9+$0x0] =	vst.idx.add.f32.msk vm7, v4  }
0x5e: {  	[tilespmem:v5+s9+$0x0] =	vst.idx.add.f32.msk vm2, v4  }
0x5f: {  	[tilespmem:v5+s9+$0x0] =	vst.idx.add.f32.msk vm3, v4  }
0x60: {  	vm1 =	vmand vm1, vm15;
	[tilespmem:v5+s9+$0x0] =	vst.idx.add.f32.msk vm4, v4  }
.LBB2_7:
0x61: {  	_ =	sdelay $0x4  }
0x62: {  	[tilespmem:v5+s9+$0x0] =	vst.idx.add.f32.msk vm1, v4  }
.LBB2_8:
0x63: {  	v4 =	vld [tilespmem:s20+$0x12010];
	_ =	sdelay $0x4  }
0x64: {  	vm1 =	vge.s32 v4, v0;
	vm2 =	vlt.s32 v4, v1  }
0x65: {  	vm1 =	vmand vm1, vm2  }
0x66: {  	v5 =	vsel vm1, $0x3F800000, v2  }
0x67: {  	(xrf0) =	vmax.scan.msk.f32 $0xffff, v5;
	_ =	sdelay $0x5  }
0x68: {  	v5, _, _ =	vpop (xrf0)  }
0x69: {  	(v2sf) =	vpush v5, $0xF;
	_ =	sdelay $0xe  }
0x6a: {  	s21 =	spop (v2sf)  }
0x6b: {  	p0 =	sgt.f32 s21, $0.0e+00  }
.Ltmp9:
0x6c: {  	_ = 	snop;
	(pc) =	sbr.rel @!p0 .LBB2_13-.Ltmp9, $1  }
0x6d: {  	_ =	sdelay $0x3  }
0x6e: {  	v5 =	vsel vm1, $0x1, v3  }
0x6f: {  	(xrf0) =	vadd.scan.msk.s32 $0xffff, v5;
	_ =	sdelay $0x5  }
0x70: {  	v5, _, _ =	vpop (xrf0)  }
0x71: {  	(v2sf) =	vpush v5, $0xF;
	_ =	sdelay $0xe  }
0x72: {  	v5 =	vld [tilespmem:s20+$0x13910];
	s21 =	spop (v2sf)  }
0x73: {  	p0 =	seq.s32 s21, $0x1  }
.Ltmp10:
0x74: {  	v4 =	vsub.s32 v4, v0;
	(pc) =	sbr.rel @p0 .LBB2_12-.Ltmp10, $3  }
0x75: {  	v4 =	vmul.u32 $0x600, v4;
	_ =	sdelay $0x1  }
0x76: {  	v5 =	vadd.s32 v4, v5  }
0x77: {  	v4 =	vld [tilespmem:s20+$0x15210];
	v5 =	vnsel vm1, $0x0, v5  }
0x78: {  	p0 =	slt.s32 s21, $0x2  }
.Ltmp11:
0x79: {  	_ = 	snop;
	(pc) =	sbr.rel @p0 .LBB2_13-.Ltmp11, $1  }
0x7a: {  	_ =	sdelay $0x3  }
0x7b: {  	vm2 =	vmand vm1, vm0;
	vm3 =	vcmask $0x704  }
0x7c: {  	vm3 =	vmand vm1, vm3  }
0x7d: {  	vm4 =	vcmask $0xB08  }
0x7e: {  	vm5 =	vcmask $0xF0C;
	vm4 =	vmand vm1, vm4  }
0x7f: {  	vm6 =	vcmask $0x1310;
	vm5 =	vmand vm1, vm5  }
0x80: {  	vm7 =	vcmask $0x1714;
	vm6 =	vmand vm1, vm6  }
0x81: {  	vm7 =	vmand vm1, vm7;
	[tilespmem:v5+s9+$0x0] =	vst.idx.add.f32.msk vm2, v4;
	vm2 =	vcmask $0x1B18  }
0x82: {  	vm2 =	vmand vm1, vm2;
	[tilespmem:v5+s9+$0x0] =	vst.idx.add.f32.msk vm3, v4;
	vm3 =	vcmask $0x1F1C  }
0x83: {  	vm3 =	vmand vm1, vm3  }
0x84: {  	[tilespmem:v5+s9+$0x0] =	vst.idx.add.f32.msk vm4, v4;
	vm4 =	vmand vm1, vm8  }
0x85: {  	[tilespmem:v5+s9+$0x0] =	vst.idx.add.f32.msk vm5, v4;
	vm5 =	vmand vm1, vm9  }
0x86: {  	[tilespmem:v5+s9+$0x0] =	vst.idx.add.f32.msk vm6, v4;
	vm6 =	vmand vm1, vm10  }
0x87: {  	[tilespmem:v5+s9+$0x0] =	vst.idx.add.f32.msk vm7, v4;
	vm7 =	vmand vm1, vm11  }
0x88: {  	[tilespmem:v5+s9+$0x0] =	vst.idx.add.f32.msk vm2, v4;
	vm2 =	vmand vm1, vm12  }
0x89: {  	[tilespmem:v5+s9+$0x0] =	vst.idx.add.f32.msk vm3, v4;
	vm3 =	vmand vm1, vm13  }
0x8a: {  	[tilespmem:v5+s9+$0x0] =	vst.idx.add.f32.msk vm4, v4;
	vm4 =	vmand vm1, vm14  }
0x8b: {  	[tilespmem:v5+s9+$0x0] =	vst.idx.add.f32.msk vm5, v4  }
0x8c: {  	[tilespmem:v5+s9+$0x0] =	vst.idx.add.f32.msk vm6, v4  }
0x8d: {  	[tilespmem:v5+s9+$0x0] =	vst.idx.add.f32.msk vm7, v4  }
0x8e: {  	[tilespmem:v5+s9+$0x0] =	vst.idx.add.f32.msk vm2, v4  }
0x8f: {  	[tilespmem:v5+s9+$0x0] =	vst.idx.add.f32.msk vm3, v4  }
0x90: {  	vm1 =	vmand vm1, vm15;
	[tilespmem:v5+s9+$0x0] =	vst.idx.add.f32.msk vm4, v4  }
.LBB2_12:
0x91: {  	_ =	sdelay $0x4  }
0x92: {  	[tilespmem:v5+s9+$0x0] =	vst.idx.add.f32.msk vm1, v4  }
.LBB2_13:
0x93: {  	v4 =	vld [tilespmem:s20+$0x12020];
	_ =	sdelay $0x4  }
0x94: {  	vm1 =	vge.s32 v4, v0;
	vm2 =	vlt.s32 v4, v1  }
0x95: {  	vm1 =	vmand vm1, vm2  }
0x96: {  	v5 =	vsel vm1, $0x3F800000, v2  }
0x97: {  	(xrf0) =	vmax.scan.msk.f32 $0xffff, v5;
	_ =	sdelay $0x5  }
0x98: {  	v5, _, _ =	vpop (xrf0)  }
0x99: {  	(v2sf) =	vpush v5, $0xF;
	_ =	sdelay $0xe  }
0x9a: {  	s21 =	spop (v2sf)  }
0x9b: {  	p0 =	sgt.f32 s21, $0.0e+00  }
.Ltmp12:
0x9c: {  	_ = 	snop;
	(pc) =	sbr.rel @!p0 .LBB2_18-.Ltmp12, $1  }
0x9d: {  	_ =	sdelay $0x3  }
0x9e: {  	v5 =	vsel vm1, $0x1, v3  }
0x9f: {  	(xrf0) =	vadd.scan.msk.s32 $0xffff, v5;
	_ =	sdelay $0x5  }
0xa0: {  	v5, _, _ =	vpop (xrf0)  }
0xa1: {  	(v2sf) =	vpush v5, $0xF;
	_ =	sdelay $0xe  }
0xa2: {  	v5 =	vld [tilespmem:s20+$0x13920];
	s21 =	spop (v2sf)  }
0xa3: {  	p0 =	seq.s32 s21, $0x1  }
.Ltmp13:
0xa4: {  	v4 =	vsub.s32 v4, v0;
	(pc) =	sbr.rel @p0 .LBB2_17-.Ltmp13, $3  }
0xa5: {  	v4 =	vmul.u32 $0x600, v4;
	_ =	sdelay $0x1  }
0xa6: {  	v5 =	vadd.s32 v4, v5  }
0xa7: {  	v4 =	vld [tilespmem:s20+$0x15220];
	v5 =	vnsel vm1, $0x0, v5  }
0xa8: {  	p0 =	slt.s32 s21, $0x2  }
.Ltmp14:
0xa9: {  	_ = 	snop;
	(pc) =	sbr.rel @p0 .LBB2_18-.Ltmp14, $1  }
0xaa: {  	_ =	sdelay $0x3  }
0xab: {  	vm2 =	vmand vm1, vm0;
	vm3 =	vcmask $0x704  }
0xac: {  	vm3 =	vmand vm1, vm3  }
0xad: {  	vm4 =	vcmask $0xB08  }
0xae: {  	vm5 =	vcmask $0xF0C;
	vm4 =	vmand vm1, vm4  }
0xaf: {  	vm6 =	vcmask $0x1310;
	vm5 =	vmand vm1, vm5  }
0xb0: {  	vm7 =	vcmask $0x1714;
	vm6 =	vmand vm1, vm6  }
0xb1: {  	vm7 =	vmand vm1, vm7;
	[tilespmem:v5+s9+$0x0] =	vst.idx.add.f32.msk vm2, v4;
	vm2 =	vcmask $0x1B18  }
0xb2: {  	vm2 =	vmand vm1, vm2;
	[tilespmem:v5+s9+$0x0] =	vst.idx.add.f32.msk vm3, v4;
	vm3 =	vcmask $0x1F1C  }
0xb3: {  	vm3 =	vmand vm1, vm3  }
0xb4: {  	[tilespmem:v5+s9+$0x0] =	vst.idx.add.f32.msk vm4, v4;
	vm4 =	vmand vm1, vm8  }
0xb5: {  	[tilespmem:v5+s9+$0x0] =	vst.idx.add.f32.msk vm5, v4;
	vm5 =	vmand vm1, vm9  }
0xb6: {  	[tilespmem:v5+s9+$0x0] =	vst.idx.add.f32.msk vm6, v4;
	vm6 =	vmand vm1, vm10  }
0xb7: {  	[tilespmem:v5+s9+$0x0] =	vst.idx.add.f32.msk vm7, v4;
	vm7 =	vmand vm1, vm11  }
0xb8: {  	[tilespmem:v5+s9+$0x0] =	vst.idx.add.f32.msk vm2, v4;
	vm2 =	vmand vm1, vm12  }
0xb9: {  	[tilespmem:v5+s9+$0x0] =	vst.idx.add.f32.msk vm3, v4;
	vm3 =	vmand vm1, vm13  }
0xba: {  	[tilespmem:v5+s9+$0x0] =	vst.idx.add.f32.msk vm4, v4;
	vm4 =	vmand vm1, vm14  }
0xbb: {  	[tilespmem:v5+s9+$0x0] =	vst.idx.add.f32.msk vm5, v4  }
0xbc: {  	[tilespmem:v5+s9+$0x0] =	vst.idx.add.f32.msk vm6, v4  }
0xbd: {  	[tilespmem:v5+s9+$0x0] =	vst.idx.add.f32.msk vm7, v4  }
0xbe: {  	[tilespmem:v5+s9+$0x0] =	vst.idx.add.f32.msk vm2, v4  }
0xbf: {  	[tilespmem:v5+s9+$0x0] =	vst.idx.add.f32.msk vm3, v4  }
0xc0: {  	vm1 =	vmand vm1, vm15;
	[tilespmem:v5+s9+$0x0] =	vst.idx.add.f32.msk vm4, v4  }
.LBB2_17:
0xc1: {  	_ =	sdelay $0x4  }
0xc2: {  	[tilespmem:v5+s9+$0x0] =	vst.idx.add.f32.msk vm1, v4  }
.LBB2_18:
0xc3: {  	v4 =	vld [tilespmem:s20+$0x12030];
	_ =	sdelay $0x4  }
0xc4: {  	vm1 =	vge.s32 v4, v0;
	vm2 =	vlt.s32 v4, v1  }
0xc5: {  	vm1 =	vmand vm1, vm2  }
0xc6: {  	v5 =	vsel vm1, $0x3F800000, v2  }
0xc7: {  	(xrf0) =	vmax.scan.msk.f32 $0xffff, v5;
	_ =	sdelay $0x5  }
0xc8: {  	v5, _, _ =	vpop (xrf0)  }
0xc9: {  	(v2sf) =	vpush v5, $0xF;
	_ =	sdelay $0xe  }
0xca: {  	s21 =	spop (v2sf)  }
0xcb: {  	p0 =	sgt.f32 s21, $0.0e+00  }
.Ltmp15:
0xcc: {  	_ = 	snop;
	(pc) =	sbr.rel @!p0 .LBB2_23-.Ltmp15, $1  }
0xcd: {  	_ =	sdelay $0x3  }
0xce: {  	v5 =	vsel vm1, $0x1, v3  }
0xcf: {  	(xrf0) =	vadd.scan.msk.s32 $0xffff, v5;
	_ =	sdelay $0x5  }
0xd0: {  	v5, _, _ =	vpop (xrf0)  }
0xd1: {  	(v2sf) =	vpush v5, $0xF;
	_ =	sdelay $0xe  }
0xd2: {  	v5 =	vld [tilespmem:s20+$0x13930];
	s21 =	spop (v2sf)  }
0xd3: {  	p0 =	seq.s32 s21, $0x1  }
.Ltmp16:
0xd4: {  	v4 =	vsub.s32 v4, v0;
	(pc) =	sbr.rel @p0 .LBB2_22-.Ltmp16, $3  }
0xd5: {  	v4 =	vmul.u32 $0x600, v4;
	_ =	sdelay $0x1  }
0xd6: {  	v5 =	vadd.s32 v4, v5  }
0xd7: {  	v4 =	vld [tilespmem:s20+$0x15230];
	v5 =	vnsel vm1, $0x0, v5  }
0xd8: {  	p0 =	slt.s32 s21, $0x2  }
.Ltmp17:
0xd9: {  	_ = 	snop;
	(pc) =	sbr.rel @p0 .LBB2_23-.Ltmp17, $1  }
0xda: {  	_ =	sdelay $0x3  }
0xdb: {  	vm2 =	vmand vm1, vm0;
	vm3 =	vcmask $0x704  }
0xdc: {  	vm3 =	vmand vm1, vm3  }
0xdd: {  	vm4 =	vcmask $0xB08  }
0xde: {  	vm5 =	vcmask $0xF0C;
	vm4 =	vmand vm1, vm4  }
0xdf: {  	vm6 =	vcmask $0x1310;
	vm5 =	vmand vm1, vm5  }
0xe0: {  	vm7 =	vcmask $0x1714;
	vm6 =	vmand vm1, vm6  }
0xe1: {  	vm7 =	vmand vm1, vm7;
	[tilespmem:v5+s9+$0x0] =	vst.idx.add.f32.msk vm2, v4;
	vm2 =	vcmask $0x1B18  }
0xe2: {  	vm2 =	vmand vm1, vm2;
	[tilespmem:v5+s9+$0x0] =	vst.idx.add.f32.msk vm3, v4;
	vm3 =	vcmask $0x1F1C  }
0xe3: {  	vm3 =	vmand vm1, vm3  }
0xe4: {  	[tilespmem:v5+s9+$0x0] =	vst.idx.add.f32.msk vm4, v4;
	vm4 =	vmand vm1, vm8  }
0xe5: {  	[tilespmem:v5+s9+$0x0] =	vst.idx.add.f32.msk vm5, v4;
	vm5 =	vmand vm1, vm9  }
0xe6: {  	[tilespmem:v5+s9+$0x0] =	vst.idx.add.f32.msk vm6, v4;
	vm6 =	vmand vm1, vm10  }
0xe7: {  	[tilespmem:v5+s9+$0x0] =	vst.idx.add.f32.msk vm7, v4;
	vm7 =	vmand vm1, vm11  }
0xe8: {  	[tilespmem:v5+s9+$0x0] =	vst.idx.add.f32.msk vm2, v4;
	vm2 =	vmand vm1, vm12  }
0xe9: {  	[tilespmem:v5+s9+$0x0] =	vst.idx.add.f32.msk vm3, v4;
	vm3 =	vmand vm1, vm13  }
0xea: {  	[tilespmem:v5+s9+$0x0] =	vst.idx.add.f32.msk vm4, v4;
	vm4 =	vmand vm1, vm14  }
0xeb: {  	[tilespmem:v5+s9+$0x0] =	vst.idx.add.f32.msk vm5, v4  }
.Ltmp18:
0xec: {  	[tilespmem:v5+s9+$0x0] =	vst.idx.add.f32.msk vm6, v4;
	(pc) =	sbr.rel .LBB2_22-.Ltmp18, $4  }
0xed: {  	[tilespmem:v5+s9+$0x0] =	vst.idx.add.f32.msk vm7, v4  }
0xee: {  	[tilespmem:v5+s9+$0x0] =	vst.idx.add.f32.msk vm2, v4  }
0xef: {  	[tilespmem:v5+s9+$0x0] =	vst.idx.add.f32.msk vm3, v4  }
0xf0: {  	vm1 =	vmand vm1, vm15;
	[tilespmem:v5+s9+$0x0] =	vst.idx.add.f32.msk vm4, v4  }
.LBB2_25:
0xf1: {  	s18 =	simm.s32 $0x0  }
0xf2: {  	[hbm4b:s10+s18] =	stream.linear.scatter [tilespmem:s18], [sflag:$0x1], $0x12000, $0x38;
	[tilespmem:$0x16B00] =	vst v63  }
0xf3: {  	_ =	swait.ge [sflag:s13], $0x12000  }
0xf4: {  	[sflag:s13] =	ssyncset.done $0x0  }
.Ltmp19:
0xf5: {  	[sflag:s13] =	ssyncadd.s32 $0xFFFEE000;
	(pc) =	sbr.rel .LBB2_26-.Ltmp19, $4  }
0xf6: {  	[tilespmem:s18], [sflag:$0x1] =	stream.linear.gather [hbm4b:s1+s18], $0x12000, $0x38;
	[tilespmem:$0x16B00] =	vst v63  }
0xf7: {  	_ =	swait.ge [sflag:s13], $0x12000  }
0xf8: {  	[sflag:s13] =	ssyncset.done $0x0  }
0xf9: {  	s19 =	simm.s32 $0x0;
	[sflag:s13] =	ssyncadd.s32 $0xFFFEE000  }
.LBB2_48:
0xfa: {  	s19 =	sadd.s32 $0x1, s19  }
0xfb: {  	p0 =	sne.s32 s19, $0x4  }
.Ltmp20:
0xfc: {  	_ = 	snop;
	(pc) =	sbr.rel @!p0 .LBB2_49-.Ltmp20, $1  }
0xfd: {  	_ =	sdelay $0x3  }
.LBB2_26:
0xfe: {  	s20 =	smul.u32 $0x300, s19;
	_ =	sdelay $0x1  }
0xff: {  	s21 =	sadd.s32 s5, s20  }
0x100: {  	[tilespmem:s14], [sflag:$0x1] =	stream.linear.gather [hbm4b:s21+s18], $0x1800, $0x38;
	[tilespmem:$0x16B00] =	vst v63  }
0x101: {  	_ =	swait.ge [sflag:s13], $0x1800  }
0x102: {  	[sflag:s13] =	ssyncset.done $0x0  }
0x103: {  	s31 =	sadd.s32 s7, s20;
	[sflag:s13] =	ssyncadd.s32 $0xFFFFE800  }
0x104: {  	[tilespmem:s15], [sflag:$0x1] =	stream.linear.gather [hbm4b:s31+s18], $0x1800, $0x38;
	[tilespmem:$0x16B00] =	vst v63  }
0x105: {  	_ =	swait.ge [sflag:s13], $0x1800  }
0x106: {  	[sflag:s13] =	ssyncset.done $0x0  }
.Ltmp21:
0x107: {  	s20 =	sadd.s32 s8, s20;
	[sflag:s13] =	ssyncadd.s32 $0xFFFFE800;
	(pc) =	sbr.rel .LBB2_27-.Ltmp21, $4  }
0x108: {  	[tilespmem:s16], [sflag:$0x1] =	stream.linear.gather [hbm4b:s20+s18], $0x1800, $0x38;
	[tilespmem:$0x16B00] =	vst v63  }
0x109: {  	_ =	swait.ge [sflag:s13], $0x1800  }
0x10a: {  	[sflag:s13] =	ssyncset.done $0x0  }
0x10b: {  	s20 =	simm.s32 $0x0;
	[sflag:s13] =	ssyncadd.s32 $0xFFFFE800  }
.LBB2_46:
0x10c: {  	_ =	sdelay $0x4  }
0x10d: {  	[tilespmem:v5+s9+$0x0] =	vst.idx.add.f32.msk vm1, v4  }
.LBB2_47:
0x10e: {  	s20 =	sadd.s32 $0x100, s20  }
0x10f: {  	p0 =	sne.s32 s20, $0x6000  }
.Ltmp22:
0x110: {  	_ = 	snop;
	(pc) =	sbr.rel @!p0 .LBB2_48-.Ltmp22, $1  }
0x111: {  	_ =	sdelay $0x3  }
.LBB2_27:
0x112: {  	s21 =	sshra.s32 s20, $0x2  }
0x113: {  	v4 =	vld [tilespmem:s21+$0x12000];
	_ =	sdelay $0x4  }
0x114: {  	vm1 =	vge.s32 v4, v0;
	vm2 =	vlt.s32 v4, v1  }
0x115: {  	vm1 =	vmand vm1, vm2  }
0x116: {  	v5 =	vsel vm1, $0x3F800000, v2  }
0x117: {  	(xrf0) =	vmax.scan.msk.f32 $0xffff, v5;
	_ =	sdelay $0x5  }
0x118: {  	v5, _, _ =	vpop (xrf0)  }
0x119: {  	(v2sf) =	vpush v5, $0xF;
	_ =	sdelay $0xe  }
0x11a: {  	s22 =	spop (v2sf)  }
0x11b: {  	p0 =	sgt.f32 s22, $0.0e+00  }
.Ltmp23:
0x11c: {  	_ = 	snop;
	(pc) =	sbr.rel @!p0 .LBB2_32-.Ltmp23, $1  }
0x11d: {  	_ =	sdelay $0x3  }
0x11e: {  	v5 =	vsel vm1, $0x1, v3  }
0x11f: {  	(xrf0) =	vadd.scan.msk.s32 $0xffff, v5;
	_ =	sdelay $0x5  }
0x120: {  	v5, _, _ =	vpop (xrf0)  }
0x121: {  	(v2sf) =	vpush v5, $0xF;
	_ =	sdelay $0xe  }
0x122: {  	v5 =	vld [tilespmem:s21+$0x13900];
	s22 =	spop (v2sf)  }
0x123: {  	p0 =	seq.s32 s22, $0x1  }
.Ltmp24:
0x124: {  	v4 =	vsub.s32 v4, v0;
	(pc) =	sbr.rel @p0 .LBB2_31-.Ltmp24, $3  }
0x125: {  	v4 =	vmul.u32 $0x600, v4;
	_ =	sdelay $0x1  }
0x126: {  	v5 =	vadd.s32 v4, v5  }
0x127: {  	v4 =	vld [tilespmem:s21+$0x15200];
	v5 =	vnsel vm1, $0x0, v5  }
0x128: {  	p0 =	slt.s32 s22, $0x2  }
.Ltmp25:
0x129: {  	_ = 	snop;
	(pc) =	sbr.rel @p0 .LBB2_32-.Ltmp25, $1  }
0x12a: {  	_ =	sdelay $0x3  }
0x12b: {  	vm2 =	vmand vm1, vm0;
	vm3 =	vcmask $0x704  }
0x12c: {  	vm3 =	vmand vm1, vm3  }
0x12d: {  	vm4 =	vcmask $0xB08  }
0x12e: {  	vm5 =	vcmask $0xF0C;
	vm4 =	vmand vm1, vm4  }
0x12f: {  	vm6 =	vcmask $0x1310;
	vm5 =	vmand vm1, vm5  }
0x130: {  	vm7 =	vcmask $0x1714;
	vm6 =	vmand vm1, vm6  }
0x131: {  	vm7 =	vmand vm1, vm7;
	[tilespmem:v5+s9+$0x0] =	vst.idx.add.f32.msk vm2, v4;
	vm2 =	vcmask $0x1B18  }
0x132: {  	vm2 =	vmand vm1, vm2;
	[tilespmem:v5+s9+$0x0] =	vst.idx.add.f32.msk vm3, v4;
	vm3 =	vcmask $0x1F1C  }
0x133: {  	vm3 =	vmand vm1, vm3  }
0x134: {  	[tilespmem:v5+s9+$0x0] =	vst.idx.add.f32.msk vm4, v4;
	vm4 =	vmand vm1, vm8  }
0x135: {  	[tilespmem:v5+s9+$0x0] =	vst.idx.add.f32.msk vm5, v4;
	vm5 =	vmand vm1, vm9  }
0x136: {  	[tilespmem:v5+s9+$0x0] =	vst.idx.add.f32.msk vm6, v4;
	vm6 =	vmand vm1, vm10  }
0x137: {  	[tilespmem:v5+s9+$0x0] =	vst.idx.add.f32.msk vm7, v4;
	vm7 =	vmand vm1, vm11  }
0x138: {  	[tilespmem:v5+s9+$0x0] =	vst.idx.add.f32.msk vm2, v4;
	vm2 =	vmand vm1, vm12  }
0x139: {  	[tilespmem:v5+s9+$0x0] =	vst.idx.add.f32.msk vm3, v4;
	vm3 =	vmand vm1, vm13  }
0x13a: {  	[tilespmem:v5+s9+$0x0] =	vst.idx.add.f32.msk vm4, v4;
	vm4 =	vmand vm1, vm14  }
0x13b: {  	[tilespmem:v5+s9+$0x0] =	vst.idx.add.f32.msk vm5, v4  }
0x13c: {  	[tilespmem:v5+s9+$0x0] =	vst.idx.add.f32.msk vm6, v4  }
0x13d: {  	[tilespmem:v5+s9+$0x0] =	vst.idx.add.f32.msk vm7, v4  }
0x13e: {  	[tilespmem:v5+s9+$0x0] =	vst.idx.add.f32.msk vm2, v4  }
0x13f: {  	[tilespmem:v5+s9+$0x0] =	vst.idx.add.f32.msk vm3, v4  }
0x140: {  	vm1 =	vmand vm1, vm15;
	[tilespmem:v5+s9+$0x0] =	vst.idx.add.f32.msk vm4, v4  }
.LBB2_31:
0x141: {  	_ =	sdelay $0x4  }
0x142: {  	[tilespmem:v5+s9+$0x0] =	vst.idx.add.f32.msk vm1, v4  }
.LBB2_32:
0x143: {  	v4 =	vld [tilespmem:s21+$0x12010];
	_ =	sdelay $0x4  }
0x144: {  	vm1 =	vge.s32 v4, v0;
	vm2 =	vlt.s32 v4, v1  }
0x145: {  	vm1 =	vmand vm1, vm2  }
0x146: {  	v5 =	vsel vm1, $0x3F800000, v2  }
0x147: {  	(xrf0) =	vmax.scan.msk.f32 $0xffff, v5;
	_ =	sdelay $0x5  }
0x148: {  	v5, _, _ =	vpop (xrf0)  }
0x149: {  	(v2sf) =	vpush v5, $0xF;
	_ =	sdelay $0xe  }
0x14a: {  	s22 =	spop (v2sf)  }
0x14b: {  	p0 =	sgt.f32 s22, $0.0e+00  }
.Ltmp26:
0x14c: {  	_ = 	snop;
	(pc) =	sbr.rel @!p0 .LBB2_37-.Ltmp26, $1  }
0x14d: {  	_ =	sdelay $0x3  }
0x14e: {  	v5 =	vsel vm1, $0x1, v3  }
0x14f: {  	(xrf0) =	vadd.scan.msk.s32 $0xffff, v5;
	_ =	sdelay $0x5  }
0x150: {  	v5, _, _ =	vpop (xrf0)  }
0x151: {  	(v2sf) =	vpush v5, $0xF;
	_ =	sdelay $0xe  }
0x152: {  	v5 =	vld [tilespmem:s21+$0x13910];
	s22 =	spop (v2sf)  }
0x153: {  	p0 =	seq.s32 s22, $0x1  }
.Ltmp27:
0x154: {  	v4 =	vsub.s32 v4, v0;
	(pc) =	sbr.rel @p0 .LBB2_36-.Ltmp27, $3  }
0x155: {  	v4 =	vmul.u32 $0x600, v4;
	_ =	sdelay $0x1  }
0x156: {  	v5 =	vadd.s32 v4, v5  }
0x157: {  	v4 =	vld [tilespmem:s21+$0x15210];
	v5 =	vnsel vm1, $0x0, v5  }
0x158: {  	p0 =	slt.s32 s22, $0x2  }
.Ltmp28:
0x159: {  	_ = 	snop;
	(pc) =	sbr.rel @p0 .LBB2_37-.Ltmp28, $1  }
0x15a: {  	_ =	sdelay $0x3  }
0x15b: {  	vm2 =	vmand vm1, vm0;
	vm3 =	vcmask $0x704  }
0x15c: {  	vm3 =	vmand vm1, vm3  }
0x15d: {  	vm4 =	vcmask $0xB08  }
0x15e: {  	vm5 =	vcmask $0xF0C;
	vm4 =	vmand vm1, vm4  }
0x15f: {  	vm6 =	vcmask $0x1310;
	vm5 =	vmand vm1, vm5  }
0x160: {  	vm7 =	vcmask $0x1714;
	vm6 =	vmand vm1, vm6  }
0x161: {  	vm7 =	vmand vm1, vm7;
	[tilespmem:v5+s9+$0x0] =	vst.idx.add.f32.msk vm2, v4;
	vm2 =	vcmask $0x1B18  }
0x162: {  	vm2 =	vmand vm1, vm2;
	[tilespmem:v5+s9+$0x0] =	vst.idx.add.f32.msk vm3, v4;
	vm3 =	vcmask $0x1F1C  }
0x163: {  	vm3 =	vmand vm1, vm3  }
0x164: {  	[tilespmem:v5+s9+$0x0] =	vst.idx.add.f32.msk vm4, v4;
	vm4 =	vmand vm1, vm8  }
0x165: {  	[tilespmem:v5+s9+$0x0] =	vst.idx.add.f32.msk vm5, v4;
	vm5 =	vmand vm1, vm9  }
0x166: {  	[tilespmem:v5+s9+$0x0] =	vst.idx.add.f32.msk vm6, v4;
	vm6 =	vmand vm1, vm10  }
0x167: {  	[tilespmem:v5+s9+$0x0] =	vst.idx.add.f32.msk vm7, v4;
	vm7 =	vmand vm1, vm11  }
0x168: {  	[tilespmem:v5+s9+$0x0] =	vst.idx.add.f32.msk vm2, v4;
	vm2 =	vmand vm1, vm12  }
0x169: {  	[tilespmem:v5+s9+$0x0] =	vst.idx.add.f32.msk vm3, v4;
	vm3 =	vmand vm1, vm13  }
0x16a: {  	[tilespmem:v5+s9+$0x0] =	vst.idx.add.f32.msk vm4, v4;
	vm4 =	vmand vm1, vm14  }
0x16b: {  	[tilespmem:v5+s9+$0x0] =	vst.idx.add.f32.msk vm5, v4  }
0x16c: {  	[tilespmem:v5+s9+$0x0] =	vst.idx.add.f32.msk vm6, v4  }
0x16d: {  	[tilespmem:v5+s9+$0x0] =	vst.idx.add.f32.msk vm7, v4  }
0x16e: {  	[tilespmem:v5+s9+$0x0] =	vst.idx.add.f32.msk vm2, v4  }
0x16f: {  	[tilespmem:v5+s9+$0x0] =	vst.idx.add.f32.msk vm3, v4  }
0x170: {  	vm1 =	vmand vm1, vm15;
	[tilespmem:v5+s9+$0x0] =	vst.idx.add.f32.msk vm4, v4  }
.LBB2_36:
0x171: {  	_ =	sdelay $0x4  }
0x172: {  	[tilespmem:v5+s9+$0x0] =	vst.idx.add.f32.msk vm1, v4  }
.LBB2_37:
0x173: {  	v4 =	vld [tilespmem:s21+$0x12020];
	_ =	sdelay $0x4  }
0x174: {  	vm1 =	vge.s32 v4, v0;
	vm2 =	vlt.s32 v4, v1  }
0x175: {  	vm1 =	vmand vm1, vm2  }
0x176: {  	v5 =	vsel vm1, $0x3F800000, v2  }
0x177: {  	(xrf0) =	vmax.scan.msk.f32 $0xffff, v5;
	_ =	sdelay $0x5  }
0x178: {  	v5, _, _ =	vpop (xrf0)  }
0x179: {  	(v2sf) =	vpush v5, $0xF;
	_ =	sdelay $0xe  }
0x17a: {  	s22 =	spop (v2sf)  }
0x17b: {  	p0 =	sgt.f32 s22, $0.0e+00  }
.Ltmp29:
0x17c: {  	_ = 	snop;
	(pc) =	sbr.rel @!p0 .LBB2_42-.Ltmp29, $1  }
0x17d: {  	_ =	sdelay $0x3  }
0x17e: {  	v5 =	vsel vm1, $0x1, v3  }
0x17f: {  	(xrf0) =	vadd.scan.msk.s32 $0xffff, v5;
	_ =	sdelay $0x5  }
0x180: {  	v5, _, _ =	vpop (xrf0)  }
0x181: {  	(v2sf) =	vpush v5, $0xF;
	_ =	sdelay $0xe  }
0x182: {  	v5 =	vld [tilespmem:s21+$0x13920];
	s22 =	spop (v2sf)  }
0x183: {  	p0 =	seq.s32 s22, $0x1  }
.Ltmp30:
0x184: {  	v4 =	vsub.s32 v4, v0;
	(pc) =	sbr.rel @p0 .LBB2_41-.Ltmp30, $3  }
0x185: {  	v4 =	vmul.u32 $0x600, v4;
	_ =	sdelay $0x1  }
0x186: {  	v5 =	vadd.s32 v4, v5  }
0x187: {  	v4 =	vld [tilespmem:s21+$0x15220];
	v5 =	vnsel vm1, $0x0, v5  }
0x188: {  	p0 =	slt.s32 s22, $0x2  }
.Ltmp31:
0x189: {  	_ = 	snop;
	(pc) =	sbr.rel @p0 .LBB2_42-.Ltmp31, $1  }
0x18a: {  	_ =	sdelay $0x3  }
0x18b: {  	vm2 =	vmand vm1, vm0;
	vm3 =	vcmask $0x704  }
0x18c: {  	vm3 =	vmand vm1, vm3  }
0x18d: {  	vm4 =	vcmask $0xB08  }
0x18e: {  	vm5 =	vcmask $0xF0C;
	vm4 =	vmand vm1, vm4  }
0x18f: {  	vm6 =	vcmask $0x1310;
	vm5 =	vmand vm1, vm5  }
0x190: {  	vm7 =	vcmask $0x1714;
	vm6 =	vmand vm1, vm6  }
0x191: {  	vm7 =	vmand vm1, vm7;
	[tilespmem:v5+s9+$0x0] =	vst.idx.add.f32.msk vm2, v4;
	vm2 =	vcmask $0x1B18  }
0x192: {  	vm2 =	vmand vm1, vm2;
	[tilespmem:v5+s9+$0x0] =	vst.idx.add.f32.msk vm3, v4;
	vm3 =	vcmask $0x1F1C  }
0x193: {  	vm3 =	vmand vm1, vm3  }
0x194: {  	[tilespmem:v5+s9+$0x0] =	vst.idx.add.f32.msk vm4, v4;
	vm4 =	vmand vm1, vm8  }
0x195: {  	[tilespmem:v5+s9+$0x0] =	vst.idx.add.f32.msk vm5, v4;
	vm5 =	vmand vm1, vm9  }
0x196: {  	[tilespmem:v5+s9+$0x0] =	vst.idx.add.f32.msk vm6, v4;
	vm6 =	vmand vm1, vm10  }
0x197: {  	[tilespmem:v5+s9+$0x0] =	vst.idx.add.f32.msk vm7, v4;
	vm7 =	vmand vm1, vm11  }
0x198: {  	[tilespmem:v5+s9+$0x0] =	vst.idx.add.f32.msk vm2, v4;
	vm2 =	vmand vm1, vm12  }
0x199: {  	[tilespmem:v5+s9+$0x0] =	vst.idx.add.f32.msk vm3, v4;
	vm3 =	vmand vm1, vm13  }
0x19a: {  	[tilespmem:v5+s9+$0x0] =	vst.idx.add.f32.msk vm4, v4;
	vm4 =	vmand vm1, vm14  }
0x19b: {  	[tilespmem:v5+s9+$0x0] =	vst.idx.add.f32.msk vm5, v4  }
0x19c: {  	[tilespmem:v5+s9+$0x0] =	vst.idx.add.f32.msk vm6, v4  }
0x19d: {  	[tilespmem:v5+s9+$0x0] =	vst.idx.add.f32.msk vm7, v4  }
0x19e: {  	[tilespmem:v5+s9+$0x0] =	vst.idx.add.f32.msk vm2, v4  }
0x19f: {  	[tilespmem:v5+s9+$0x0] =	vst.idx.add.f32.msk vm3, v4  }
0x1a0: {  	vm1 =	vmand vm1, vm15;
	[tilespmem:v5+s9+$0x0] =	vst.idx.add.f32.msk vm4, v4  }
.LBB2_41:
0x1a1: {  	_ =	sdelay $0x4  }
0x1a2: {  	[tilespmem:v5+s9+$0x0] =	vst.idx.add.f32.msk vm1, v4  }
.LBB2_42:
0x1a3: {  	v4 =	vld [tilespmem:s21+$0x12030];
	_ =	sdelay $0x4  }
0x1a4: {  	vm1 =	vge.s32 v4, v0;
	vm2 =	vlt.s32 v4, v1  }
0x1a5: {  	vm1 =	vmand vm1, vm2  }
0x1a6: {  	v5 =	vsel vm1, $0x3F800000, v2  }
0x1a7: {  	(xrf0) =	vmax.scan.msk.f32 $0xffff, v5;
	_ =	sdelay $0x5  }
0x1a8: {  	v5, _, _ =	vpop (xrf0)  }
0x1a9: {  	(v2sf) =	vpush v5, $0xF;
	_ =	sdelay $0xe  }
0x1aa: {  	s22 =	spop (v2sf)  }
0x1ab: {  	p0 =	sgt.f32 s22, $0.0e+00  }
.Ltmp32:
0x1ac: {  	_ = 	snop;
	(pc) =	sbr.rel @!p0 .LBB2_47-.Ltmp32, $1  }
0x1ad: {  	_ =	sdelay $0x3  }
0x1ae: {  	v5 =	vsel vm1, $0x1, v3  }
0x1af: {  	(xrf0) =	vadd.scan.msk.s32 $0xffff, v5;
	_ =	sdelay $0x5  }
0x1b0: {  	v5, _, _ =	vpop (xrf0)  }
0x1b1: {  	(v2sf) =	vpush v5, $0xF;
	_ =	sdelay $0xe  }
0x1b2: {  	v5 =	vld [tilespmem:s21+$0x13930];
	s22 =	spop (v2sf)  }
0x1b3: {  	p0 =	seq.s32 s22, $0x1  }
.Ltmp33:
0x1b4: {  	v4 =	vsub.s32 v4, v0;
	(pc) =	sbr.rel @p0 .LBB2_46-.Ltmp33, $3  }
0x1b5: {  	v4 =	vmul.u32 $0x600, v4;
	_ =	sdelay $0x1  }
0x1b6: {  	v5 =	vadd.s32 v4, v5  }
0x1b7: {  	v4 =	vld [tilespmem:s21+$0x15230];
	v5 =	vnsel vm1, $0x0, v5  }
0x1b8: {  	p0 =	slt.s32 s22, $0x2  }
.Ltmp34:
0x1b9: {  	_ = 	snop;
	(pc) =	sbr.rel @p0 .LBB2_47-.Ltmp34, $1  }
0x1ba: {  	_ =	sdelay $0x3  }
0x1bb: {  	vm2 =	vmand vm1, vm0;
	vm3 =	vcmask $0x704  }
0x1bc: {  	vm3 =	vmand vm1, vm3  }
0x1bd: {  	vm4 =	vcmask $0xB08  }
0x1be: {  	vm5 =	vcmask $0xF0C;
	vm4 =	vmand vm1, vm4  }
0x1bf: {  	vm6 =	vcmask $0x1310;
	vm5 =	vmand vm1, vm5  }
0x1c0: {  	vm7 =	vcmask $0x1714;
	vm6 =	vmand vm1, vm6  }
0x1c1: {  	vm7 =	vmand vm1, vm7;
	[tilespmem:v5+s9+$0x0] =	vst.idx.add.f32.msk vm2, v4;
	vm2 =	vcmask $0x1B18  }
0x1c2: {  	vm2 =	vmand vm1, vm2;
	[tilespmem:v5+s9+$0x0] =	vst.idx.add.f32.msk vm3, v4;
	vm3 =	vcmask $0x1F1C  }
0x1c3: {  	vm3 =	vmand vm1, vm3  }
0x1c4: {  	[tilespmem:v5+s9+$0x0] =	vst.idx.add.f32.msk vm4, v4;
	vm4 =	vmand vm1, vm8  }
0x1c5: {  	[tilespmem:v5+s9+$0x0] =	vst.idx.add.f32.msk vm5, v4;
	vm5 =	vmand vm1, vm9  }
0x1c6: {  	[tilespmem:v5+s9+$0x0] =	vst.idx.add.f32.msk vm6, v4;
	vm6 =	vmand vm1, vm10  }
0x1c7: {  	[tilespmem:v5+s9+$0x0] =	vst.idx.add.f32.msk vm7, v4;
	vm7 =	vmand vm1, vm11  }
0x1c8: {  	[tilespmem:v5+s9+$0x0] =	vst.idx.add.f32.msk vm2, v4;
	vm2 =	vmand vm1, vm12  }
0x1c9: {  	[tilespmem:v5+s9+$0x0] =	vst.idx.add.f32.msk vm3, v4;
	vm3 =	vmand vm1, vm13  }
0x1ca: {  	[tilespmem:v5+s9+$0x0] =	vst.idx.add.f32.msk vm4, v4;
	vm4 =	vmand vm1, vm14  }
0x1cb: {  	[tilespmem:v5+s9+$0x0] =	vst.idx.add.f32.msk vm5, v4  }
.Ltmp35:
0x1cc: {  	[tilespmem:v5+s9+$0x0] =	vst.idx.add.f32.msk vm6, v4;
	(pc) =	sbr.rel .LBB2_46-.Ltmp35, $4  }
0x1cd: {  	[tilespmem:v5+s9+$0x0] =	vst.idx.add.f32.msk vm7, v4  }
0x1ce: {  	[tilespmem:v5+s9+$0x0] =	vst.idx.add.f32.msk vm2, v4  }
0x1cf: {  	[tilespmem:v5+s9+$0x0] =	vst.idx.add.f32.msk vm3, v4  }
0x1d0: {  	vm1 =	vmand vm1, vm15;
	[tilespmem:v5+s9+$0x0] =	vst.idx.add.f32.msk vm4, v4  }
.LBB2_50:
0x1d1: {  	_ =	sfence.sel $0x180000  }
0x1d2: {  	[bflag:$0x0] =	sbarrier.arrive $0xFFFF  }
0x1d3: {  	p0 =	sne.s32 s0, $0x0;
	_ =	strace $0x90000047  }
0x1d4: {  	s0 =	sadd.s32 @!p0 $0x100000, s6;
	[bflag:$0x2] =	sbarrier.arrive $0xFFFF  }
0x1d5: {  	[sflag:s0] =	ssyncadd.tile.s32 @!p0 $0x1;
	_ =	shalt  }
.Lfunc_end2:
_tile_overlayer_lowered:
.L_overlay_start_2:
0x1d6: {  	(tag) =	ssettag $0x2  }
0x1d7: {  	s0 =	rddreg [dreg:$0x0];
	s2 =	stileid.u32  }
0x1d8: {  	s1 =	rddreg [dreg:$0x1];
	p0 =	sne.s32 s2, $0x0  }
0x1d9: {  	s3 =	rddreg [dreg:$0x2];
	[bflag:$0x3] =	sbarrier.arrive $0xFFFF;
	s2 =	simm.s32 @!p0 $0x1C01  }
0x1da: {  	[timem:s3], [sflag:s2] =	dma.local @!p0 [hbm:s0], s1  }
0x1db: {  	s0 =	simm.s32 @!p0 $0x1  }
0x1dc: {  	_ =	swait.ge @!p0 [sflag:s0], s1  }
0x1dd: {  	s1 =	ssub.s32 @!p0 $0x0, s1;
	[sflag:s0] =	ssyncset.done @!p0 $0x0  }
0x1de: {  	[sflag:s0] =	ssyncadd.s32 @!p0 s1  }
0x1df: {  	[bflag:$0x3] =	sbarrier.arrive $0xFFFF  }
0x1e0: {  	_ =	shalt  }

</sc_bundles>
